<compile_context>
chip_gen: v7x
topology: tpu7x:2x2x1
jax: 0.10.2.dev20260603
libtpu: 0.0.44.dev20260713+nightly
codegen_flags: <defaults>
</compile_context>

<pallas_src>
import functools
import math

import jax
import jax.numpy as jnp
from jax import lax
from jax.experimental import pallas as pl
from jax.experimental.pallas import tpu as pltpu
from jax.experimental.pallas import tpu_sc as plsc

D_MODEL = 128
SCALE = math.sqrt(D_MODEL)

C = 128
NBUF = 3


def _make_sc_lookup(S: int, T: int, D: int):
    info = plsc.get_sparse_core_info()
    NC, NS, L = info.num_cores, info.num_subcores, info.num_lanes
    NW = NC * NS
    assert T == NW * C
    n_chunks = S
    n_steady = (n_chunks - 2 * NBUF) // NBUF

    mesh = plsc.VectorSubcoreMesh(core_axis_name="c", subcore_axis_name="s")

    @functools.partial(
        pl.kernel,
        mesh=mesh,
        out_type=jax.ShapeDtypeStruct((S, T, D), jnp.float32),
        scratch_types=[
            pltpu.VMEM((S, C), jnp.int32),
            pltpu.VMEM((NBUF, C, D), jnp.float32),
            pltpu.VMEM((NBUF, C, D), jnp.float32),
        ] + [pltpu.SemaphoreType.DMA] * (2 * NBUF),
    )
    def lookup(idx_hbm, table_hbm, out_hbm, idx_v, gbufs, sbufs, *sems):
        gsems, ssems = sems[:NBUF], sems[NBUF:]
        wid = lax.axis_index("s") * NC + lax.axis_index("c")
        tok0 = wid * C
        pltpu.sync_copy(idx_hbm.at[pl.ds(0, 8), pl.ds(tok0, C)],
                        idx_v.at[pl.ds(0, 8)])

        def g_start(j, b):
            pltpu.make_async_copy(
                table_hbm.at[idx_v.at[j]], gbufs.at[b], gsems[b]).start()

        def g_wait(b):
            pltpu.make_async_copy(
                table_hbm.at[idx_v.at[0]], gbufs.at[b], gsems[b]).wait()

        def s_start(j, b):
            pltpu.make_async_copy(
                sbufs.at[b], out_hbm.at[j, pl.ds(tok0, C)], ssems[b]).start()

        def s_wait(b):
            pltpu.make_async_copy(
                sbufs.at[b], out_hbm.at[0, pl.ds(tok0, C)], ssems[b]).wait()

        def scale_chunk(b):
            def row(r, carry):
                for c8 in range(D // L):
                    sl = pl.ds(c8 * L, L)
                    sbufs[b, r, sl] = gbufs[b, r, sl] * SCALE
                return carry
            lax.fori_loop(0, C, row, 0)

        for j in range(NBUF):
            g_start(j, j)

        pltpu.sync_copy(idx_hbm.at[pl.ds(8, S - 8), pl.ds(tok0, C)],
                        idx_v.at[pl.ds(8, S - 8)])

        for b in range(NBUF):
            g_wait(b)
            scale_chunk(b)
            s_start(b, b)
            g_start(b + NBUF, b)

        def outer(g, carry):
            for b in range(NBUF):
                j = NBUF * g + b
                g_wait(b)
                s_wait(b)
                scale_chunk(b)
                g_start(j + NBUF, b)
                s_start(j, b)
            return carry
        lax.fori_loop(1, 1 + n_steady, outer, 0)

        for j in range(NBUF + n_steady * NBUF, n_chunks):
            b = j % NBUF
            g_wait(b)
            s_wait(b)
            scale_chunk(b)
            s_start(j, b)
            if j + NBUF < n_chunks:
                g_start(j + NBUF, b)

        for j in range(n_chunks - NBUF, n_chunks):
            s_wait(j % NBUF)

    return lookup


def kernel(x, lut_weight):
    n_tok, seq = x.shape
    vocab, d = lut_weight.shape
    xt = jnp.swapaxes(x, 0, 1).astype(jnp.int32)
    out = _make_sc_lookup(seq, n_tok, d)(xt, lut_weight)
    return jnp.transpose(out, (1, 0, 2))

# --- scband reference (transcript-rebuilt; emitter-appended) ---
"""Pipeline reference for scband-embedding-15625091023519 (READ-ONLY COPY).

The authoritative reference and input builder live on the scoring server;
editing this copy changes nothing except your own understanding.
"""

import math
import jax, jax.numpy as jnp
import numpy as np

D_MODEL = 128
VOCAB = 100000
APPLY_WEIGHT_EMBED = True


def setup_inputs(seed: int = 0) -> dict:
    key = jax.random.key(seed)
    k1, k2 = jax.random.split(key)
    x = jax.random.randint(k1, (4096, 50), 0, VOCAB, dtype=jnp.int64 if jax.config.jax_enable_x64 else jnp.int32)
    lut_weight = jax.random.normal(k2, (VOCAB, D_MODEL), dtype=jnp.float32)
    return {"x": x, "lut_weight": lut_weight}


def reference(x, lut_weight):
    # nn.Embedding lookup -> gather rows of the table
    lut_x = jnp.take(lut_weight, x, axis=0)
    if APPLY_WEIGHT_EMBED:
        lut_x = lut_x * math.sqrt(D_MODEL)
    return lut_x

if __name__ == "__main__":
    import jax
    _d = setup_inputs()
    print(jax.jit(kernel)(*tuple(_d.values())))

</pallas_src>

<mosaic_0001>
#map = affine_map<(d0, d1) -> (0, 0)>
#map1 = affine_map<(d0, d1) -> (0, 0, 0)>
module attributes {stable_mosaic.version = 14 : i64} {
  func.func @lookup(%arg0: i32, %arg1: i32, %arg2: memref<50x4096xi32, #tpu.memory_space<hbm>>, %arg3: memref<100000x128xf32, #tpu.memory_space<hbm>>, %arg4: memref<50x4096x128xf32, #tpu.memory_space<hbm>>, %arg5: memref<50x128xi32, #tpu.memory_space<vmem>>, %arg6: memref<3x128x128xf32, #tpu.memory_space<vmem>>, %arg7: memref<3x128x128xf32, #tpu.memory_space<vmem>>, %arg8: memref<!tpu.dma_semaphore, #tpu.memory_space<semaphore_mem>>, %arg9: memref<!tpu.dma_semaphore, #tpu.memory_space<semaphore_mem>>, %arg10: memref<!tpu.dma_semaphore, #tpu.memory_space<semaphore_mem>>, %arg11: memref<!tpu.dma_semaphore, #tpu.memory_space<semaphore_mem>>, %arg12: memref<!tpu.dma_semaphore, #tpu.memory_space<semaphore_mem>>, %arg13: memref<!tpu.dma_semaphore, #tpu.memory_space<semaphore_mem>>) attributes {dimension_semantics = [#tpu.dimension_semantics<core_parallel>, #tpu.dimension_semantics<subcore_parallel>], iteration_bounds = array<i64: 2, 16>, scalar_prefetch = 0 : i64, scratch_operands = 9 : i64, tpu.core_type = #tpu.core_type<sc_vector_subcore>, window_params = [{transform_indices = #map}, {transform_indices = #map}, {transform_indices = #map1}]} {
    %mul3A = arith.constant 2 : i32
    %mul3A_0 = arith.muli %arg1, %mul3A : i32
    %add3A = arith.addi %mul3A_0, %arg0 : i32
    %mul3A_1 = arith.constant 128 : i32
    %mul3A_2 = arith.muli %add3A, %mul3A_1 : i32
    "tpu.region"() ({
      %run_scoped3A = tpu.sem_alloc : memref<!tpu.dma_semaphore, #tpu.memory_space<semaphore_mem>>
      %dma_start3A_502 = arith.constant 0 : i32
      %dma_start3A_503 = arith.constant 0 : i32
      %dma_start3A_504 = tpu.memref_slice %arg5[%dma_start3A_502, %dma_start3A_503] : memref<50x128xi32, #tpu.memory_space<vmem>> -> memref<8x128xi32, #tpu.memory_space<vmem>>
      %dma_start3A_505 = arith.constant 0 : i32
      %dma_start3A_506 = tpu.memref_slice %arg2[%dma_start3A_505, %mul3A_2] : memref<50x4096xi32, #tpu.memory_space<hbm>> -> memref<8x128xi32, #tpu.memory_space<hbm>>
      %dma_start3A_507 = arith.constant 0 : i32
      %dma_start3A_508 = arith.constant 0 : i32
      %dma_start3A_509 = tpu.memref_slice %arg5[%dma_start3A_507, %dma_start3A_508] : memref<50x128xi32, #tpu.memory_space<vmem>> -> memref<8x128xi32, #tpu.memory_space<vmem>>
      %dma_start3A_510 = arith.constant 0 : i32
      %dma_start3A_511 = tpu.memref_slice %arg2[%dma_start3A_510, %mul3A_2] : memref<50x4096xi32, #tpu.memory_space<hbm>> -> memref<8x128xi32, #tpu.memory_space<hbm>>
      tpu.enqueue_dma source(%dma_start3A_511 : memref<8x128xi32, #tpu.memory_space<hbm>>) target(%dma_start3A_509 : memref<8x128xi32, #tpu.memory_space<vmem>>) target_semaphore(%run_scoped3A : memref<!tpu.dma_semaphore, #tpu.memory_space<semaphore_mem>>)
      %dma_wait3A_512 = arith.constant 0 : i32
      %dma_wait3A_513 = arith.constant 0 : i32
      %dma_wait3A_514 = tpu.memref_slice %arg5[%dma_wait3A_512, %dma_wait3A_513] : memref<50x128xi32, #tpu.memory_space<vmem>> -> memref<8x128xi32, #tpu.memory_space<vmem>>
      %dma_wait3A_515 = arith.constant 0 : i32
      %dma_wait3A_516 = tpu.memref_slice %arg2[%dma_wait3A_515, %mul3A_2] : memref<50x4096xi32, #tpu.memory_space<hbm>> -> memref<8x128xi32, #tpu.memory_space<hbm>>
      %dma_wait3A_517 = arith.constant 0 : i32
      %dma_wait3A_518 = arith.constant 0 : i32
      %dma_wait3A_519 = tpu.memref_slice %arg5[%dma_wait3A_517, %dma_wait3A_518] : memref<50x128xi32, #tpu.memory_space<vmem>> -> memref<8x128xi32, #tpu.memory_space<vmem>>
      %dma_wait3A_520 = arith.constant 0 : i32
      %dma_wait3A_521 = tpu.memref_slice %arg2[%dma_wait3A_520, %mul3A_2] : memref<50x4096xi32, #tpu.memory_space<hbm>> -> memref<8x128xi32, #tpu.memory_space<hbm>>
      tpu.wait_dma2 semaphore(%run_scoped3A : memref<!tpu.dma_semaphore, #tpu.memory_space<semaphore_mem>>) src(%dma_wait3A_521 : memref<8x128xi32, #tpu.memory_space<hbm>>) dst(%dma_wait3A_519 : memref<8x128xi32, #tpu.memory_space<vmem>>)
      tpu.yield
    }) : () -> ()
    %dma_start3A = arith.constant 0 : i32
    %dma_start3A_3 = arith.constant 0 : i32
    %dma_start3A_4 = arith.constant 0 : i32
    %dma_start3A_5 = arith.constant 0 : i32
    %dma_start3A_6 = tpu.memref_slice %arg6[%dma_start3A_3, %dma_start3A_4, %dma_start3A_5] : memref<3x128x128xf32, #tpu.memory_space<vmem>> -> memref<1x128x128xf32, #tpu.memory_space<vmem>>
    %dma_start3A_7 = tpu.memref_squeeze %dma_start3A_6 : memref<1x128x128xf32, #tpu.memory_space<vmem>> -> memref<128x128xf32, #tpu.memory_space<vmem>>
    %dma_start3A_8 = arith.constant 0 : i32
    %dma_start3A_9 = tpu.memref_slice %arg5[%dma_start3A, %dma_start3A_8] : memref<50x128xi32, #tpu.memory_space<vmem>> -> memref<1x128xi32, #tpu.memory_space<vmem>>
    %dma_start3A_10 = tpu.memref_squeeze %dma_start3A_9 : memref<1x128xi32, #tpu.memory_space<vmem>> -> memref<128xi32, #tpu.memory_space<vmem>>
    %dma_start3A_11 = arith.constant 0 : i32
    %dma_start3A_12 = arith.constant 0 : i32
    %dma_start3A_13 = tpu.memref_slice %arg3[%dma_start3A_11, %dma_start3A_12] : memref<100000x128xf32, #tpu.memory_space<hbm>> -> memref<100000x128xf32, #tpu.memory_space<hbm>>
    tpu.enqueue_indirect_dma source(%dma_start3A_13 : memref<100000x128xf32, #tpu.memory_space<hbm>>) target(%dma_start3A_7 : memref<128x128xf32, #tpu.memory_space<vmem>>) offsets(%dma_start3A_10 : memref<128xi32, #tpu.memory_space<vmem>>) semaphore(%arg8 : memref<!tpu.dma_semaphore, #tpu.memory_space<semaphore_mem>>)
    %dma_start3A_14 = arith.constant 1 : i32
    %dma_start3A_15 = arith.constant 1 : i32
    %dma_start3A_16 = arith.constant 0 : i32
    %dma_start3A_17 = arith.constant 0 : i32
    %dma_start3A_18 = tpu.memref_slice %arg6[%dma_start3A_15, %dma_start3A_16, %dma_start3A_17] : memref<3x128x128xf32, #tpu.memory_space<vmem>> -> memref<1x128x128xf32, #tpu.memory_space<vmem>>
    %dma_start3A_19 = tpu.memref_squeeze %dma_start3A_18 : memref<1x128x128xf32, #tpu.memory_space<vmem>> -> memref<128x128xf32, #tpu.memory_space<vmem>>
    %dma_start3A_20 = arith.constant 0 : i32
    %dma_start3A_21 = tpu.memref_slice %arg5[%dma_start3A_14, %dma_start3A_20] : memref<50x128xi32, #tpu.memory_space<vmem>> -> memref<1x128xi32, #tpu.memory_space<vmem>>
    %dma_start3A_22 = tpu.memref_squeeze %dma_start3A_21 : memref<1x128xi32, #tpu.memory_space<vmem>> -> memref<128xi32, #tpu.memory_space<vmem>>
    %dma_start3A_23 = arith.constant 0 : i32
    %dma_start3A_24 = arith.constant 0 : i32
    %dma_start3A_25 = tpu.memref_slice %arg3[%dma_start3A_23, %dma_start3A_24] : memref<100000x128xf32, #tpu.memory_space<hbm>> -> memref<100000x128xf32, #tpu.memory_space<hbm>>
    tpu.enqueue_indirect_dma source(%dma_start3A_25 : memref<100000x128xf32, #tpu.memory_space<hbm>>) target(%dma_start3A_19 : memref<128x128xf32, #tpu.memory_space<vmem>>) offsets(%dma_start3A_22 : memref<128xi32, #tpu.memory_space<vmem>>) semaphore(%arg9 : memref<!tpu.dma_semaphore, #tpu.memory_space<semaphore_mem>>)
    %dma_start3A_26 = arith.constant 2 : i32
    %dma_start3A_27 = arith.constant 2 : i32
    %dma_start3A_28 = arith.constant 0 : i32
    %dma_start3A_29 = arith.constant 0 : i32
    %dma_start3A_30 = tpu.memref_slice %arg6[%dma_start3A_27, %dma_start3A_28, %dma_start3A_29] : memref<3x128x128xf32, #tpu.memory_space<vmem>> -> memref<1x128x128xf32, #tpu.memory_space<vmem>>
    %dma_start3A_31 = tpu.memref_squeeze %dma_start3A_30 : memref<1x128x128xf32, #tpu.memory_space<vmem>> -> memref<128x128xf32, #tpu.memory_space<vmem>>
    %dma_start3A_32 = arith.constant 0 : i32
    %dma_start3A_33 = tpu.memref_slice %arg5[%dma_start3A_26, %dma_start3A_32] : memref<50x128xi32, #tpu.memory_space<vmem>> -> memref<1x128xi32, #tpu.memory_space<vmem>>
    %dma_start3A_34 = tpu.memref_squeeze %dma_start3A_33 : memref<1x128xi32, #tpu.memory_space<vmem>> -> memref<128xi32, #tpu.memory_space<vmem>>
    %dma_start3A_35 = arith.constant 0 : i32
    %dma_start3A_36 = arith.constant 0 : i32
    %dma_start3A_37 = tpu.memref_slice %arg3[%dma_start3A_35, %dma_start3A_36] : memref<100000x128xf32, #tpu.memory_space<hbm>> -> memref<100000x128xf32, #tpu.memory_space<hbm>>
    tpu.enqueue_indirect_dma source(%dma_start3A_37 : memref<100000x128xf32, #tpu.memory_space<hbm>>) target(%dma_start3A_31 : memref<128x128xf32, #tpu.memory_space<vmem>>) offsets(%dma_start3A_34 : memref<128xi32, #tpu.memory_space<vmem>>) semaphore(%arg10 : memref<!tpu.dma_semaphore, #tpu.memory_space<semaphore_mem>>)
    "tpu.region"() ({
      %run_scoped3A = tpu.sem_alloc : memref<!tpu.dma_semaphore, #tpu.memory_space<semaphore_mem>>
      %dma_start3A_502 = arith.constant 8 : i32
      %dma_start3A_503 = arith.constant 0 : i32
      %dma_start3A_504 = tpu.memref_slice %arg5[%dma_start3A_502, %dma_start3A_503] : memref<50x128xi32, #tpu.memory_space<vmem>> -> memref<42x128xi32, #tpu.memory_space<vmem>>
      %dma_start3A_505 = arith.constant 8 : i32
      %dma_start3A_506 = tpu.memref_slice %arg2[%dma_start3A_505, %mul3A_2] : memref<50x4096xi32, #tpu.memory_space<hbm>> -> memref<42x128xi32, #tpu.memory_space<hbm>>
      %dma_start3A_507 = arith.constant 8 : i32
      %dma_start3A_508 = arith.constant 0 : i32
      %dma_start3A_509 = tpu.memref_slice %arg5[%dma_start3A_507, %dma_start3A_508] : memref<50x128xi32, #tpu.memory_space<vmem>> -> memref<42x128xi32, #tpu.memory_space<vmem>>
      %dma_start3A_510 = arith.constant 8 : i32
      %dma_start3A_511 = tpu.memref_slice %arg2[%dma_start3A_510, %mul3A_2] : memref<50x4096xi32, #tpu.memory_space<hbm>> -> memref<42x128xi32, #tpu.memory_space<hbm>>
      tpu.enqueue_dma source(%dma_start3A_511 : memref<42x128xi32, #tpu.memory_space<hbm>>) target(%dma_start3A_509 : memref<42x128xi32, #tpu.memory_space<vmem>>) target_semaphore(%run_scoped3A : memref<!tpu.dma_semaphore, #tpu.memory_space<semaphore_mem>>)
      %dma_wait3A_512 = arith.constant 8 : i32
      %dma_wait3A_513 = arith.constant 0 : i32
      %dma_wait3A_514 = tpu.memref_slice %arg5[%dma_wait3A_512, %dma_wait3A_513] : memref<50x128xi32, #tpu.memory_space<vmem>> -> memref<42x128xi32, #tpu.memory_space<vmem>>
      %dma_wait3A_515 = arith.constant 8 : i32
      %dma_wait3A_516 = tpu.memref_slice %arg2[%dma_wait3A_515, %mul3A_2] : memref<50x4096xi32, #tpu.memory_space<hbm>> -> memref<42x128xi32, #tpu.memory_space<hbm>>
      %dma_wait3A_517 = arith.constant 8 : i32
      %dma_wait3A_518 = arith.constant 0 : i32
      %dma_wait3A_519 = tpu.memref_slice %arg5[%dma_wait3A_517, %dma_wait3A_518] : memref<50x128xi32, #tpu.memory_space<vmem>> -> memref<42x128xi32, #tpu.memory_space<vmem>>
      %dma_wait3A_520 = arith.constant 8 : i32
      %dma_wait3A_521 = tpu.memref_slice %arg2[%dma_wait3A_520, %mul3A_2] : memref<50x4096xi32, #tpu.memory_space<hbm>> -> memref<42x128xi32, #tpu.memory_space<hbm>>
      tpu.wait_dma2 semaphore(%run_scoped3A : memref<!tpu.dma_semaphore, #tpu.memory_space<semaphore_mem>>) src(%dma_wait3A_521 : memref<42x128xi32, #tpu.memory_space<hbm>>) dst(%dma_wait3A_519 : memref<42x128xi32, #tpu.memory_space<vmem>>)
      tpu.yield
    }) : () -> ()
    %dma_wait3A = arith.constant 0 : i32
    %dma_wait3A_38 = arith.constant 0 : i32
    %dma_wait3A_39 = arith.constant 0 : i32
    %dma_wait3A_40 = arith.constant 0 : i32
    %dma_wait3A_41 = tpu.memref_slice %arg6[%dma_wait3A_38, %dma_wait3A_39, %dma_wait3A_40] : memref<3x128x128xf32, #tpu.memory_space<vmem>> -> memref<1x128x128xf32, #tpu.memory_space<vmem>>
    %dma_wait3A_42 = tpu.memref_squeeze %dma_wait3A_41 : memref<1x128x128xf32, #tpu.memory_space<vmem>> -> memref<128x128xf32, #tpu.memory_space<vmem>>
    %dma_wait3A_43 = arith.constant 0 : i32
    %dma_wait3A_44 = tpu.memref_slice %arg5[%dma_wait3A, %dma_wait3A_43] : memref<50x128xi32, #tpu.memory_space<vmem>> -> memref<1x128xi32, #tpu.memory_space<vmem>>
    %dma_wait3A_45 = tpu.memref_squeeze %dma_wait3A_44 : memref<1x128xi32, #tpu.memory_space<vmem>> -> memref<128xi32, #tpu.memory_space<vmem>>
    %dma_wait3A_46 = arith.constant 0 : i32
    %dma_wait3A_47 = arith.constant 0 : i32
    %dma_wait3A_48 = tpu.memref_slice %arg3[%dma_wait3A_46, %dma_wait3A_47] : memref<100000x128xf32, #tpu.memory_space<hbm>> -> memref<100000x128xf32, #tpu.memory_space<hbm>>
    tpu.wait_indirect_dma semaphore(%arg8 : memref<!tpu.dma_semaphore, #tpu.memory_space<semaphore_mem>>) src(%dma_wait3A_48 : memref<100000x128xf32, #tpu.memory_space<hbm>>) dst(%dma_wait3A_42 : memref<128x128xf32, #tpu.memory_space<vmem>>)
    %scan3A = arith.constant 0 : i32
    %scan3A_49 = arith.constant 0 : i32
    %scan3A_50 = arith.constant 128 : i32
    %scan3A_51 = arith.addi %scan3A_49, %scan3A_50 : i32
    %scan3A_52 = arith.constant 1 : i32
    scf.for %scan3A_502 = %scan3A_49 to %scan3A_51 step %scan3A_52  : i32 {
      %get3A = arith.constant 0 : i32
      %get3A_503 = arith.index_cast %get3A : i32 to index
      %get3A_504 = arith.index_cast %scan3A_502 : i32 to index
      %get3A_505 = arith.constant 0 : index
      %get3A_506 = tpu.vector_load %arg6[%get3A_503, %get3A_504, %get3A_505] {strides = array<i32>} : memref<3x128x128xf32, #tpu.memory_space<vmem>>, vector<1x1x16xf32>,
      %get3A_507 = vector.shape_cast %get3A_506 : vector<1x1x16xf32> to vector<16xf32>
      %mul3A_508 = arith.constant 11.3137083 : f32
      %mul3A_509 = vector.broadcast %mul3A_508 : f32 to vector<16xf32>
      %mul3A_510 = arith.mulf %get3A_507, %mul3A_509 : vector<16xf32>
      %swap3A = arith.constant 0 : i32
      %swap3A_511 = arith.index_cast %swap3A : i32 to index
      %swap3A_512 = arith.index_cast %scan3A_502 : i32 to index
      %swap3A_513 = arith.constant 0 : index
      %swap3A_514 = tpu.vector_load %arg7[%swap3A_511, %swap3A_512, %swap3A_513] {strides = array<i32>} : memref<3x128x128xf32, #tpu.memory_space<vmem>>, vector<1x1x16xf32>,
      %swap3A_515 = vector.shape_cast %swap3A_514 : vector<1x1x16xf32> to vector<16xf32>
      %swap3A_516 = vector.shape_cast %mul3A_510 : vector<16xf32> to vector<1x1x16xf32>
      tpu.vector_store %arg7[%swap3A_511, %swap3A_512, %swap3A_513], %swap3A_516 {strides = array<i32>} : memref<3x128x128xf32, #tpu.memory_space<vmem>>, vector<1x1x16xf32>,
      %get3A_517 = arith.constant 0 : i32
      %get3A_518 = arith.index_cast %get3A_517 : i32 to index
      %get3A_519 = arith.index_cast %scan3A_502 : i32 to index
      %get3A_520 = arith.constant 16 : index
      %get3A_521 = tpu.vector_load %arg6[%get3A_518, %get3A_519, %get3A_520] {strides = array<i32>} : memref<3x128x128xf32, #tpu.memory_space<vmem>>, vector<1x1x16xf32>,
      %get3A_522 = vector.shape_cast %get3A_521 : vector<1x1x16xf32> to vector<16xf32>
      %mul3A_523 = arith.constant 11.3137083 : f32
      %mul3A_524 = vector.broadcast %mul3A_523 : f32 to vector<16xf32>
      %mul3A_525 = arith.mulf %get3A_522, %mul3A_524 : vector<16xf32>
      %swap3A_526 = arith.constant 0 : i32
      %swap3A_527 = arith.index_cast %swap3A_526 : i32 to index
      %swap3A_528 = arith.index_cast %scan3A_502 : i32 to index
      %swap3A_529 = arith.constant 16 : index
      %swap3A_530 = tpu.vector_load %arg7[%swap3A_527, %swap3A_528, %swap3A_529] {strides = array<i32>} : memref<3x128x128xf32, #tpu.memory_space<vmem>>, vector<1x1x16xf32>,
      %swap3A_531 = vector.shape_cast %swap3A_530 : vector<1x1x16xf32> to vector<16xf32>
      %swap3A_532 = vector.shape_cast %mul3A_525 : vector<16xf32> to vector<1x1x16xf32>
      tpu.vector_store %arg7[%swap3A_527, %swap3A_528, %swap3A_529], %swap3A_532 {strides = array<i32>} : memref<3x128x128xf32, #tpu.memory_space<vmem>>, vector<1x1x16xf32>,
      %get3A_533 = arith.constant 0 : i32
      %get3A_534 = arith.index_cast %get3A_533 : i32 to index
      %get3A_535 = arith.index_cast %scan3A_502 : i32 to index
      %get3A_536 = arith.constant 32 : index
      %get3A_537 = tpu.vector_load %arg6[%get3A_534, %get3A_535, %get3A_536] {strides = array<i32>} : memref<3x128x128xf32, #tpu.memory_space<vmem>>, vector<1x1x16xf32>,
      %get3A_538 = vector.shape_cast %get3A_537 : vector<1x1x16xf32> to vector<16xf32>
      %mul3A_539 = arith.constant 11.3137083 : f32
      %mul3A_540 = vector.broadcast %mul3A_539 : f32 to vector<16xf32>
      %mul3A_541 = arith.mulf %get3A_538, %mul3A_540 : vector<16xf32>
      %swap3A_542 = arith.constant 0 : i32
      %swap3A_543 = arith.index_cast %swap3A_542 : i32 to index
      %swap3A_544 = arith.index_cast %scan3A_502 : i32 to index
      %swap3A_545 = arith.constant 32 : index
      %swap3A_546 = tpu.vector_load %arg7[%swap3A_543, %swap3A_544, %swap3A_545] {strides = array<i32>} : memref<3x128x128xf32, #tpu.memory_space<vmem>>, vector<1x1x16xf32>,
      %swap3A_547 = vector.shape_cast %swap3A_546 : vector<1x1x16xf32> to vector<16xf32>
      %swap3A_548 = vector.shape_cast %mul3A_541 : vector<16xf32> to vector<1x1x16xf32>
      tpu.vector_store %arg7[%swap3A_543, %swap3A_544, %swap3A_545], %swap3A_548 {strides = array<i32>} : memref<3x128x128xf32, #tpu.memory_space<vmem>>, vector<1x1x16xf32>,
      %get3A_549 = arith.constant 0 : i32
      %get3A_550 = arith.index_cast %get3A_549 : i32 to index
      %get3A_551 = arith.index_cast %scan3A_502 : i32 to index
      %get3A_552 = arith.constant 48 : index
      %get3A_553 = tpu.vector_load %arg6[%get3A_550, %get3A_551, %get3A_552] {strides = array<i32>} : memref<3x128x128xf32, #tpu.memory_space<vmem>>, vector<1x1x16xf32>,
      %get3A_554 = vector.shape_cast %get3A_553 : vector<1x1x16xf32> to vector<16xf32>
      %mul3A_555 = arith.constant 11.3137083 : f32
      %mul3A_556 = vector.broadcast %mul3A_555 : f32 to vector<16xf32>
      %mul3A_557 = arith.mulf %get3A_554, %mul3A_556 : vector<16xf32>
      %swap3A_558 = arith.constant 0 : i32
      %swap3A_559 = arith.index_cast %swap3A_558 : i32 to index
      %swap3A_560 = arith.index_cast %scan3A_502 : i32 to index
      %swap3A_561 = arith.constant 48 : index
      %swap3A_562 = tpu.vector_load %arg7[%swap3A_559, %swap3A_560, %swap3A_561] {strides = array<i32>} : memref<3x128x128xf32, #tpu.memory_space<vmem>>, vector<1x1x16xf32>,
      %swap3A_563 = vector.shape_cast %swap3A_562 : vector<1x1x16xf32> to vector<16xf32>
      %swap3A_564 = vector.shape_cast %mul3A_557 : vector<16xf32> to vector<1x1x16xf32>
      tpu.vector_store %arg7[%swap3A_559, %swap3A_560, %swap3A_561], %swap3A_564 {strides = array<i32>} : memref<3x128x128xf32, #tpu.memory_space<vmem>>, vector<1x1x16xf32>,
      %get3A_565 = arith.constant 0 : i32
      %get3A_566 = arith.index_cast %get3A_565 : i32 to index
      %get3A_567 = arith.index_cast %scan3A_502 : i32 to index
      %get3A_568 = arith.constant 64 : index
      %get3A_569 = tpu.vector_load %arg6[%get3A_566, %get3A_567, %get3A_568] {strides = array<i32>} : memref<3x128x128xf32, #tpu.memory_space<vmem>>, vector<1x1x16xf32>,
      %get3A_570 = vector.shape_cast %get3A_569 : vector<1x1x16xf32> to vector<16xf32>
      %mul3A_571 = arith.constant 11.3137083 : f32
      %mul3A_572 = vector.broadcast %mul3A_571 : f32 to vector<16xf32>
      %mul3A_573 = arith.mulf %get3A_570, %mul3A_572 : vector<16xf32>
      %swap3A_574 = arith.constant 0 : i32
      %swap3A_575 = arith.index_cast %swap3A_574 : i32 to index
      %swap3A_576 = arith.index_cast %scan3A_502 : i32 to index
      %swap3A_577 = arith.constant 64 : index
      %swap3A_578 = tpu.vector_load %arg7[%swap3A_575, %swap3A_576, %swap3A_577] {strides = array<i32>} : memref<3x128x128xf32, #tpu.memory_space<vmem>>, vector<1x1x16xf32>,
      %swap3A_579 = vector.shape_cast %swap3A_578 : vector<1x1x16xf32> to vector<16xf32>
      %swap3A_580 = vector.shape_cast %mul3A_573 : vector<16xf32> to vector<1x1x16xf32>
      tpu.vector_store %arg7[%swap3A_575, %swap3A_576, %swap3A_577], %swap3A_580 {strides = array<i32>} : memref<3x128x128xf32, #tpu.memory_space<vmem>>, vector<1x1x16xf32>,
      %get3A_581 = arith.constant 0 : i32
      %get3A_582 = arith.index_cast %get3A_581 : i32 to index
      %get3A_583 = arith.index_cast %scan3A_502 : i32 to index
      %get3A_584 = arith.constant 80 : index
      %get3A_585 = tpu.vector_load %arg6[%get3A_582, %get3A_583, %get3A_584] {strides = array<i32>} : memref<3x128x128xf32, #tpu.memory_space<vmem>>, vector<1x1x16xf32>,
      %get3A_586 = vector.shape_cast %get3A_585 : vector<1x1x16xf32> to vector<16xf32>
      %mul3A_587 = arith.constant 11.3137083 : f32
      %mul3A_588 = vector.broadcast %mul3A_587 : f32 to vector<16xf32>
      %mul3A_589 = arith.mulf %get3A_586, %mul3A_588 : vector<16xf32>
      %swap3A_590 = arith.constant 0 : i32
      %swap3A_591 = arith.index_cast %swap3A_590 : i32 to index
      %swap3A_592 = arith.index_cast %scan3A_502 : i32 to index
      %swap3A_593 = arith.constant 80 : index
      %swap3A_594 = tpu.vector_load %arg7[%swap3A_591, %swap3A_592, %swap3A_593] {strides = array<i32>} : memref<3x128x128xf32, #tpu.memory_space<vmem>>, vector<1x1x16xf32>,
      %swap3A_595 = vector.shape_cast %swap3A_594 : vector<1x1x16xf32> to vector<16xf32>
      %swap3A_596 = vector.shape_cast %mul3A_589 : vector<16xf32> to vector<1x1x16xf32>
      tpu.vector_store %arg7[%swap3A_591, %swap3A_592, %swap3A_593], %swap3A_596 {strides = array<i32>} : memref<3x128x128xf32, #tpu.memory_space<vmem>>, vector<1x1x16xf32>,
      %get3A_597 = arith.constant 0 : i32
      %get3A_598 = arith.index_cast %get3A_597 : i32 to index
      %get3A_599 = arith.index_cast %scan3A_502 : i32 to index
      %get3A_600 = arith.constant 96 : index
      %get3A_601 = tpu.vector_load %arg6[%get3A_598, %get3A_599, %get3A_600] {strides = array<i32>} : memref<3x128x128xf32, #tpu.memory_space<vmem>>, vector<1x1x16xf32>,
      %get3A_602 = vector.shape_cast %get3A_601 : vector<1x1x16xf32> to vector<16xf32>
      %mul3A_603 = arith.constant 11.3137083 : f32
      %mul3A_604 = vector.broadcast %mul3A_603 : f32 to vector<16xf32>
      %mul3A_605 = arith.mulf %get3A_602, %mul3A_604 : vector<16xf32>
      %swap3A_606 = arith.constant 0 : i32
      %swap3A_607 = arith.index_cast %swap3A_606 : i32 to index
      %swap3A_608 = arith.index_cast %scan3A_502 : i32 to index
      %swap3A_609 = arith.constant 96 : index
      %swap3A_610 = tpu.vector_load %arg7[%swap3A_607, %swap3A_608, %swap3A_609] {strides = array<i32>} : memref<3x128x128xf32, #tpu.memory_space<vmem>>, vector<1x1x16xf32>,
      %swap3A_611 = vector.shape_cast %swap3A_610 : vector<1x1x16xf32> to vector<16xf32>
      %swap3A_612 = vector.shape_cast %mul3A_605 : vector<16xf32> to vector<1x1x16xf32>
      tpu.vector_store %arg7[%swap3A_607, %swap3A_608, %swap3A_609], %swap3A_612 {strides = array<i32>} : memref<3x128x128xf32, #tpu.memory_space<vmem>>, vector<1x1x16xf32>,
      %get3A_613 = arith.constant 0 : i32
      %get3A_614 = arith.index_cast %get3A_613 : i32 to index
      %get3A_615 = arith.index_cast %scan3A_502 : i32 to index
      %get3A_616 = arith.constant 112 : index
      %get3A_617 = tpu.vector_load %arg6[%get3A_614, %get3A_615, %get3A_616] {strides = array<i32>} : memref<3x128x128xf32, #tpu.memory_space<vmem>>, vector<1x1x16xf32>,
      %get3A_618 = vector.shape_cast %get3A_617 : vector<1x1x16xf32> to vector<16xf32>
      %mul3A_619 = arith.constant 11.3137083 : f32
      %mul3A_620 = vector.broadcast %mul3A_619 : f32 to vector<16xf32>
      %mul3A_621 = arith.mulf %get3A_618, %mul3A_620 : vector<16xf32>
      %swap3A_622 = arith.constant 0 : i32
      %swap3A_623 = arith.index_cast %swap3A_622 : i32 to index
      %swap3A_624 = arith.index_cast %scan3A_502 : i32 to index
      %swap3A_625 = arith.constant 112 : index
      %swap3A_626 = tpu.vector_load %arg7[%swap3A_623, %swap3A_624, %swap3A_625] {strides = array<i32>} : memref<3x128x128xf32, #tpu.memory_space<vmem>>, vector<1x1x16xf32>,
      %swap3A_627 = vector.shape_cast %swap3A_626 : vector<1x1x16xf32> to vector<16xf32>
      %swap3A_628 = vector.shape_cast %mul3A_621 : vector<16xf32> to vector<1x1x16xf32>
      tpu.vector_store %arg7[%swap3A_623, %swap3A_624, %swap3A_625], %swap3A_628 {strides = array<i32>} : memref<3x128x128xf32, #tpu.memory_space<vmem>>, vector<1x1x16xf32>,
    }
    %scan3A_53 = arith.constant 128 : i32
    %dma_start3A_54 = arith.constant 0 : i32
    %dma_start3A_55 = arith.constant 0 : i32
    %dma_start3A_56 = arith.constant 0 : i32
    %dma_start3A_57 = arith.constant 0 : i32
    %dma_start3A_58 = tpu.memref_slice %arg7[%dma_start3A_54, %dma_start3A_56, %dma_start3A_57] : memref<3x128x128xf32, #tpu.memory_space<vmem>> -> memref<1x128x128xf32, #tpu.memory_space<vmem>>
    %dma_start3A_59 = tpu.memref_squeeze %dma_start3A_58 : memref<1x128x128xf32, #tpu.memory_space<vmem>> -> memref<128x128xf32, #tpu.memory_space<vmem>>
    %dma_start3A_60 = arith.constant 0 : i32
    %dma_start3A_61 = tpu.memref_slice %arg4[%dma_start3A_55, %mul3A_2, %dma_start3A_60] : memref<50x4096x128xf32, #tpu.memory_space<hbm>> -> memref<1x128x128xf32, #tpu.memory_space<hbm>>
    %dma_start3A_62 = tpu.memref_squeeze %dma_start3A_61 : memref<1x128x128xf32, #tpu.memory_space<hbm>> -> memref<128x128xf32, #tpu.memory_space<hbm>>
    %dma_start3A_63 = arith.constant 0 : i32
    %dma_start3A_64 = tpu.memref_slice %arg4[%dma_start3A_55, %mul3A_2, %dma_start3A_63] : memref<50x4096x128xf32, #tpu.memory_space<hbm>> -> memref<1x128x128xf32, #tpu.memory_space<hbm>>
    %dma_start3A_65 = tpu.memref_squeeze %dma_start3A_64 : memref<1x128x128xf32, #tpu.memory_space<hbm>> -> memref<128x128xf32, #tpu.memory_space<hbm>>
    %dma_start3A_66 = arith.constant 0 : i32
    %dma_start3A_67 = arith.constant 0 : i32
    %dma_start3A_68 = tpu.memref_slice %arg7[%dma_start3A_54, %dma_start3A_66, %dma_start3A_67] : memref<3x128x128xf32, #tpu.memory_space<vmem>> -> memref<1x128x128xf32, #tpu.memory_space<vmem>>
    %dma_start3A_69 = tpu.memref_squeeze %dma_start3A_68 : memref<1x128x128xf32, #tpu.memory_space<vmem>> -> memref<128x128xf32, #tpu.memory_space<vmem>>
    tpu.enqueue_dma source(%dma_start3A_69 : memref<128x128xf32, #tpu.memory_space<vmem>>) target(%dma_start3A_65 : memref<128x128xf32, #tpu.memory_space<hbm>>) target_semaphore(%arg11 : memref<!tpu.dma_semaphore, #tpu.memory_space<semaphore_mem>>)
    %dma_start3A_70 = arith.constant 3 : i32
    %dma_start3A_71 = arith.constant 0 : i32
    %dma_start3A_72 = arith.constant 0 : i32
    %dma_start3A_73 = arith.constant 0 : i32
    %dma_start3A_74 = tpu.memref_slice %arg6[%dma_start3A_71, %dma_start3A_72, %dma_start3A_73] : memref<3x128x128xf32, #tpu.memory_space<vmem>> -> memref<1x128x128xf32, #tpu.memory_space<vmem>>
    %dma_start3A_75 = tpu.memref_squeeze %dma_start3A_74 : memref<1x128x128xf32, #tpu.memory_space<vmem>> -> memref<128x128xf32, #tpu.memory_space<vmem>>
    %dma_start3A_76 = arith.constant 0 : i32
    %dma_start3A_77 = tpu.memref_slice %arg5[%dma_start3A_70, %dma_start3A_76] : memref<50x128xi32, #tpu.memory_space<vmem>> -> memref<1x128xi32, #tpu.memory_space<vmem>>
    %dma_start3A_78 = tpu.memref_squeeze %dma_start3A_77 : memref<1x128xi32, #tpu.memory_space<vmem>> -> memref<128xi32, #tpu.memory_space<vmem>>
    %dma_start3A_79 = arith.constant 0 : i32
    %dma_start3A_80 = arith.constant 0 : i32
    %dma_start3A_81 = tpu.memref_slice %arg3[%dma_start3A_79, %dma_start3A_80] : memref<100000x128xf32, #tpu.memory_space<hbm>> -> memref<100000x128xf32, #tpu.memory_space<hbm>>
    tpu.enqueue_indirect_dma source(%dma_start3A_81 : memref<100000x128xf32, #tpu.memory_space<hbm>>) target(%dma_start3A_75 : memref<128x128xf32, #tpu.memory_space<vmem>>) offsets(%dma_start3A_78 : memref<128xi32, #tpu.memory_space<vmem>>) semaphore(%arg8 : memref<!tpu.dma_semaphore, #tpu.memory_space<semaphore_mem>>)
    %dma_wait3A_82 = arith.constant 0 : i32
    %dma_wait3A_83 = arith.constant 1 : i32
    %dma_wait3A_84 = arith.constant 0 : i32
    %dma_wait3A_85 = arith.constant 0 : i32
    %dma_wait3A_86 = tpu.memref_slice %arg6[%dma_wait3A_83, %dma_wait3A_84, %dma_wait3A_85] : memref<3x128x128xf32, #tpu.memory_space<vmem>> -> memref<1x128x128xf32, #tpu.memory_space<vmem>>
    %dma_wait3A_87 = tpu.memref_squeeze %dma_wait3A_86 : memref<1x128x128xf32, #tpu.memory_space<vmem>> -> memref<128x128xf32, #tpu.memory_space<vmem>>
    %dma_wait3A_88 = arith.constant 0 : i32
    %dma_wait3A_89 = tpu.memref_slice %arg5[%dma_wait3A_82, %dma_wait3A_88] : memref<50x128xi32, #tpu.memory_space<vmem>> -> memref<1x128xi32, #tpu.memory_space<vmem>>
    %dma_wait3A_90 = tpu.memref_squeeze %dma_wait3A_89 : memref<1x128xi32, #tpu.memory_space<vmem>> -> memref<128xi32, #tpu.memory_space<vmem>>
    %dma_wait3A_91 = arith.constant 0 : i32
    %dma_wait3A_92 = arith.constant 0 : i32
    %dma_wait3A_93 = tpu.memref_slice %arg3[%dma_wait3A_91, %dma_wait3A_92] : memref<100000x128xf32, #tpu.memory_space<hbm>> -> memref<100000x128xf32, #tpu.memory_space<hbm>>
    tpu.wait_indirect_dma semaphore(%arg9 : memref<!tpu.dma_semaphore, #tpu.memory_space<semaphore_mem>>) src(%dma_wait3A_93 : memref<100000x128xf32, #tpu.memory_space<hbm>>) dst(%dma_wait3A_87 : memref<128x128xf32, #tpu.memory_space<vmem>>)
    %scan3A_94 = arith.constant 0 : i32
    %scan3A_95 = arith.constant 0 : i32
    %scan3A_96 = arith.constant 128 : i32
    %scan3A_97 = arith.addi %scan3A_95, %scan3A_96 : i32
    %scan3A_98 = arith.constant 1 : i32
    scf.for %scan3A_502 = %scan3A_95 to %scan3A_97 step %scan3A_98  : i32 {
      %get3A = arith.constant 1 : i32
      %get3A_503 = arith.index_cast %get3A : i32 to index
      %get3A_504 = arith.index_cast %scan3A_502 : i32 to index
      %get3A_505 = arith.constant 0 : index
      %get3A_506 = tpu.vector_load %arg6[%get3A_503, %get3A_504, %get3A_505] {strides = array<i32>} : memref<3x128x128xf32, #tpu.memory_space<vmem>>, vector<1x1x16xf32>,
      %get3A_507 = vector.shape_cast %get3A_506 : vector<1x1x16xf32> to vector<16xf32>
      %mul3A_508 = arith.constant 11.3137083 : f32
      %mul3A_509 = vector.broadcast %mul3A_508 : f32 to vector<16xf32>
      %mul3A_510 = arith.mulf %get3A_507, %mul3A_509 : vector<16xf32>
      %swap3A = arith.constant 1 : i32
      %swap3A_511 = arith.index_cast %swap3A : i32 to index
      %swap3A_512 = arith.index_cast %scan3A_502 : i32 to index
      %swap3A_513 = arith.constant 0 : index
      %swap3A_514 = tpu.vector_load %arg7[%swap3A_511, %swap3A_512, %swap3A_513] {strides = array<i32>} : memref<3x128x128xf32, #tpu.memory_space<vmem>>, vector<1x1x16xf32>,
      %swap3A_515 = vector.shape_cast %swap3A_514 : vector<1x1x16xf32> to vector<16xf32>
      %swap3A_516 = vector.shape_cast %mul3A_510 : vector<16xf32> to vector<1x1x16xf32>
      tpu.vector_store %arg7[%swap3A_511, %swap3A_512, %swap3A_513], %swap3A_516 {strides = array<i32>} : memref<3x128x128xf32, #tpu.memory_space<vmem>>, vector<1x1x16xf32>,
      %get3A_517 = arith.constant 1 : i32
      %get3A_518 = arith.index_cast %get3A_517 : i32 to index
      %get3A_519 = arith.index_cast %scan3A_502 : i32 to index
      %get3A_520 = arith.constant 16 : index
      %get3A_521 = tpu.vector_load %arg6[%get3A_518, %get3A_519, %get3A_520] {strides = array<i32>} : memref<3x128x128xf32, #tpu.memory_space<vmem>>, vector<1x1x16xf32>,
      %get3A_522 = vector.shape_cast %get3A_521 : vector<1x1x16xf32> to vector<16xf32>
      %mul3A_523 = arith.constant 11.3137083 : f32
      %mul3A_524 = vector.broadcast %mul3A_523 : f32 to vector<16xf32>
      %mul3A_525 = arith.mulf %get3A_522, %mul3A_524 : vector<16xf32>
      %swap3A_526 = arith.constant 1 : i32
      %swap3A_527 = arith.index_cast %swap3A_526 : i32 to index
      %swap3A_528 = arith.index_cast %scan3A_502 : i32 to index
      %swap3A_529 = arith.constant 16 : index
      %swap3A_530 = tpu.vector_load %arg7[%swap3A_527, %swap3A_528, %swap3A_529] {strides = array<i32>} : memref<3x128x128xf32, #tpu.memory_space<vmem>>, vector<1x1x16xf32>,
      %swap3A_531 = vector.shape_cast %swap3A_530 : vector<1x1x16xf32> to vector<16xf32>
      %swap3A_532 = vector.shape_cast %mul3A_525 : vector<16xf32> to vector<1x1x16xf32>
      tpu.vector_store %arg7[%swap3A_527, %swap3A_528, %swap3A_529], %swap3A_532 {strides = array<i32>} : memref<3x128x128xf32, #tpu.memory_space<vmem>>, vector<1x1x16xf32>,
      %get3A_533 = arith.constant 1 : i32
      %get3A_534 = arith.index_cast %get3A_533 : i32 to index
      %get3A_535 = arith.index_cast %scan3A_502 : i32 to index
      %get3A_536 = arith.constant 32 : index
      %get3A_537 = tpu.vector_load %arg6[%get3A_534, %get3A_535, %get3A_536] {strides = array<i32>} : memref<3x128x128xf32, #tpu.memory_space<vmem>>, vector<1x1x16xf32>,
      %get3A_538 = vector.shape_cast %get3A_537 : vector<1x1x16xf32> to vector<16xf32>
      %mul3A_539 = arith.constant 11.3137083 : f32
      %mul3A_540 = vector.broadcast %mul3A_539 : f32 to vector<16xf32>
      %mul3A_541 = arith.mulf %get3A_538, %mul3A_540 : vector<16xf32>
      %swap3A_542 = arith.constant 1 : i32
      %swap3A_543 = arith.index_cast %swap3A_542 : i32 to index
      %swap3A_544 = arith.index_cast %scan3A_502 : i32 to index
      %swap3A_545 = arith.constant 32 : index
      %swap3A_546 = tpu.vector_load %arg7[%swap3A_543, %swap3A_544, %swap3A_545] {strides = array<i32>} : memref<3x128x128xf32, #tpu.memory_space<vmem>>, vector<1x1x16xf32>,
      %swap3A_547 = vector.shape_cast %swap3A_546 : vector<1x1x16xf32> to vector<16xf32>
      %swap3A_548 = vector.shape_cast %mul3A_541 : vector<16xf32> to vector<1x1x16xf32>
      tpu.vector_store %arg7[%swap3A_543, %swap3A_544, %swap3A_545], %swap3A_548 {strides = array<i32>} : memref<3x128x128xf32, #tpu.memory_space<vmem>>, vector<1x1x16xf32>,
      %get3A_549 = arith.constant 1 : i32
      %get3A_550 = arith.index_cast %get3A_549 : i32 to index
      %get3A_551 = arith.index_cast %scan3A_502 : i32 to index
      %get3A_552 = arith.constant 48 : index
      %get3A_553 = tpu.vector_load %arg6[%get3A_550, %get3A_551, %get3A_552] {strides = array<i32>} : memref<3x128x128xf32, #tpu.memory_space<vmem>>, vector<1x1x16xf32>,
      %get3A_554 = vector.shape_cast %get3A_553 : vector<1x1x16xf32> to vector<16xf32>
      %mul3A_555 = arith.constant 11.3137083 : f32
      %mul3A_556 = vector.broadcast %mul3A_555 : f32 to vector<16xf32>
      %mul3A_557 = arith.mulf %get3A_554, %mul3A_556 : vector<16xf32>
      %swap3A_558 = arith.constant 1 : i32
      %swap3A_559 = arith.index_cast %swap3A_558 : i32 to index
      %swap3A_560 = arith.index_cast %scan3A_502 : i32 to index
      %swap3A_561 = arith.constant 48 : index
      %swap3A_562 = tpu.vector_load %arg7[%swap3A_559, %swap3A_560, %swap3A_561] {strides = array<i32>} : memref<3x128x128xf32, #tpu.memory_space<vmem>>, vector<1x1x16xf32>,
      %swap3A_563 = vector.shape_cast %swap3A_562 : vector<1x1x16xf32> to vector<16xf32>
      %swap3A_564 = vector.shape_cast %mul3A_557 : vector<16xf32> to vector<1x1x16xf32>
      tpu.vector_store %arg7[%swap3A_559, %swap3A_560, %swap3A_561], %swap3A_564 {strides = array<i32>} : memref<3x128x128xf32, #tpu.memory_space<vmem>>, vector<1x1x16xf32>,
      %get3A_565 = arith.constant 1 : i32
      %get3A_566 = arith.index_cast %get3A_565 : i32 to index
      %get3A_567 = arith.index_cast %scan3A_502 : i32 to index
      %get3A_568 = arith.constant 64 : index
      %get3A_569 = tpu.vector_load %arg6[%get3A_566, %get3A_567, %get3A_568] {strides = array<i32>} : memref<3x128x128xf32, #tpu.memory_space<vmem>>, vector<1x1x16xf32>,
      %get3A_570 = vector.shape_cast %get3A_569 : vector<1x1x16xf32> to vector<16xf32>
      %mul3A_571 = arith.constant 11.3137083 : f32
      %mul3A_572 = vector.broadcast %mul3A_571 : f32 to vector<16xf32>
      %mul3A_573 = arith.mulf %get3A_570, %mul3A_572 : vector<16xf32>
      %swap3A_574 = arith.constant 1 : i32
      %swap3A_575 = arith.index_cast %swap3A_574 : i32 to index
      %swap3A_576 = arith.index_cast %scan3A_502 : i32 to index
      %swap3A_577 = arith.constant 64 : index
      %swap3A_578 = tpu.vector_load %arg7[%swap3A_575, %swap3A_576, %swap3A_577] {strides = array<i32>} : memref<3x128x128xf32, #tpu.memory_space<vmem>>, vector<1x1x16xf32>,
      %swap3A_579 = vector.shape_cast %swap3A_578 : vector<1x1x16xf32> to vector<16xf32>
      %swap3A_580 = vector.shape_cast %mul3A_573 : vector<16xf32> to vector<1x1x16xf32>
      tpu.vector_store %arg7[%swap3A_575, %swap3A_576, %swap3A_577], %swap3A_580 {strides = array<i32>} : memref<3x128x128xf32, #tpu.memory_space<vmem>>, vector<1x1x16xf32>,
      %get3A_581 = arith.constant 1 : i32
      %get3A_582 = arith.index_cast %get3A_581 : i32 to index
      %get3A_583 = arith.index_cast %scan3A_502 : i32 to index
      %get3A_584 = arith.constant 80 : index
      %get3A_585 = tpu.vector_load %arg6[%get3A_582, %get3A_583, %get3A_584] {strides = array<i32>} : memref<3x128x128xf32, #tpu.memory_space<vmem>>, vector<1x1x16xf32>,
      %get3A_586 = vector.shape_cast %get3A_585 : vector<1x1x16xf32> to vector<16xf32>
      %mul3A_587 = arith.constant 11.3137083 : f32
      %mul3A_588 = vector.broadcast %mul3A_587 : f32 to vector<16xf32>
      %mul3A_589 = arith.mulf %get3A_586, %mul3A_588 : vector<16xf32>
      %swap3A_590 = arith.constant 1 : i32
      %swap3A_591 = arith.index_cast %swap3A_590 : i32 to index
      %swap3A_592 = arith.index_cast %scan3A_502 : i32 to index
      %swap3A_593 = arith.constant 80 : index
      %swap3A_594 = tpu.vector_load %arg7[%swap3A_591, %swap3A_592, %swap3A_593] {strides = array<i32>} : memref<3x128x128xf32, #tpu.memory_space<vmem>>, vector<1x1x16xf32>,
      %swap3A_595 = vector.shape_cast %swap3A_594 : vector<1x1x16xf32> to vector<16xf32>
      %swap3A_596 = vector.shape_cast %mul3A_589 : vector<16xf32> to vector<1x1x16xf32>
      tpu.vector_store %arg7[%swap3A_591, %swap3A_592, %swap3A_593], %swap3A_596 {strides = array<i32>} : memref<3x128x128xf32, #tpu.memory_space<vmem>>, vector<1x1x16xf32>,
      %get3A_597 = arith.constant 1 : i32
      %get3A_598 = arith.index_cast %get3A_597 : i32 to index
      %get3A_599 = arith.index_cast %scan3A_502 : i32 to index
      %get3A_600 = arith.constant 96 : index
      %get3A_601 = tpu.vector_load %arg6[%get3A_598, %get3A_599, %get3A_600] {strides = array<i32>} : memref<3x128x128xf32, #tpu.memory_space<vmem>>, vector<1x1x16xf32>,
      %get3A_602 = vector.shape_cast %get3A_601 : vector<1x1x16xf32> to vector<16xf32>
      %mul3A_603 = arith.constant 11.3137083 : f32
      %mul3A_604 = vector.broadcast %mul3A_603 : f32 to vector<16xf32>
      %mul3A_605 = arith.mulf %get3A_602, %mul3A_604 : vector<16xf32>
      %swap3A_606 = arith.constant 1 : i32
      %swap3A_607 = arith.index_cast %swap3A_606 : i32 to index
      %swap3A_608 = arith.index_cast %scan3A_502 : i32 to index
      %swap3A_609 = arith.constant 96 : index
      %swap3A_610 = tpu.vector_load %arg7[%swap3A_607, %swap3A_608, %swap3A_609] {strides = array<i32>} : memref<3x128x128xf32, #tpu.memory_space<vmem>>, vector<1x1x16xf32>,
      %swap3A_611 = vector.shape_cast %swap3A_610 : vector<1x1x16xf32> to vector<16xf32>
      %swap3A_612 = vector.shape_cast %mul3A_605 : vector<16xf32> to vector<1x1x16xf32>
      tpu.vector_store %arg7[%swap3A_607, %swap3A_608, %swap3A_609], %swap3A_612 {strides = array<i32>} : memref<3x128x128xf32, #tpu.memory_space<vmem>>, vector<1x1x16xf32>,
      %get3A_613 = arith.constant 1 : i32
      %get3A_614 = arith.index_cast %get3A_613 : i32 to index
      %get3A_615 = arith.index_cast %scan3A_502 : i32 to index
      %get3A_616 = arith.constant 112 : index
      %get3A_617 = tpu.vector_load %arg6[%get3A_614, %get3A_615, %get3A_616] {strides = array<i32>} : memref<3x128x128xf32, #tpu.memory_space<vmem>>, vector<1x1x16xf32>,
      %get3A_618 = vector.shape_cast %get3A_617 : vector<1x1x16xf32> to vector<16xf32>
      %mul3A_619 = arith.constant 11.3137083 : f32
      %mul3A_620 = vector.broadcast %mul3A_619 : f32 to vector<16xf32>
      %mul3A_621 = arith.mulf %get3A_618, %mul3A_620 : vector<16xf32>
      %swap3A_622 = arith.constant 1 : i32
      %swap3A_623 = arith.index_cast %swap3A_622 : i32 to index
      %swap3A_624 = arith.index_cast %scan3A_502 : i32 to index
      %swap3A_625 = arith.constant 112 : index
      %swap3A_626 = tpu.vector_load %arg7[%swap3A_623, %swap3A_624, %swap3A_625] {strides = array<i32>} : memref<3x128x128xf32, #tpu.memory_space<vmem>>, vector<1x1x16xf32>,
      %swap3A_627 = vector.shape_cast %swap3A_626 : vector<1x1x16xf32> to vector<16xf32>
      %swap3A_628 = vector.shape_cast %mul3A_621 : vector<16xf32> to vector<1x1x16xf32>
      tpu.vector_store %arg7[%swap3A_623, %swap3A_624, %swap3A_625], %swap3A_628 {strides = array<i32>} : memref<3x128x128xf32, #tpu.memory_space<vmem>>, vector<1x1x16xf32>,
    }
    %scan3A_99 = arith.constant 128 : i32
    %dma_start3A_100 = arith.constant 1 : i32
    %dma_start3A_101 = arith.constant 1 : i32
    %dma_start3A_102 = arith.constant 0 : i32
    %dma_start3A_103 = arith.constant 0 : i32
    %dma_start3A_104 = tpu.memref_slice %arg7[%dma_start3A_100, %dma_start3A_102, %dma_start3A_103] : memref<3x128x128xf32, #tpu.memory_space<vmem>> -> memref<1x128x128xf32, #tpu.memory_space<vmem>>
    %dma_start3A_105 = tpu.memref_squeeze %dma_start3A_104 : memref<1x128x128xf32, #tpu.memory_space<vmem>> -> memref<128x128xf32, #tpu.memory_space<vmem>>
    %dma_start3A_106 = arith.constant 0 : i32
    %dma_start3A_107 = tpu.memref_slice %arg4[%dma_start3A_101, %mul3A_2, %dma_start3A_106] : memref<50x4096x128xf32, #tpu.memory_space<hbm>> -> memref<1x128x128xf32, #tpu.memory_space<hbm>>
    %dma_start3A_108 = tpu.memref_squeeze %dma_start3A_107 : memref<1x128x128xf32, #tpu.memory_space<hbm>> -> memref<128x128xf32, #tpu.memory_space<hbm>>
    %dma_start3A_109 = arith.constant 0 : i32
    %dma_start3A_110 = tpu.memref_slice %arg4[%dma_start3A_101, %mul3A_2, %dma_start3A_109] : memref<50x4096x128xf32, #tpu.memory_space<hbm>> -> memref<1x128x128xf32, #tpu.memory_space<hbm>>
    %dma_start3A_111 = tpu.memref_squeeze %dma_start3A_110 : memref<1x128x128xf32, #tpu.memory_space<hbm>> -> memref<128x128xf32, #tpu.memory_space<hbm>>
    %dma_start3A_112 = arith.constant 0 : i32
    %dma_start3A_113 = arith.constant 0 : i32
    %dma_start3A_114 = tpu.memref_slice %arg7[%dma_start3A_100, %dma_start3A_112, %dma_start3A_113] : memref<3x128x128xf32, #tpu.memory_space<vmem>> -> memref<1x128x128xf32, #tpu.memory_space<vmem>>
    %dma_start3A_115 = tpu.memref_squeeze %dma_start3A_114 : memref<1x128x128xf32, #tpu.memory_space<vmem>> -> memref<128x128xf32, #tpu.memory_space<vmem>>
    tpu.enqueue_dma source(%dma_start3A_115 : memref<128x128xf32, #tpu.memory_space<vmem>>) target(%dma_start3A_111 : memref<128x128xf32, #tpu.memory_space<hbm>>) target_semaphore(%arg12 : memref<!tpu.dma_semaphore, #tpu.memory_space<semaphore_mem>>)
    %dma_start3A_116 = arith.constant 4 : i32
    %dma_start3A_117 = arith.constant 1 : i32
    %dma_start3A_118 = arith.constant 0 : i32
    %dma_start3A_119 = arith.constant 0 : i32
    %dma_start3A_120 = tpu.memref_slice %arg6[%dma_start3A_117, %dma_start3A_118, %dma_start3A_119] : memref<3x128x128xf32, #tpu.memory_space<vmem>> -> memref<1x128x128xf32, #tpu.memory_space<vmem>>
    %dma_start3A_121 = tpu.memref_squeeze %dma_start3A_120 : memref<1x128x128xf32, #tpu.memory_space<vmem>> -> memref<128x128xf32, #tpu.memory_space<vmem>>
    %dma_start3A_122 = arith.constant 0 : i32
    %dma_start3A_123 = tpu.memref_slice %arg5[%dma_start3A_116, %dma_start3A_122] : memref<50x128xi32, #tpu.memory_space<vmem>> -> memref<1x128xi32, #tpu.memory_space<vmem>>
    %dma_start3A_124 = tpu.memref_squeeze %dma_start3A_123 : memref<1x128xi32, #tpu.memory_space<vmem>> -> memref<128xi32, #tpu.memory_space<vmem>>
    %dma_start3A_125 = arith.constant 0 : i32
    %dma_start3A_126 = arith.constant 0 : i32
    %dma_start3A_127 = tpu.memref_slice %arg3[%dma_start3A_125, %dma_start3A_126] : memref<100000x128xf32, #tpu.memory_space<hbm>> -> memref<100000x128xf32, #tpu.memory_space<hbm>>
    tpu.enqueue_indirect_dma source(%dma_start3A_127 : memref<100000x128xf32, #tpu.memory_space<hbm>>) target(%dma_start3A_121 : memref<128x128xf32, #tpu.memory_space<vmem>>) offsets(%dma_start3A_124 : memref<128xi32, #tpu.memory_space<vmem>>) semaphore(%arg9 : memref<!tpu.dma_semaphore, #tpu.memory_space<semaphore_mem>>)
    %dma_wait3A_128 = arith.constant 0 : i32
    %dma_wait3A_129 = arith.constant 2 : i32
    %dma_wait3A_130 = arith.constant 0 : i32
    %dma_wait3A_131 = arith.constant 0 : i32
    %dma_wait3A_132 = tpu.memref_slice %arg6[%dma_wait3A_129, %dma_wait3A_130, %dma_wait3A_131] : memref<3x128x128xf32, #tpu.memory_space<vmem>> -> memref<1x128x128xf32, #tpu.memory_space<vmem>>
    %dma_wait3A_133 = tpu.memref_squeeze %dma_wait3A_132 : memref<1x128x128xf32, #tpu.memory_space<vmem>> -> memref<128x128xf32, #tpu.memory_space<vmem>>
    %dma_wait3A_134 = arith.constant 0 : i32
    %dma_wait3A_135 = tpu.memref_slice %arg5[%dma_wait3A_128, %dma_wait3A_134] : memref<50x128xi32, #tpu.memory_space<vmem>> -> memref<1x128xi32, #tpu.memory_space<vmem>>
    %dma_wait3A_136 = tpu.memref_squeeze %dma_wait3A_135 : memref<1x128xi32, #tpu.memory_space<vmem>> -> memref<128xi32, #tpu.memory_space<vmem>>
    %dma_wait3A_137 = arith.constant 0 : i32
    %dma_wait3A_138 = arith.constant 0 : i32
    %dma_wait3A_139 = tpu.memref_slice %arg3[%dma_wait3A_137, %dma_wait3A_138] : memref<100000x128xf32, #tpu.memory_space<hbm>> -> memref<100000x128xf32, #tpu.memory_space<hbm>>
    tpu.wait_indirect_dma semaphore(%arg10 : memref<!tpu.dma_semaphore, #tpu.memory_space<semaphore_mem>>) src(%dma_wait3A_139 : memref<100000x128xf32, #tpu.memory_space<hbm>>) dst(%dma_wait3A_133 : memref<128x128xf32, #tpu.memory_space<vmem>>)
    %scan3A_140 = arith.constant 0 : i32
    %scan3A_141 = arith.constant 0 : i32
    %scan3A_142 = arith.constant 128 : i32
    %scan3A_143 = arith.addi %scan3A_141, %scan3A_142 : i32
    %scan3A_144 = arith.constant 1 : i32
    scf.for %scan3A_502 = %scan3A_141 to %scan3A_143 step %scan3A_144  : i32 {
      %get3A = arith.constant 2 : i32
      %get3A_503 = arith.index_cast %get3A : i32 to index
      %get3A_504 = arith.index_cast %scan3A_502 : i32 to index
      %get3A_505 = arith.constant 0 : index
      %get3A_506 = tpu.vector_load %arg6[%get3A_503, %get3A_504, %get3A_505] {strides = array<i32>} : memref<3x128x128xf32, #tpu.memory_space<vmem>>, vector<1x1x16xf32>,
      %get3A_507 = vector.shape_cast %get3A_506 : vector<1x1x16xf32> to vector<16xf32>
      %mul3A_508 = arith.constant 11.3137083 : f32
      %mul3A_509 = vector.broadcast %mul3A_508 : f32 to vector<16xf32>
      %mul3A_510 = arith.mulf %get3A_507, %mul3A_509 : vector<16xf32>
      %swap3A = arith.constant 2 : i32
      %swap3A_511 = arith.index_cast %swap3A : i32 to index
      %swap3A_512 = arith.index_cast %scan3A_502 : i32 to index
      %swap3A_513 = arith.constant 0 : index
      %swap3A_514 = tpu.vector_load %arg7[%swap3A_511, %swap3A_512, %swap3A_513] {strides = array<i32>} : memref<3x128x128xf32, #tpu.memory_space<vmem>>, vector<1x1x16xf32>,
      %swap3A_515 = vector.shape_cast %swap3A_514 : vector<1x1x16xf32> to vector<16xf32>
      %swap3A_516 = vector.shape_cast %mul3A_510 : vector<16xf32> to vector<1x1x16xf32>
      tpu.vector_store %arg7[%swap3A_511, %swap3A_512, %swap3A_513], %swap3A_516 {strides = array<i32>} : memref<3x128x128xf32, #tpu.memory_space<vmem>>, vector<1x1x16xf32>,
      %get3A_517 = arith.constant 2 : i32
      %get3A_518 = arith.index_cast %get3A_517 : i32 to index
      %get3A_519 = arith.index_cast %scan3A_502 : i32 to index
      %get3A_520 = arith.constant 16 : index
      %get3A_521 = tpu.vector_load %arg6[%get3A_518, %get3A_519, %get3A_520] {strides = array<i32>} : memref<3x128x128xf32, #tpu.memory_space<vmem>>, vector<1x1x16xf32>,
      %get3A_522 = vector.shape_cast %get3A_521 : vector<1x1x16xf32> to vector<16xf32>
      %mul3A_523 = arith.constant 11.3137083 : f32
      %mul3A_524 = vector.broadcast %mul3A_523 : f32 to vector<16xf32>
      %mul3A_525 = arith.mulf %get3A_522, %mul3A_524 : vector<16xf32>
      %swap3A_526 = arith.constant 2 : i32
      %swap3A_527 = arith.index_cast %swap3A_526 : i32 to index
      %swap3A_528 = arith.index_cast %scan3A_502 : i32 to index
      %swap3A_529 = arith.constant 16 : index
      %swap3A_530 = tpu.vector_load %arg7[%swap3A_527, %swap3A_528, %swap3A_529] {strides = array<i32>} : memref<3x128x128xf32, #tpu.memory_space<vmem>>, vector<1x1x16xf32>,
      %swap3A_531 = vector.shape_cast %swap3A_530 : vector<1x1x16xf32> to vector<16xf32>
      %swap3A_532 = vector.shape_cast %mul3A_525 : vector<16xf32> to vector<1x1x16xf32>
      tpu.vector_store %arg7[%swap3A_527, %swap3A_528, %swap3A_529], %swap3A_532 {strides = array<i32>} : memref<3x128x128xf32, #tpu.memory_space<vmem>>, vector<1x1x16xf32>,
      %get3A_533 = arith.constant 2 : i32
      %get3A_534 = arith.index_cast %get3A_533 : i32 to index
      %get3A_535 = arith.index_cast %scan3A_502 : i32 to index
      %get3A_536 = arith.constant 32 : index
      %get3A_537 = tpu.vector_load %arg6[%get3A_534, %get3A_535, %get3A_536] {strides = array<i32>} : memref<3x128x128xf32, #tpu.memory_space<vmem>>, vector<1x1x16xf32>,
      %get3A_538 = vector.shape_cast %get3A_537 : vector<1x1x16xf32> to vector<16xf32>
      %mul3A_539 = arith.constant 11.3137083 : f32
      %mul3A_540 = vector.broadcast %mul3A_539 : f32 to vector<16xf32>
      %mul3A_541 = arith.mulf %get3A_538, %mul3A_540 : vector<16xf32>
      %swap3A_542 = arith.constant 2 : i32
      %swap3A_543 = arith.index_cast %swap3A_542 : i32 to index
      %swap3A_544 = arith.index_cast %scan3A_502 : i32 to index
      %swap3A_545 = arith.constant 32 : index
      %swap3A_546 = tpu.vector_load %arg7[%swap3A_543, %swap3A_544, %swap3A_545] {strides = array<i32>} : memref<3x128x128xf32, #tpu.memory_space<vmem>>, vector<1x1x16xf32>,
      %swap3A_547 = vector.shape_cast %swap3A_546 : vector<1x1x16xf32> to vector<16xf32>
      %swap3A_548 = vector.shape_cast %mul3A_541 : vector<16xf32> to vector<1x1x16xf32>
      tpu.vector_store %arg7[%swap3A_543, %swap3A_544, %swap3A_545], %swap3A_548 {strides = array<i32>} : memref<3x128x128xf32, #tpu.memory_space<vmem>>, vector<1x1x16xf32>,
      %get3A_549 = arith.constant 2 : i32
      %get3A_550 = arith.index_cast %get3A_549 : i32 to index
      %get3A_551 = arith.index_cast %scan3A_502 : i32 to index
      %get3A_552 = arith.constant 48 : index
      %get3A_553 = tpu.vector_load %arg6[%get3A_550, %get3A_551, %get3A_552] {strides = array<i32>} : memref<3x128x128xf32, #tpu.memory_space<vmem>>, vector<1x1x16xf32>,
      %get3A_554 = vector.shape_cast %get3A_553 : vector<1x1x16xf32> to vector<16xf32>
      %mul3A_555 = arith.constant 11.3137083 : f32
      %mul3A_556 = vector.broadcast %mul3A_555 : f32 to vector<16xf32>
      %mul3A_557 = arith.mulf %get3A_554, %mul3A_556 : vector<16xf32>
      %swap3A_558 = arith.constant 2 : i32
      %swap3A_559 = arith.index_cast %swap3A_558 : i32 to index
      %swap3A_560 = arith.index_cast %scan3A_502 : i32 to index
      %swap3A_561 = arith.constant 48 : index
      %swap3A_562 = tpu.vector_load %arg7[%swap3A_559, %swap3A_560, %swap3A_561] {strides = array<i32>} : memref<3x128x128xf32, #tpu.memory_space<vmem>>, vector<1x1x16xf32>,
      %swap3A_563 = vector.shape_cast %swap3A_562 : vector<1x1x16xf32> to vector<16xf32>
      %swap3A_564 = vector.shape_cast %mul3A_557 : vector<16xf32> to vector<1x1x16xf32>
      tpu.vector_store %arg7[%swap3A_559, %swap3A_560, %swap3A_561], %swap3A_564 {strides = array<i32>} : memref<3x128x128xf32, #tpu.memory_space<vmem>>, vector<1x1x16xf32>,
      %get3A_565 = arith.constant 2 : i32
      %get3A_566 = arith.index_cast %get3A_565 : i32 to index
      %get3A_567 = arith.index_cast %scan3A_502 : i32 to index
      %get3A_568 = arith.constant 64 : index
      %get3A_569 = tpu.vector_load %arg6[%get3A_566, %get3A_567, %get3A_568] {strides = array<i32>} : memref<3x128x128xf32, #tpu.memory_space<vmem>>, vector<1x1x16xf32>,
      %get3A_570 = vector.shape_cast %get3A_569 : vector<1x1x16xf32> to vector<16xf32>
      %mul3A_571 = arith.constant 11.3137083 : f32
      %mul3A_572 = vector.broadcast %mul3A_571 : f32 to vector<16xf32>
      %mul3A_573 = arith.mulf %get3A_570, %mul3A_572 : vector<16xf32>
      %swap3A_574 = arith.constant 2 : i32
      %swap3A_575 = arith.index_cast %swap3A_574 : i32 to index
      %swap3A_576 = arith.index_cast %scan3A_502 : i32 to index
      %swap3A_577 = arith.constant 64 : index
      %swap3A_578 = tpu.vector_load %arg7[%swap3A_575, %swap3A_576, %swap3A_577] {strides = array<i32>} : memref<3x128x128xf32, #tpu.memory_space<vmem>>, vector<1x1x16xf32>,
      %swap3A_579 = vector.shape_cast %swap3A_578 : vector<1x1x16xf32> to vector<16xf32>
      %swap3A_580 = vector.shape_cast %mul3A_573 : vector<16xf32> to vector<1x1x16xf32>
      tpu.vector_store %arg7[%swap3A_575, %swap3A_576, %swap3A_577], %swap3A_580 {strides = array<i32>} : memref<3x128x128xf32, #tpu.memory_space<vmem>>, vector<1x1x16xf32>,
      %get3A_581 = arith.constant 2 : i32
      %get3A_582 = arith.index_cast %get3A_581 : i32 to index
      %get3A_583 = arith.index_cast %scan3A_502 : i32 to index
      %get3A_584 = arith.constant 80 : index
      %get3A_585 = tpu.vector_load %arg6[%get3A_582, %get3A_583, %get3A_584] {strides = array<i32>} : memref<3x128x128xf32, #tpu.memory_space<vmem>>, vector<1x1x16xf32>,
      %get3A_586 = vector.shape_cast %get3A_585 : vector<1x1x16xf32> to vector<16xf32>
      %mul3A_587 = arith.constant 11.3137083 : f32
      %mul3A_588 = vector.broadcast %mul3A_587 : f32 to vector<16xf32>
      %mul3A_589 = arith.mulf %get3A_586, %mul3A_588 : vector<16xf32>
      %swap3A_590 = arith.constant 2 : i32
      %swap3A_591 = arith.index_cast %swap3A_590 : i32 to index
      %swap3A_592 = arith.index_cast %scan3A_502 : i32 to index
      %swap3A_593 = arith.constant 80 : index
      %swap3A_594 = tpu.vector_load %arg7[%swap3A_591, %swap3A_592, %swap3A_593] {strides = array<i32>} : memref<3x128x128xf32, #tpu.memory_space<vmem>>, vector<1x1x16xf32>,
      %swap3A_595 = vector.shape_cast %swap3A_594 : vector<1x1x16xf32> to vector<16xf32>
      %swap3A_596 = vector.shape_cast %mul3A_589 : vector<16xf32> to vector<1x1x16xf32>
      tpu.vector_store %arg7[%swap3A_591, %swap3A_592, %swap3A_593], %swap3A_596 {strides = array<i32>} : memref<3x128x128xf32, #tpu.memory_space<vmem>>, vector<1x1x16xf32>,
      %get3A_597 = arith.constant 2 : i32
      %get3A_598 = arith.index_cast %get3A_597 : i32 to index
      %get3A_599 = arith.index_cast %scan3A_502 : i32 to index
      %get3A_600 = arith.constant 96 : index
      %get3A_601 = tpu.vector_load %arg6[%get3A_598, %get3A_599, %get3A_600] {strides = array<i32>} : memref<3x128x128xf32, #tpu.memory_space<vmem>>, vector<1x1x16xf32>,
      %get3A_602 = vector.shape_cast %get3A_601 : vector<1x1x16xf32> to vector<16xf32>
      %mul3A_603 = arith.constant 11.3137083 : f32
      %mul3A_604 = vector.broadcast %mul3A_603 : f32 to vector<16xf32>
      %mul3A_605 = arith.mulf %get3A_602, %mul3A_604 : vector<16xf32>
      %swap3A_606 = arith.constant 2 : i32
      %swap3A_607 = arith.index_cast %swap3A_606 : i32 to index
      %swap3A_608 = arith.index_cast %scan3A_502 : i32 to index
      %swap3A_609 = arith.constant 96 : index
      %swap3A_610 = tpu.vector_load %arg7[%swap3A_607, %swap3A_608, %swap3A_609] {strides = array<i32>} : memref<3x128x128xf32, #tpu.memory_space<vmem>>, vector<1x1x16xf32>,
      %swap3A_611 = vector.shape_cast %swap3A_610 : vector<1x1x16xf32> to vector<16xf32>
      %swap3A_612 = vector.shape_cast %mul3A_605 : vector<16xf32> to vector<1x1x16xf32>
      tpu.vector_store %arg7[%swap3A_607, %swap3A_608, %swap3A_609], %swap3A_612 {strides = array<i32>} : memref<3x128x128xf32, #tpu.memory_space<vmem>>, vector<1x1x16xf32>,
      %get3A_613 = arith.constant 2 : i32
      %get3A_614 = arith.index_cast %get3A_613 : i32 to index
      %get3A_615 = arith.index_cast %scan3A_502 : i32 to index
      %get3A_616 = arith.constant 112 : index
      %get3A_617 = tpu.vector_load %arg6[%get3A_614, %get3A_615, %get3A_616] {strides = array<i32>} : memref<3x128x128xf32, #tpu.memory_space<vmem>>, vector<1x1x16xf32>,
      %get3A_618 = vector.shape_cast %get3A_617 : vector<1x1x16xf32> to vector<16xf32>
      %mul3A_619 = arith.constant 11.3137083 : f32
      %mul3A_620 = vector.broadcast %mul3A_619 : f32 to vector<16xf32>
      %mul3A_621 = arith.mulf %get3A_618, %mul3A_620 : vector<16xf32>
      %swap3A_622 = arith.constant 2 : i32
      %swap3A_623 = arith.index_cast %swap3A_622 : i32 to index
      %swap3A_624 = arith.index_cast %scan3A_502 : i32 to index
      %swap3A_625 = arith.constant 112 : index
      %swap3A_626 = tpu.vector_load %arg7[%swap3A_623, %swap3A_624, %swap3A_625] {strides = array<i32>} : memref<3x128x128xf32, #tpu.memory_space<vmem>>, vector<1x1x16xf32>,
      %swap3A_627 = vector.shape_cast %swap3A_626 : vector<1x1x16xf32> to vector<16xf32>
      %swap3A_628 = vector.shape_cast %mul3A_621 : vector<16xf32> to vector<1x1x16xf32>
      tpu.vector_store %arg7[%swap3A_623, %swap3A_624, %swap3A_625], %swap3A_628 {strides = array<i32>} : memref<3x128x128xf32, #tpu.memory_space<vmem>>, vector<1x1x16xf32>,
    }
    %scan3A_145 = arith.constant 128 : i32
    %dma_start3A_146 = arith.constant 2 : i32
    %dma_start3A_147 = arith.constant 2 : i32
    %dma_start3A_148 = arith.constant 0 : i32
    %dma_start3A_149 = arith.constant 0 : i32
    %dma_start3A_150 = tpu.memref_slice %arg7[%dma_start3A_146, %dma_start3A_148, %dma_start3A_149] : memref<3x128x128xf32, #tpu.memory_space<vmem>> -> memref<1x128x128xf32, #tpu.memory_space<vmem>>
    %dma_start3A_151 = tpu.memref_squeeze %dma_start3A_150 : memref<1x128x128xf32, #tpu.memory_space<vmem>> -> memref<128x128xf32, #tpu.memory_space<vmem>>
    %dma_start3A_152 = arith.constant 0 : i32
    %dma_start3A_153 = tpu.memref_slice %arg4[%dma_start3A_147, %mul3A_2, %dma_start3A_152] : memref<50x4096x128xf32, #tpu.memory_space<hbm>> -> memref<1x128x128xf32, #tpu.memory_space<hbm>>
    %dma_start3A_154 = tpu.memref_squeeze %dma_start3A_153 : memref<1x128x128xf32, #tpu.memory_space<hbm>> -> memref<128x128xf32, #tpu.memory_space<hbm>>
    %dma_start3A_155 = arith.constant 0 : i32
    %dma_start3A_156 = tpu.memref_slice %arg4[%dma_start3A_147, %mul3A_2, %dma_start3A_155] : memref<50x4096x128xf32, #tpu.memory_space<hbm>> -> memref<1x128x128xf32, #tpu.memory_space<hbm>>
    %dma_start3A_157 = tpu.memref_squeeze %dma_start3A_156 : memref<1x128x128xf32, #tpu.memory_space<hbm>> -> memref<128x128xf32, #tpu.memory_space<hbm>>
    %dma_start3A_158 = arith.constant 0 : i32
    %dma_start3A_159 = arith.constant 0 : i32
    %dma_start3A_160 = tpu.memref_slice %arg7[%dma_start3A_146, %dma_start3A_158, %dma_start3A_159] : memref<3x128x128xf32, #tpu.memory_space<vmem>> -> memref<1x128x128xf32, #tpu.memory_space<vmem>>
    %dma_start3A_161 = tpu.memref_squeeze %dma_start3A_160 : memref<1x128x128xf32, #tpu.memory_space<vmem>> -> memref<128x128xf32, #tpu.memory_space<vmem>>
    tpu.enqueue_dma source(%dma_start3A_161 : memref<128x128xf32, #tpu.memory_space<vmem>>) target(%dma_start3A_157 : memref<128x128xf32, #tpu.memory_space<hbm>>) target_semaphore(%arg13 : memref<!tpu.dma_semaphore, #tpu.memory_space<semaphore_mem>>)
    %dma_start3A_162 = arith.constant 5 : i32
    %dma_start3A_163 = arith.constant 2 : i32
    %dma_start3A_164 = arith.constant 0 : i32
    %dma_start3A_165 = arith.constant 0 : i32
    %dma_start3A_166 = tpu.memref_slice %arg6[%dma_start3A_163, %dma_start3A_164, %dma_start3A_165] : memref<3x128x128xf32, #tpu.memory_space<vmem>> -> memref<1x128x128xf32, #tpu.memory_space<vmem>>
    %dma_start3A_167 = tpu.memref_squeeze %dma_start3A_166 : memref<1x128x128xf32, #tpu.memory_space<vmem>> -> memref<128x128xf32, #tpu.memory_space<vmem>>
    %dma_start3A_168 = arith.constant 0 : i32
    %dma_start3A_169 = tpu.memref_slice %arg5[%dma_start3A_162, %dma_start3A_168] : memref<50x128xi32, #tpu.memory_space<vmem>> -> memref<1x128xi32, #tpu.memory_space<vmem>>
    %dma_start3A_170 = tpu.memref_squeeze %dma_start3A_169 : memref<1x128xi32, #tpu.memory_space<vmem>> -> memref<128xi32, #tpu.memory_space<vmem>>
    %dma_start3A_171 = arith.constant 0 : i32
    %dma_start3A_172 = arith.constant 0 : i32
    %dma_start3A_173 = tpu.memref_slice %arg3[%dma_start3A_171, %dma_start3A_172] : memref<100000x128xf32, #tpu.memory_space<hbm>> -> memref<100000x128xf32, #tpu.memory_space<hbm>>
    tpu.enqueue_indirect_dma source(%dma_start3A_173 : memref<100000x128xf32, #tpu.memory_space<hbm>>) target(%dma_start3A_167 : memref<128x128xf32, #tpu.memory_space<vmem>>) offsets(%dma_start3A_170 : memref<128xi32, #tpu.memory_space<vmem>>) semaphore(%arg10 : memref<!tpu.dma_semaphore, #tpu.memory_space<semaphore_mem>>)
    %scan3A_174 = arith.constant 0 : i32
    %scan3A_175 = arith.constant 1 : i32
    %scan3A_176 = arith.constant 14 : i32
    %scan3A_177 = arith.addi %scan3A_175, %scan3A_176 : i32
    %scan3A_178 = arith.constant 1 : i32
    scf.for %scan3A_502 = %scan3A_175 to %scan3A_177 step %scan3A_178  : i32 {
      %mul3A_503 = arith.constant 3 : i32
      %mul3A_504 = arith.muli %mul3A_503, %scan3A_502 : i32
      %add3A_505 = arith.constant 0 : i32
      %add3A_506 = arith.addi %mul3A_504, %add3A_505 : i32
      %dma_wait3A_507 = arith.constant 0 : i32
      %dma_wait3A_508 = arith.constant 0 : i32
      %dma_wait3A_509 = arith.constant 0 : i32
      %dma_wait3A_510 = arith.constant 0 : i32
      %dma_wait3A_511 = tpu.memref_slice %arg6[%dma_wait3A_508, %dma_wait3A_509, %dma_wait3A_510] : memref<3x128x128xf32, #tpu.memory_space<vmem>> -> memref<1x128x128xf32, #tpu.memory_space<vmem>>
      %dma_wait3A_512 = tpu.memref_squeeze %dma_wait3A_511 : memref<1x128x128xf32, #tpu.memory_space<vmem>> -> memref<128x128xf32, #tpu.memory_space<vmem>>
      %dma_wait3A_513 = arith.constant 0 : i32
      %dma_wait3A_514 = tpu.memref_slice %arg5[%dma_wait3A_507, %dma_wait3A_513] : memref<50x128xi32, #tpu.memory_space<vmem>> -> memref<1x128xi32, #tpu.memory_space<vmem>>
      %dma_wait3A_515 = tpu.memref_squeeze %dma_wait3A_514 : memref<1x128xi32, #tpu.memory_space<vmem>> -> memref<128xi32, #tpu.memory_space<vmem>>
      %dma_wait3A_516 = arith.constant 0 : i32
      %dma_wait3A_517 = arith.constant 0 : i32
      %dma_wait3A_518 = tpu.memref_slice %arg3[%dma_wait3A_516, %dma_wait3A_517] : memref<100000x128xf32, #tpu.memory_space<hbm>> -> memref<100000x128xf32, #tpu.memory_space<hbm>>
      tpu.wait_indirect_dma semaphore(%arg8 : memref<!tpu.dma_semaphore, #tpu.memory_space<semaphore_mem>>) src(%dma_wait3A_518 : memref<100000x128xf32, #tpu.memory_space<hbm>>) dst(%dma_wait3A_512 : memref<128x128xf32, #tpu.memory_space<vmem>>)
      %dma_wait3A_519 = arith.constant 0 : i32
      %dma_wait3A_520 = arith.constant 0 : i32
      %dma_wait3A_521 = arith.constant 0 : i32
      %dma_wait3A_522 = arith.constant 0 : i32
      %dma_wait3A_523 = tpu.memref_slice %arg7[%dma_wait3A_519, %dma_wait3A_521, %dma_wait3A_522] : memref<3x128x128xf32, #tpu.memory_space<vmem>> -> memref<1x128x128xf32, #tpu.memory_space<vmem>>
      %dma_wait3A_524 = tpu.memref_squeeze %dma_wait3A_523 : memref<1x128x128xf32, #tpu.memory_space<vmem>> -> memref<128x128xf32, #tpu.memory_space<vmem>>
      %dma_wait3A_525 = arith.constant 0 : i32
      %dma_wait3A_526 = tpu.memref_slice %arg4[%dma_wait3A_520, %mul3A_2, %dma_wait3A_525] : memref<50x4096x128xf32, #tpu.memory_space<hbm>> -> memref<1x128x128xf32, #tpu.memory_space<hbm>>
      %dma_wait3A_527 = tpu.memref_squeeze %dma_wait3A_526 : memref<1x128x128xf32, #tpu.memory_space<hbm>> -> memref<128x128xf32, #tpu.memory_space<hbm>>
      %dma_wait3A_528 = arith.constant 0 : i32
      %dma_wait3A_529 = tpu.memref_slice %arg4[%dma_wait3A_520, %mul3A_2, %dma_wait3A_528] : memref<50x4096x128xf32, #tpu.memory_space<hbm>> -> memref<1x128x128xf32, #tpu.memory_space<hbm>>
      %dma_wait3A_530 = tpu.memref_squeeze %dma_wait3A_529 : memref<1x128x128xf32, #tpu.memory_space<hbm>> -> memref<128x128xf32, #tpu.memory_space<hbm>>
      %dma_wait3A_531 = arith.constant 0 : i32
      %dma_wait3A_532 = arith.constant 0 : i32
      %dma_wait3A_533 = tpu.memref_slice %arg7[%dma_wait3A_519, %dma_wait3A_531, %dma_wait3A_532] : memref<3x128x128xf32, #tpu.memory_space<vmem>> -> memref<1x128x128xf32, #tpu.memory_space<vmem>>
      %dma_wait3A_534 = tpu.memref_squeeze %dma_wait3A_533 : memref<1x128x128xf32, #tpu.memory_space<vmem>> -> memref<128x128xf32, #tpu.memory_space<vmem>>
      tpu.wait_dma2 semaphore(%arg11 : memref<!tpu.dma_semaphore, #tpu.memory_space<semaphore_mem>>) src(%dma_wait3A_534 : memref<128x128xf32, #tpu.memory_space<vmem>>) dst(%dma_wait3A_530 : memref<128x128xf32, #tpu.memory_space<hbm>>)
      %scan3A_535 = arith.constant 0 : i32
      %scan3A_536 = arith.constant 0 : i32
      %scan3A_537 = arith.constant 128 : i32
      %scan3A_538 = arith.addi %scan3A_536, %scan3A_537 : i32
      %scan3A_539 = arith.constant 1 : i32
      scf.for %scan3A_701 = %scan3A_536 to %scan3A_538 step %scan3A_539  : i32 {
        %get3A = arith.constant 0 : i32
        %get3A_702 = arith.index_cast %get3A : i32 to index
        %get3A_703 = arith.index_cast %scan3A_701 : i32 to index
        %get3A_704 = arith.constant 0 : index
        %get3A_705 = tpu.vector_load %arg6[%get3A_702, %get3A_703, %get3A_704] {strides = array<i32>} : memref<3x128x128xf32, #tpu.memory_space<vmem>>, vector<1x1x16xf32>,
        %get3A_706 = vector.shape_cast %get3A_705 : vector<1x1x16xf32> to vector<16xf32>
        %mul3A_707 = arith.constant 11.3137083 : f32
        %mul3A_708 = vector.broadcast %mul3A_707 : f32 to vector<16xf32>
        %mul3A_709 = arith.mulf %get3A_706, %mul3A_708 : vector<16xf32>
        %swap3A = arith.constant 0 : i32
        %swap3A_710 = arith.index_cast %swap3A : i32 to index
        %swap3A_711 = arith.index_cast %scan3A_701 : i32 to index
        %swap3A_712 = arith.constant 0 : index
        %swap3A_713 = tpu.vector_load %arg7[%swap3A_710, %swap3A_711, %swap3A_712] {strides = array<i32>} : memref<3x128x128xf32, #tpu.memory_space<vmem>>, vector<1x1x16xf32>,
        %swap3A_714 = vector.shape_cast %swap3A_713 : vector<1x1x16xf32> to vector<16xf32>
        %swap3A_715 = vector.shape_cast %mul3A_709 : vector<16xf32> to vector<1x1x16xf32>
        tpu.vector_store %arg7[%swap3A_710, %swap3A_711, %swap3A_712], %swap3A_715 {strides = array<i32>} : memref<3x128x128xf32, #tpu.memory_space<vmem>>, vector<1x1x16xf32>,
        %get3A_716 = arith.constant 0 : i32
        %get3A_717 = arith.index_cast %get3A_716 : i32 to index
        %get3A_718 = arith.index_cast %scan3A_701 : i32 to index
        %get3A_719 = arith.constant 16 : index
        %get3A_720 = tpu.vector_load %arg6[%get3A_717, %get3A_718, %get3A_719] {strides = array<i32>} : memref<3x128x128xf32, #tpu.memory_space<vmem>>, vector<1x1x16xf32>,
        %get3A_721 = vector.shape_cast %get3A_720 : vector<1x1x16xf32> to vector<16xf32>
        %mul3A_722 = arith.constant 11.3137083 : f32
        %mul3A_723 = vector.broadcast %mul3A_722 : f32 to vector<16xf32>
        %mul3A_724 = arith.mulf %get3A_721, %mul3A_723 : vector<16xf32>
        %swap3A_725 = arith.constant 0 : i32
        %swap3A_726 = arith.index_cast %swap3A_725 : i32 to index
        %swap3A_727 = arith.index_cast %scan3A_701 : i32 to index
        %swap3A_728 = arith.constant 16 : index
        %swap3A_729 = tpu.vector_load %arg7[%swap3A_726, %swap3A_727, %swap3A_728] {strides = array<i32>} : memref<3x128x128xf32, #tpu.memory_space<vmem>>, vector<1x1x16xf32>,
        %swap3A_730 = vector.shape_cast %swap3A_729 : vector<1x1x16xf32> to vector<16xf32>
        %swap3A_731 = vector.shape_cast %mul3A_724 : vector<16xf32> to vector<1x1x16xf32>
        tpu.vector_store %arg7[%swap3A_726, %swap3A_727, %swap3A_728], %swap3A_731 {strides = array<i32>} : memref<3x128x128xf32, #tpu.memory_space<vmem>>, vector<1x1x16xf32>,
        %get3A_732 = arith.constant 0 : i32
        %get3A_733 = arith.index_cast %get3A_732 : i32 to index
        %get3A_734 = arith.index_cast %scan3A_701 : i32 to index
        %get3A_735 = arith.constant 32 : index
        %get3A_736 = tpu.vector_load %arg6[%get3A_733, %get3A_734, %get3A_735] {strides = array<i32>} : memref<3x128x128xf32, #tpu.memory_space<vmem>>, vector<1x1x16xf32>,
        %get3A_737 = vector.shape_cast %get3A_736 : vector<1x1x16xf32> to vector<16xf32>
        %mul3A_738 = arith.constant 11.3137083 : f32
        %mul3A_739 = vector.broadcast %mul3A_738 : f32 to vector<16xf32>
        %mul3A_740 = arith.mulf %get3A_737, %mul3A_739 : vector<16xf32>
        %swap3A_741 = arith.constant 0 : i32
        %swap3A_742 = arith.index_cast %swap3A_741 : i32 to index
        %swap3A_743 = arith.index_cast %scan3A_701 : i32 to index
        %swap3A_744 = arith.constant 32 : index
        %swap3A_745 = tpu.vector_load %arg7[%swap3A_742, %swap3A_743, %swap3A_744] {strides = array<i32>} : memref<3x128x128xf32, #tpu.memory_space<vmem>>, vector<1x1x16xf32>,
        %swap3A_746 = vector.shape_cast %swap3A_745 : vector<1x1x16xf32> to vector<16xf32>
        %swap3A_747 = vector.shape_cast %mul3A_740 : vector<16xf32> to vector<1x1x16xf32>
        tpu.vector_store %arg7[%swap3A_742, %swap3A_743, %swap3A_744], %swap3A_747 {strides = array<i32>} : memref<3x128x128xf32, #tpu.memory_space<vmem>>, vector<1x1x16xf32>,
        %get3A_748 = arith.constant 0 : i32
        %get3A_749 = arith.index_cast %get3A_748 : i32 to index
        %get3A_750 = arith.index_cast %scan3A_701 : i32 to index
        %get3A_751 = arith.constant 48 : index
        %get3A_752 = tpu.vector_load %arg6[%get3A_749, %get3A_750, %get3A_751] {strides = array<i32>} : memref<3x128x128xf32, #tpu.memory_space<vmem>>, vector<1x1x16xf32>,
        %get3A_753 = vector.shape_cast %get3A_752 : vector<1x1x16xf32> to vector<16xf32>
        %mul3A_754 = arith.constant 11.3137083 : f32
        %mul3A_755 = vector.broadcast %mul3A_754 : f32 to vector<16xf32>
        %mul3A_756 = arith.mulf %get3A_753, %mul3A_755 : vector<16xf32>
        %swap3A_757 = arith.constant 0 : i32
        %swap3A_758 = arith.index_cast %swap3A_757 : i32 to index
        %swap3A_759 = arith.index_cast %scan3A_701 : i32 to index
        %swap3A_760 = arith.constant 48 : index
        %swap3A_761 = tpu.vector_load %arg7[%swap3A_758, %swap3A_759, %swap3A_760] {strides = array<i32>} : memref<3x128x128xf32, #tpu.memory_space<vmem>>, vector<1x1x16xf32>,
        %swap3A_762 = vector.shape_cast %swap3A_761 : vector<1x1x16xf32> to vector<16xf32>
        %swap3A_763 = vector.shape_cast %mul3A_756 : vector<16xf32> to vector<1x1x16xf32>
        tpu.vector_store %arg7[%swap3A_758, %swap3A_759, %swap3A_760], %swap3A_763 {strides = array<i32>} : memref<3x128x128xf32, #tpu.memory_space<vmem>>, vector<1x1x16xf32>,
        %get3A_764 = arith.constant 0 : i32
        %get3A_765 = arith.index_cast %get3A_764 : i32 to index
        %get3A_766 = arith.index_cast %scan3A_701 : i32 to index
        %get3A_767 = arith.constant 64 : index
        %get3A_768 = tpu.vector_load %arg6[%get3A_765, %get3A_766, %get3A_767] {strides = array<i32>} : memref<3x128x128xf32, #tpu.memory_space<vmem>>, vector<1x1x16xf32>,
        %get3A_769 = vector.shape_cast %get3A_768 : vector<1x1x16xf32> to vector<16xf32>
        %mul3A_770 = arith.constant 11.3137083 : f32
        %mul3A_771 = vector.broadcast %mul3A_770 : f32 to vector<16xf32>
        %mul3A_772 = arith.mulf %get3A_769, %mul3A_771 : vector<16xf32>
        %swap3A_773 = arith.constant 0 : i32
        %swap3A_774 = arith.index_cast %swap3A_773 : i32 to index
        %swap3A_775 = arith.index_cast %scan3A_701 : i32 to index
        %swap3A_776 = arith.constant 64 : index
        %swap3A_777 = tpu.vector_load %arg7[%swap3A_774, %swap3A_775, %swap3A_776] {strides = array<i32>} : memref<3x128x128xf32, #tpu.memory_space<vmem>>, vector<1x1x16xf32>,
        %swap3A_778 = vector.shape_cast %swap3A_777 : vector<1x1x16xf32> to vector<16xf32>
        %swap3A_779 = vector.shape_cast %mul3A_772 : vector<16xf32> to vector<1x1x16xf32>
        tpu.vector_store %arg7[%swap3A_774, %swap3A_775, %swap3A_776], %swap3A_779 {strides = array<i32>} : memref<3x128x128xf32, #tpu.memory_space<vmem>>, vector<1x1x16xf32>,
        %get3A_780 = arith.constant 0 : i32
        %get3A_781 = arith.index_cast %get3A_780 : i32 to index
        %get3A_782 = arith.index_cast %scan3A_701 : i32 to index
        %get3A_783 = arith.constant 80 : index
        %get3A_784 = tpu.vector_load %arg6[%get3A_781, %get3A_782, %get3A_783] {strides = array<i32>} : memref<3x128x128xf32, #tpu.memory_space<vmem>>, vector<1x1x16xf32>,
        %get3A_785 = vector.shape_cast %get3A_784 : vector<1x1x16xf32> to vector<16xf32>
        %mul3A_786 = arith.constant 11.3137083 : f32
        %mul3A_787 = vector.broadcast %mul3A_786 : f32 to vector<16xf32>
        %mul3A_788 = arith.mulf %get3A_785, %mul3A_787 : vector<16xf32>
        %swap3A_789 = arith.constant 0 : i32
        %swap3A_790 = arith.index_cast %swap3A_789 : i32 to index
        %swap3A_791 = arith.index_cast %scan3A_701 : i32 to index
        %swap3A_792 = arith.constant 80 : index
        %swap3A_793 = tpu.vector_load %arg7[%swap3A_790, %swap3A_791, %swap3A_792] {strides = array<i32>} : memref<3x128x128xf32, #tpu.memory_space<vmem>>, vector<1x1x16xf32>,
        %swap3A_794 = vector.shape_cast %swap3A_793 : vector<1x1x16xf32> to vector<16xf32>
        %swap3A_795 = vector.shape_cast %mul3A_788 : vector<16xf32> to vector<1x1x16xf32>
        tpu.vector_store %arg7[%swap3A_790, %swap3A_791, %swap3A_792], %swap3A_795 {strides = array<i32>} : memref<3x128x128xf32, #tpu.memory_space<vmem>>, vector<1x1x16xf32>,
        %get3A_796 = arith.constant 0 : i32
        %get3A_797 = arith.index_cast %get3A_796 : i32 to index
        %get3A_798 = arith.index_cast %scan3A_701 : i32 to index
        %get3A_799 = arith.constant 96 : index
        %get3A_800 = tpu.vector_load %arg6[%get3A_797, %get3A_798, %get3A_799] {strides = array<i32>} : memref<3x128x128xf32, #tpu.memory_space<vmem>>, vector<1x1x16xf32>,
        %get3A_801 = vector.shape_cast %get3A_800 : vector<1x1x16xf32> to vector<16xf32>
        %mul3A_802 = arith.constant 11.3137083 : f32
        %mul3A_803 = vector.broadcast %mul3A_802 : f32 to vector<16xf32>
        %mul3A_804 = arith.mulf %get3A_801, %mul3A_803 : vector<16xf32>
        %swap3A_805 = arith.constant 0 : i32
        %swap3A_806 = arith.index_cast %swap3A_805 : i32 to index
        %swap3A_807 = arith.index_cast %scan3A_701 : i32 to index
        %swap3A_808 = arith.constant 96 : index
        %swap3A_809 = tpu.vector_load %arg7[%swap3A_806, %swap3A_807, %swap3A_808] {strides = array<i32>} : memref<3x128x128xf32, #tpu.memory_space<vmem>>, vector<1x1x16xf32>,
        %swap3A_810 = vector.shape_cast %swap3A_809 : vector<1x1x16xf32> to vector<16xf32>
        %swap3A_811 = vector.shape_cast %mul3A_804 : vector<16xf32> to vector<1x1x16xf32>
        tpu.vector_store %arg7[%swap3A_806, %swap3A_807, %swap3A_808], %swap3A_811 {strides = array<i32>} : memref<3x128x128xf32, #tpu.memory_space<vmem>>, vector<1x1x16xf32>,
        %get3A_812 = arith.constant 0 : i32
        %get3A_813 = arith.index_cast %get3A_812 : i32 to index
        %get3A_814 = arith.index_cast %scan3A_701 : i32 to index
        %get3A_815 = arith.constant 112 : index
        %get3A_816 = tpu.vector_load %arg6[%get3A_813, %get3A_814, %get3A_815] {strides = array<i32>} : memref<3x128x128xf32, #tpu.memory_space<vmem>>, vector<1x1x16xf32>,
        %get3A_817 = vector.shape_cast %get3A_816 : vector<1x1x16xf32> to vector<16xf32>
        %mul3A_818 = arith.constant 11.3137083 : f32
        %mul3A_819 = vector.broadcast %mul3A_818 : f32 to vector<16xf32>
        %mul3A_820 = arith.mulf %get3A_817, %mul3A_819 : vector<16xf32>
        %swap3A_821 = arith.constant 0 : i32
        %swap3A_822 = arith.index_cast %swap3A_821 : i32 to index
        %swap3A_823 = arith.index_cast %scan3A_701 : i32 to index
        %swap3A_824 = arith.constant 112 : index
        %swap3A_825 = tpu.vector_load %arg7[%swap3A_822, %swap3A_823, %swap3A_824] {strides = array<i32>} : memref<3x128x128xf32, #tpu.memory_space<vmem>>, vector<1x1x16xf32>,
        %swap3A_826 = vector.shape_cast %swap3A_825 : vector<1x1x16xf32> to vector<16xf32>
        %swap3A_827 = vector.shape_cast %mul3A_820 : vector<16xf32> to vector<1x1x16xf32>
        tpu.vector_store %arg7[%swap3A_822, %swap3A_823, %swap3A_824], %swap3A_827 {strides = array<i32>} : memref<3x128x128xf32, #tpu.memory_space<vmem>>, vector<1x1x16xf32>,
      }
      %scan3A_540 = arith.constant 128 : i32
      %add3A_541 = arith.constant 3 : i32
      %add3A_542 = arith.addi %add3A_506, %add3A_541 : i32
      %dma_start3A_543 = arith.constant 0 : i32
      %dma_start3A_544 = arith.constant 0 : i32
      %dma_start3A_545 = arith.constant 0 : i32
      %dma_start3A_546 = tpu.memref_slice %arg6[%dma_start3A_543, %dma_start3A_544, %dma_start3A_545] : memref<3x128x128xf32, #tpu.memory_space<vmem>> -> memref<1x128x128xf32, #tpu.memory_space<vmem>>
      %dma_start3A_547 = tpu.memref_squeeze %dma_start3A_546 : memref<1x128x128xf32, #tpu.memory_space<vmem>> -> memref<128x128xf32, #tpu.memory_space<vmem>>
      %dma_start3A_548 = arith.constant 0 : i32
      %dma_start3A_549 = tpu.memref_slice %arg5[%add3A_542, %dma_start3A_548] : memref<50x128xi32, #tpu.memory_space<vmem>> -> memref<1x128xi32, #tpu.memory_space<vmem>>
      %dma_start3A_550 = tpu.memref_squeeze %dma_start3A_549 : memref<1x128xi32, #tpu.memory_space<vmem>> -> memref<128xi32, #tpu.memory_space<vmem>>
      %dma_start3A_551 = arith.constant 0 : i32
      %dma_start3A_552 = arith.constant 0 : i32
      %dma_start3A_553 = tpu.memref_slice %arg3[%dma_start3A_551, %dma_start3A_552] : memref<100000x128xf32, #tpu.memory_space<hbm>> -> memref<100000x128xf32, #tpu.memory_space<hbm>>
      tpu.enqueue_indirect_dma source(%dma_start3A_553 : memref<100000x128xf32, #tpu.memory_space<hbm>>) target(%dma_start3A_547 : memref<128x128xf32, #tpu.memory_space<vmem>>) offsets(%dma_start3A_550 : memref<128xi32, #tpu.memory_space<vmem>>) semaphore(%arg8 : memref<!tpu.dma_semaphore, #tpu.memory_space<semaphore_mem>>)
      %dma_start3A_554 = arith.constant 0 : i32
      %dma_start3A_555 = arith.constant 0 : i32
      %dma_start3A_556 = arith.constant 0 : i32
      %dma_start3A_557 = tpu.memref_slice %arg7[%dma_start3A_554, %dma_start3A_555, %dma_start3A_556] : memref<3x128x128xf32, #tpu.memory_space<vmem>> -> memref<1x128x128xf32, #tpu.memory_space<vmem>>
      %dma_start3A_558 = tpu.memref_squeeze %dma_start3A_557 : memref<1x128x128xf32, #tpu.memory_space<vmem>> -> memref<128x128xf32, #tpu.memory_space<vmem>>
      %dma_start3A_559 = arith.constant 0 : i32
      %dma_start3A_560 = tpu.memref_slice %arg4[%add3A_506, %mul3A_2, %dma_start3A_559] : memref<50x4096x128xf32, #tpu.memory_space<hbm>> -> memref<1x128x128xf32, #tpu.memory_space<hbm>>
      %dma_start3A_561 = tpu.memref_squeeze %dma_start3A_560 : memref<1x128x128xf32, #tpu.memory_space<hbm>> -> memref<128x128xf32, #tpu.memory_space<hbm>>
      %dma_start3A_562 = arith.constant 0 : i32
      %dma_start3A_563 = tpu.memref_slice %arg4[%add3A_506, %mul3A_2, %dma_start3A_562] : memref<50x4096x128xf32, #tpu.memory_space<hbm>> -> memref<1x128x128xf32, #tpu.memory_space<hbm>>
      %dma_start3A_564 = tpu.memref_squeeze %dma_start3A_563 : memref<1x128x128xf32, #tpu.memory_space<hbm>> -> memref<128x128xf32, #tpu.memory_space<hbm>>
      %dma_start3A_565 = arith.constant 0 : i32
      %dma_start3A_566 = arith.constant 0 : i32
      %dma_start3A_567 = tpu.memref_slice %arg7[%dma_start3A_554, %dma_start3A_565, %dma_start3A_566] : memref<3x128x128xf32, #tpu.memory_space<vmem>> -> memref<1x128x128xf32, #tpu.memory_space<vmem>>
      %dma_start3A_568 = tpu.memref_squeeze %dma_start3A_567 : memref<1x128x128xf32, #tpu.memory_space<vmem>> -> memref<128x128xf32, #tpu.memory_space<vmem>>
      tpu.enqueue_dma source(%dma_start3A_568 : memref<128x128xf32, #tpu.memory_space<vmem>>) target(%dma_start3A_564 : memref<128x128xf32, #tpu.memory_space<hbm>>) target_semaphore(%arg11 : memref<!tpu.dma_semaphore, #tpu.memory_space<semaphore_mem>>)
      %mul3A_569 = arith.constant 3 : i32
      %mul3A_570 = arith.muli %mul3A_569, %scan3A_502 : i32
      %add3A_571 = arith.constant 1 : i32
      %add3A_572 = arith.addi %mul3A_570, %add3A_571 : i32
      %dma_wait3A_573 = arith.constant 0 : i32
      %dma_wait3A_574 = arith.constant 1 : i32
      %dma_wait3A_575 = arith.constant 0 : i32
      %dma_wait3A_576 = arith.constant 0 : i32
      %dma_wait3A_577 = tpu.memref_slice %arg6[%dma_wait3A_574, %dma_wait3A_575, %dma_wait3A_576] : memref<3x128x128xf32, #tpu.memory_space<vmem>> -> memref<1x128x128xf32, #tpu.memory_space<vmem>>
      %dma_wait3A_578 = tpu.memref_squeeze %dma_wait3A_577 : memref<1x128x128xf32, #tpu.memory_space<vmem>> -> memref<128x128xf32, #tpu.memory_space<vmem>>
      %dma_wait3A_579 = arith.constant 0 : i32
      %dma_wait3A_580 = tpu.memref_slice %arg5[%dma_wait3A_573, %dma_wait3A_579] : memref<50x128xi32, #tpu.memory_space<vmem>> -> memref<1x128xi32, #tpu.memory_space<vmem>>
      %dma_wait3A_581 = tpu.memref_squeeze %dma_wait3A_580 : memref<1x128xi32, #tpu.memory_space<vmem>> -> memref<128xi32, #tpu.memory_space<vmem>>
      %dma_wait3A_582 = arith.constant 0 : i32
      %dma_wait3A_583 = arith.constant 0 : i32
      %dma_wait3A_584 = tpu.memref_slice %arg3[%dma_wait3A_582, %dma_wait3A_583] : memref<100000x128xf32, #tpu.memory_space<hbm>> -> memref<100000x128xf32, #tpu.memory_space<hbm>>
      tpu.wait_indirect_dma semaphore(%arg9 : memref<!tpu.dma_semaphore, #tpu.memory_space<semaphore_mem>>) src(%dma_wait3A_584 : memref<100000x128xf32, #tpu.memory_space<hbm>>) dst(%dma_wait3A_578 : memref<128x128xf32, #tpu.memory_space<vmem>>)
      %dma_wait3A_585 = arith.constant 1 : i32
      %dma_wait3A_586 = arith.constant 0 : i32
      %dma_wait3A_587 = arith.constant 0 : i32
      %dma_wait3A_588 = arith.constant 0 : i32
      %dma_wait3A_589 = tpu.memref_slice %arg7[%dma_wait3A_585, %dma_wait3A_587, %dma_wait3A_588] : memref<3x128x128xf32, #tpu.memory_space<vmem>> -> memref<1x128x128xf32, #tpu.memory_space<vmem>>
      %dma_wait3A_590 = tpu.memref_squeeze %dma_wait3A_589 : memref<1x128x128xf32, #tpu.memory_space<vmem>> -> memref<128x128xf32, #tpu.memory_space<vmem>>
      %dma_wait3A_591 = arith.constant 0 : i32
      %dma_wait3A_592 = tpu.memref_slice %arg4[%dma_wait3A_586, %mul3A_2, %dma_wait3A_591] : memref<50x4096x128xf32, #tpu.memory_space<hbm>> -> memref<1x128x128xf32, #tpu.memory_space<hbm>>
      %dma_wait3A_593 = tpu.memref_squeeze %dma_wait3A_592 : memref<1x128x128xf32, #tpu.memory_space<hbm>> -> memref<128x128xf32, #tpu.memory_space<hbm>>
      %dma_wait3A_594 = arith.constant 0 : i32
      %dma_wait3A_595 = tpu.memref_slice %arg4[%dma_wait3A_586, %mul3A_2, %dma_wait3A_594] : memref<50x4096x128xf32, #tpu.memory_space<hbm>> -> memref<1x128x128xf32, #tpu.memory_space<hbm>>
      %dma_wait3A_596 = tpu.memref_squeeze %dma_wait3A_595 : memref<1x128x128xf32, #tpu.memory_space<hbm>> -> memref<128x128xf32, #tpu.memory_space<hbm>>
      %dma_wait3A_597 = arith.constant 0 : i32
      %dma_wait3A_598 = arith.constant 0 : i32
      %dma_wait3A_599 = tpu.memref_slice %arg7[%dma_wait3A_585, %dma_wait3A_597, %dma_wait3A_598] : memref<3x128x128xf32, #tpu.memory_space<vmem>> -> memref<1x128x128xf32, #tpu.memory_space<vmem>>
      %dma_wait3A_600 = tpu.memref_squeeze %dma_wait3A_599 : memref<1x128x128xf32, #tpu.memory_space<vmem>> -> memref<128x128xf32, #tpu.memory_space<vmem>>
      tpu.wait_dma2 semaphore(%arg12 : memref<!tpu.dma_semaphore, #tpu.memory_space<semaphore_mem>>) src(%dma_wait3A_600 : memref<128x128xf32, #tpu.memory_space<vmem>>) dst(%dma_wait3A_596 : memref<128x128xf32, #tpu.memory_space<hbm>>)
      %scan3A_601 = arith.constant 0 : i32
      %scan3A_602 = arith.constant 0 : i32
      %scan3A_603 = arith.constant 128 : i32
      %scan3A_604 = arith.addi %scan3A_602, %scan3A_603 : i32
      %scan3A_605 = arith.constant 1 : i32
      scf.for %scan3A_701 = %scan3A_602 to %scan3A_604 step %scan3A_605  : i32 {
        %get3A = arith.constant 1 : i32
        %get3A_702 = arith.index_cast %get3A : i32 to index
        %get3A_703 = arith.index_cast %scan3A_701 : i32 to index
        %get3A_704 = arith.constant 0 : index
        %get3A_705 = tpu.vector_load %arg6[%get3A_702, %get3A_703, %get3A_704] {strides = array<i32>} : memref<3x128x128xf32, #tpu.memory_space<vmem>>, vector<1x1x16xf32>,
        %get3A_706 = vector.shape_cast %get3A_705 : vector<1x1x16xf32> to vector<16xf32>
        %mul3A_707 = arith.constant 11.3137083 : f32
        %mul3A_708 = vector.broadcast %mul3A_707 : f32 to vector<16xf32>
        %mul3A_709 = arith.mulf %get3A_706, %mul3A_708 : vector<16xf32>
        %swap3A = arith.constant 1 : i32
        %swap3A_710 = arith.index_cast %swap3A : i32 to index
        %swap3A_711 = arith.index_cast %scan3A_701 : i32 to index
        %swap3A_712 = arith.constant 0 : index
        %swap3A_713 = tpu.vector_load %arg7[%swap3A_710, %swap3A_711, %swap3A_712] {strides = array<i32>} : memref<3x128x128xf32, #tpu.memory_space<vmem>>, vector<1x1x16xf32>,
        %swap3A_714 = vector.shape_cast %swap3A_713 : vector<1x1x16xf32> to vector<16xf32>
        %swap3A_715 = vector.shape_cast %mul3A_709 : vector<16xf32> to vector<1x1x16xf32>
        tpu.vector_store %arg7[%swap3A_710, %swap3A_711, %swap3A_712], %swap3A_715 {strides = array<i32>} : memref<3x128x128xf32, #tpu.memory_space<vmem>>, vector<1x1x16xf32>,
        %get3A_716 = arith.constant 1 : i32
        %get3A_717 = arith.index_cast %get3A_716 : i32 to index
        %get3A_718 = arith.index_cast %scan3A_701 : i32 to index
        %get3A_719 = arith.constant 16 : index
        %get3A_720 = tpu.vector_load %arg6[%get3A_717, %get3A_718, %get3A_719] {strides = array<i32>} : memref<3x128x128xf32, #tpu.memory_space<vmem>>, vector<1x1x16xf32>,
        %get3A_721 = vector.shape_cast %get3A_720 : vector<1x1x16xf32> to vector<16xf32>
        %mul3A_722 = arith.constant 11.3137083 : f32
        %mul3A_723 = vector.broadcast %mul3A_722 : f32 to vector<16xf32>
        %mul3A_724 = arith.mulf %get3A_721, %mul3A_723 : vector<16xf32>
        %swap3A_725 = arith.constant 1 : i32
        %swap3A_726 = arith.index_cast %swap3A_725 : i32 to index
        %swap3A_727 = arith.index_cast %scan3A_701 : i32 to index
        %swap3A_728 = arith.constant 16 : index
        %swap3A_729 = tpu.vector_load %arg7[%swap3A_726, %swap3A_727, %swap3A_728] {strides = array<i32>} : memref<3x128x128xf32, #tpu.memory_space<vmem>>, vector<1x1x16xf32>,
        %swap3A_730 = vector.shape_cast %swap3A_729 : vector<1x1x16xf32> to vector<16xf32>
        %swap3A_731 = vector.shape_cast %mul3A_724 : vector<16xf32> to vector<1x1x16xf32>
        tpu.vector_store %arg7[%swap3A_726, %swap3A_727, %swap3A_728], %swap3A_731 {strides = array<i32>} : memref<3x128x128xf32, #tpu.memory_space<vmem>>, vector<1x1x16xf32>,
        %get3A_732 = arith.constant 1 : i32
        %get3A_733 = arith.index_cast %get3A_732 : i32 to index
        %get3A_734 = arith.index_cast %scan3A_701 : i32 to index
        %get3A_735 = arith.constant 32 : index
        %get3A_736 = tpu.vector_load %arg6[%get3A_733, %get3A_734, %get3A_735] {strides = array<i32>} : memref<3x128x128xf32, #tpu.memory_space<vmem>>, vector<1x1x16xf32>,
        %get3A_737 = vector.shape_cast %get3A_736 : vector<1x1x16xf32> to vector<16xf32>
        %mul3A_738 = arith.constant 11.3137083 : f32
        %mul3A_739 = vector.broadcast %mul3A_738 : f32 to vector<16xf32>
        %mul3A_740 = arith.mulf %get3A_737, %mul3A_739 : vector<16xf32>
        %swap3A_741 = arith.constant 1 : i32
        %swap3A_742 = arith.index_cast %swap3A_741 : i32 to index
        %swap3A_743 = arith.index_cast %scan3A_701 : i32 to index
        %swap3A_744 = arith.constant 32 : index
        %swap3A_745 = tpu.vector_load %arg7[%swap3A_742, %swap3A_743, %swap3A_744] {strides = array<i32>} : memref<3x128x128xf32, #tpu.memory_space<vmem>>, vector<1x1x16xf32>,
        %swap3A_746 = vector.shape_cast %swap3A_745 : vector<1x1x16xf32> to vector<16xf32>
        %swap3A_747 = vector.shape_cast %mul3A_740 : vector<16xf32> to vector<1x1x16xf32>
        tpu.vector_store %arg7[%swap3A_742, %swap3A_743, %swap3A_744], %swap3A_747 {strides = array<i32>} : memref<3x128x128xf32, #tpu.memory_space<vmem>>, vector<1x1x16xf32>,
        %get3A_748 = arith.constant 1 : i32
        %get3A_749 = arith.index_cast %get3A_748 : i32 to index
        %get3A_750 = arith.index_cast %scan3A_701 : i32 to index
        %get3A_751 = arith.constant 48 : index
        %get3A_752 = tpu.vector_load %arg6[%get3A_749, %get3A_750, %get3A_751] {strides = array<i32>} : memref<3x128x128xf32, #tpu.memory_space<vmem>>, vector<1x1x16xf32>,
        %get3A_753 = vector.shape_cast %get3A_752 : vector<1x1x16xf32> to vector<16xf32>
        %mul3A_754 = arith.constant 11.3137083 : f32
        %mul3A_755 = vector.broadcast %mul3A_754 : f32 to vector<16xf32>
        %mul3A_756 = arith.mulf %get3A_753, %mul3A_755 : vector<16xf32>
        %swap3A_757 = arith.constant 1 : i32
        %swap3A_758 = arith.index_cast %swap3A_757 : i32 to index
        %swap3A_759 = arith.index_cast %scan3A_701 : i32 to index
        %swap3A_760 = arith.constant 48 : index
        %swap3A_761 = tpu.vector_load %arg7[%swap3A_758, %swap3A_759, %swap3A_760] {strides = array<i32>} : memref<3x128x128xf32, #tpu.memory_space<vmem>>, vector<1x1x16xf32>,
        %swap3A_762 = vector.shape_cast %swap3A_761 : vector<1x1x16xf32> to vector<16xf32>
        %swap3A_763 = vector.shape_cast %mul3A_756 : vector<16xf32> to vector<1x1x16xf32>
        tpu.vector_store %arg7[%swap3A_758, %swap3A_759, %swap3A_760], %swap3A_763 {strides = array<i32>} : memref<3x128x128xf32, #tpu.memory_space<vmem>>, vector<1x1x16xf32>,
        %get3A_764 = arith.constant 1 : i32
        %get3A_765 = arith.index_cast %get3A_764 : i32 to index
        %get3A_766 = arith.index_cast %scan3A_701 : i32 to index
        %get3A_767 = arith.constant 64 : index
        %get3A_768 = tpu.vector_load %arg6[%get3A_765, %get3A_766, %get3A_767] {strides = array<i32>} : memref<3x128x128xf32, #tpu.memory_space<vmem>>, vector<1x1x16xf32>,
        %get3A_769 = vector.shape_cast %get3A_768 : vector<1x1x16xf32> to vector<16xf32>
        %mul3A_770 = arith.constant 11.3137083 : f32
        %mul3A_771 = vector.broadcast %mul3A_770 : f32 to vector<16xf32>
        %mul3A_772 = arith.mulf %get3A_769, %mul3A_771 : vector<16xf32>
        %swap3A_773 = arith.constant 1 : i32
        %swap3A_774 = arith.index_cast %swap3A_773 : i32 to index
        %swap3A_775 = arith.index_cast %scan3A_701 : i32 to index
        %swap3A_776 = arith.constant 64 : index
        %swap3A_777 = tpu.vector_load %arg7[%swap3A_774, %swap3A_775, %swap3A_776] {strides = array<i32>} : memref<3x128x128xf32, #tpu.memory_space<vmem>>, vector<1x1x16xf32>,
        %swap3A_778 = vector.shape_cast %swap3A_777 : vector<1x1x16xf32> to vector<16xf32>
        %swap3A_779 = vector.shape_cast %mul3A_772 : vector<16xf32> to vector<1x1x16xf32>
        tpu.vector_store %arg7[%swap3A_774, %swap3A_775, %swap3A_776], %swap3A_779 {strides = array<i32>} : memref<3x128x128xf32, #tpu.memory_space<vmem>>, vector<1x1x16xf32>,
        %get3A_780 = arith.constant 1 : i32
        %get3A_781 = arith.index_cast %get3A_780 : i32 to index
        %get3A_782 = arith.index_cast %scan3A_701 : i32 to index
        %get3A_783 = arith.constant 80 : index
        %get3A_784 = tpu.vector_load %arg6[%get3A_781, %get3A_782, %get3A_783] {strides = array<i32>} : memref<3x128x128xf32, #tpu.memory_space<vmem>>, vector<1x1x16xf32>,
        %get3A_785 = vector.shape_cast %get3A_784 : vector<1x1x16xf32> to vector<16xf32>
        %mul3A_786 = arith.constant 11.3137083 : f32
        %mul3A_787 = vector.broadcast %mul3A_786 : f32 to vector<16xf32>
        %mul3A_788 = arith.mulf %get3A_785, %mul3A_787 : vector<16xf32>
        %swap3A_789 = arith.constant 1 : i32
        %swap3A_790 = arith.index_cast %swap3A_789 : i32 to index
        %swap3A_791 = arith.index_cast %scan3A_701 : i32 to index
        %swap3A_792 = arith.constant 80 : index
        %swap3A_793 = tpu.vector_load %arg7[%swap3A_790, %swap3A_791, %swap3A_792] {strides = array<i32>} : memref<3x128x128xf32, #tpu.memory_space<vmem>>, vector<1x1x16xf32>,
        %swap3A_794 = vector.shape_cast %swap3A_793 : vector<1x1x16xf32> to vector<16xf32>
        %swap3A_795 = vector.shape_cast %mul3A_788 : vector<16xf32> to vector<1x1x16xf32>
        tpu.vector_store %arg7[%swap3A_790, %swap3A_791, %swap3A_792], %swap3A_795 {strides = array<i32>} : memref<3x128x128xf32, #tpu.memory_space<vmem>>, vector<1x1x16xf32>,
        %get3A_796 = arith.constant 1 : i32
        %get3A_797 = arith.index_cast %get3A_796 : i32 to index
        %get3A_798 = arith.index_cast %scan3A_701 : i32 to index
        %get3A_799 = arith.constant 96 : index
        %get3A_800 = tpu.vector_load %arg6[%get3A_797, %get3A_798, %get3A_799] {strides = array<i32>} : memref<3x128x128xf32, #tpu.memory_space<vmem>>, vector<1x1x16xf32>,
        %get3A_801 = vector.shape_cast %get3A_800 : vector<1x1x16xf32> to vector<16xf32>
        %mul3A_802 = arith.constant 11.3137083 : f32
        %mul3A_803 = vector.broadcast %mul3A_802 : f32 to vector<16xf32>
        %mul3A_804 = arith.mulf %get3A_801, %mul3A_803 : vector<16xf32>
        %swap3A_805 = arith.constant 1 : i32
        %swap3A_806 = arith.index_cast %swap3A_805 : i32 to index
        %swap3A_807 = arith.index_cast %scan3A_701 : i32 to index
        %swap3A_808 = arith.constant 96 : index
        %swap3A_809 = tpu.vector_load %arg7[%swap3A_806, %swap3A_807, %swap3A_808] {strides = array<i32>} : memref<3x128x128xf32, #tpu.memory_space<vmem>>, vector<1x1x16xf32>,
        %swap3A_810 = vector.shape_cast %swap3A_809 : vector<1x1x16xf32> to vector<16xf32>
        %swap3A_811 = vector.shape_cast %mul3A_804 : vector<16xf32> to vector<1x1x16xf32>
        tpu.vector_store %arg7[%swap3A_806, %swap3A_807, %swap3A_808], %swap3A_811 {strides = array<i32>} : memref<3x128x128xf32, #tpu.memory_space<vmem>>, vector<1x1x16xf32>,
        %get3A_812 = arith.constant 1 : i32
        %get3A_813 = arith.index_cast %get3A_812 : i32 to index
        %get3A_814 = arith.index_cast %scan3A_701 : i32 to index
        %get3A_815 = arith.constant 112 : index
        %get3A_816 = tpu.vector_load %arg6[%get3A_813, %get3A_814, %get3A_815] {strides = array<i32>} : memref<3x128x128xf32, #tpu.memory_space<vmem>>, vector<1x1x16xf32>,
        %get3A_817 = vector.shape_cast %get3A_816 : vector<1x1x16xf32> to vector<16xf32>
        %mul3A_818 = arith.constant 11.3137083 : f32
        %mul3A_819 = vector.broadcast %mul3A_818 : f32 to vector<16xf32>
        %mul3A_820 = arith.mulf %get3A_817, %mul3A_819 : vector<16xf32>
        %swap3A_821 = arith.constant 1 : i32
        %swap3A_822 = arith.index_cast %swap3A_821 : i32 to index
        %swap3A_823 = arith.index_cast %scan3A_701 : i32 to index
        %swap3A_824 = arith.constant 112 : index
        %swap3A_825 = tpu.vector_load %arg7[%swap3A_822, %swap3A_823, %swap3A_824] {strides = array<i32>} : memref<3x128x128xf32, #tpu.memory_space<vmem>>, vector<1x1x16xf32>,
        %swap3A_826 = vector.shape_cast %swap3A_825 : vector<1x1x16xf32> to vector<16xf32>
        %swap3A_827 = vector.shape_cast %mul3A_820 : vector<16xf32> to vector<1x1x16xf32>
        tpu.vector_store %arg7[%swap3A_822, %swap3A_823, %swap3A_824], %swap3A_827 {strides = array<i32>} : memref<3x128x128xf32, #tpu.memory_space<vmem>>, vector<1x1x16xf32>,
      }
      %scan3A_606 = arith.constant 128 : i32
      %add3A_607 = arith.constant 3 : i32
      %add3A_608 = arith.addi %add3A_572, %add3A_607 : i32
      %dma_start3A_609 = arith.constant 1 : i32
      %dma_start3A_610 = arith.constant 0 : i32
      %dma_start3A_611 = arith.constant 0 : i32
      %dma_start3A_612 = tpu.memref_slice %arg6[%dma_start3A_609, %dma_start3A_610, %dma_start3A_611] : memref<3x128x128xf32, #tpu.memory_space<vmem>> -> memref<1x128x128xf32, #tpu.memory_space<vmem>>
      %dma_start3A_613 = tpu.memref_squeeze %dma_start3A_612 : memref<1x128x128xf32, #tpu.memory_space<vmem>> -> memref<128x128xf32, #tpu.memory_space<vmem>>
      %dma_start3A_614 = arith.constant 0 : i32
      %dma_start3A_615 = tpu.memref_slice %arg5[%add3A_608, %dma_start3A_614] : memref<50x128xi32, #tpu.memory_space<vmem>> -> memref<1x128xi32, #tpu.memory_space<vmem>>
      %dma_start3A_616 = tpu.memref_squeeze %dma_start3A_615 : memref<1x128xi32, #tpu.memory_space<vmem>> -> memref<128xi32, #tpu.memory_space<vmem>>
      %dma_start3A_617 = arith.constant 0 : i32
      %dma_start3A_618 = arith.constant 0 : i32
      %dma_start3A_619 = tpu.memref_slice %arg3[%dma_start3A_617, %dma_start3A_618] : memref<100000x128xf32, #tpu.memory_space<hbm>> -> memref<100000x128xf32, #tpu.memory_space<hbm>>
      tpu.enqueue_indirect_dma source(%dma_start3A_619 : memref<100000x128xf32, #tpu.memory_space<hbm>>) target(%dma_start3A_613 : memref<128x128xf32, #tpu.memory_space<vmem>>) offsets(%dma_start3A_616 : memref<128xi32, #tpu.memory_space<vmem>>) semaphore(%arg9 : memref<!tpu.dma_semaphore, #tpu.memory_space<semaphore_mem>>)
      %dma_start3A_620 = arith.constant 1 : i32
      %dma_start3A_621 = arith.constant 0 : i32
      %dma_start3A_622 = arith.constant 0 : i32
      %dma_start3A_623 = tpu.memref_slice %arg7[%dma_start3A_620, %dma_start3A_621, %dma_start3A_622] : memref<3x128x128xf32, #tpu.memory_space<vmem>> -> memref<1x128x128xf32, #tpu.memory_space<vmem>>
      %dma_start3A_624 = tpu.memref_squeeze %dma_start3A_623 : memref<1x128x128xf32, #tpu.memory_space<vmem>> -> memref<128x128xf32, #tpu.memory_space<vmem>>
      %dma_start3A_625 = arith.constant 0 : i32
      %dma_start3A_626 = tpu.memref_slice %arg4[%add3A_572, %mul3A_2, %dma_start3A_625] : memref<50x4096x128xf32, #tpu.memory_space<hbm>> -> memref<1x128x128xf32, #tpu.memory_space<hbm>>
      %dma_start3A_627 = tpu.memref_squeeze %dma_start3A_626 : memref<1x128x128xf32, #tpu.memory_space<hbm>> -> memref<128x128xf32, #tpu.memory_space<hbm>>
      %dma_start3A_628 = arith.constant 0 : i32
      %dma_start3A_629 = tpu.memref_slice %arg4[%add3A_572, %mul3A_2, %dma_start3A_628] : memref<50x4096x128xf32, #tpu.memory_space<hbm>> -> memref<1x128x128xf32, #tpu.memory_space<hbm>>
      %dma_start3A_630 = tpu.memref_squeeze %dma_start3A_629 : memref<1x128x128xf32, #tpu.memory_space<hbm>> -> memref<128x128xf32, #tpu.memory_space<hbm>>
      %dma_start3A_631 = arith.constant 0 : i32
      %dma_start3A_632 = arith.constant 0 : i32
      %dma_start3A_633 = tpu.memref_slice %arg7[%dma_start3A_620, %dma_start3A_631, %dma_start3A_632] : memref<3x128x128xf32, #tpu.memory_space<vmem>> -> memref<1x128x128xf32, #tpu.memory_space<vmem>>
      %dma_start3A_634 = tpu.memref_squeeze %dma_start3A_633 : memref<1x128x128xf32, #tpu.memory_space<vmem>> -> memref<128x128xf32, #tpu.memory_space<vmem>>
      tpu.enqueue_dma source(%dma_start3A_634 : memref<128x128xf32, #tpu.memory_space<vmem>>) target(%dma_start3A_630 : memref<128x128xf32, #tpu.memory_space<hbm>>) target_semaphore(%arg12 : memref<!tpu.dma_semaphore, #tpu.memory_space<semaphore_mem>>)
      %mul3A_635 = arith.constant 3 : i32
      %mul3A_636 = arith.muli %mul3A_635, %scan3A_502 : i32
      %add3A_637 = arith.constant 2 : i32
      %add3A_638 = arith.addi %mul3A_636, %add3A_637 : i32
      %dma_wait3A_639 = arith.constant 0 : i32
      %dma_wait3A_640 = arith.constant 2 : i32
      %dma_wait3A_641 = arith.constant 0 : i32
      %dma_wait3A_642 = arith.constant 0 : i32
      %dma_wait3A_643 = tpu.memref_slice %arg6[%dma_wait3A_640, %dma_wait3A_641, %dma_wait3A_642] : memref<3x128x128xf32, #tpu.memory_space<vmem>> -> memref<1x128x128xf32, #tpu.memory_space<vmem>>
      %dma_wait3A_644 = tpu.memref_squeeze %dma_wait3A_643 : memref<1x128x128xf32, #tpu.memory_space<vmem>> -> memref<128x128xf32, #tpu.memory_space<vmem>>
      %dma_wait3A_645 = arith.constant 0 : i32
      %dma_wait3A_646 = tpu.memref_slice %arg5[%dma_wait3A_639, %dma_wait3A_645] : memref<50x128xi32, #tpu.memory_space<vmem>> -> memref<1x128xi32, #tpu.memory_space<vmem>>
      %dma_wait3A_647 = tpu.memref_squeeze %dma_wait3A_646 : memref<1x128xi32, #tpu.memory_space<vmem>> -> memref<128xi32, #tpu.memory_space<vmem>>
      %dma_wait3A_648 = arith.constant 0 : i32
      %dma_wait3A_649 = arith.constant 0 : i32
      %dma_wait3A_650 = tpu.memref_slice %arg3[%dma_wait3A_648, %dma_wait3A_649] : memref<100000x128xf32, #tpu.memory_space<hbm>> -> memref<100000x128xf32, #tpu.memory_space<hbm>>
      tpu.wait_indirect_dma semaphore(%arg10 : memref<!tpu.dma_semaphore, #tpu.memory_space<semaphore_mem>>) src(%dma_wait3A_650 : memref<100000x128xf32, #tpu.memory_space<hbm>>) dst(%dma_wait3A_644 : memref<128x128xf32, #tpu.memory_space<vmem>>)
      %dma_wait3A_651 = arith.constant 2 : i32
      %dma_wait3A_652 = arith.constant 0 : i32
      %dma_wait3A_653 = arith.constant 0 : i32
      %dma_wait3A_654 = arith.constant 0 : i32
      %dma_wait3A_655 = tpu.memref_slice %arg7[%dma_wait3A_651, %dma_wait3A_653, %dma_wait3A_654] : memref<3x128x128xf32, #tpu.memory_space<vmem>> -> memref<1x128x128xf32, #tpu.memory_space<vmem>>
      %dma_wait3A_656 = tpu.memref_squeeze %dma_wait3A_655 : memref<1x128x128xf32, #tpu.memory_space<vmem>> -> memref<128x128xf32, #tpu.memory_space<vmem>>
      %dma_wait3A_657 = arith.constant 0 : i32
      %dma_wait3A_658 = tpu.memref_slice %arg4[%dma_wait3A_652, %mul3A_2, %dma_wait3A_657] : memref<50x4096x128xf32, #tpu.memory_space<hbm>> -> memref<1x128x128xf32, #tpu.memory_space<hbm>>
      %dma_wait3A_659 = tpu.memref_squeeze %dma_wait3A_658 : memref<1x128x128xf32, #tpu.memory_space<hbm>> -> memref<128x128xf32, #tpu.memory_space<hbm>>
      %dma_wait3A_660 = arith.constant 0 : i32
      %dma_wait3A_661 = tpu.memref_slice %arg4[%dma_wait3A_652, %mul3A_2, %dma_wait3A_660] : memref<50x4096x128xf32, #tpu.memory_space<hbm>> -> memref<1x128x128xf32, #tpu.memory_space<hbm>>
      %dma_wait3A_662 = tpu.memref_squeeze %dma_wait3A_661 : memref<1x128x128xf32, #tpu.memory_space<hbm>> -> memref<128x128xf32, #tpu.memory_space<hbm>>
      %dma_wait3A_663 = arith.constant 0 : i32
      %dma_wait3A_664 = arith.constant 0 : i32
      %dma_wait3A_665 = tpu.memref_slice %arg7[%dma_wait3A_651, %dma_wait3A_663, %dma_wait3A_664] : memref<3x128x128xf32, #tpu.memory_space<vmem>> -> memref<1x128x128xf32, #tpu.memory_space<vmem>>
      %dma_wait3A_666 = tpu.memref_squeeze %dma_wait3A_665 : memref<1x128x128xf32, #tpu.memory_space<vmem>> -> memref<128x128xf32, #tpu.memory_space<vmem>>
      tpu.wait_dma2 semaphore(%arg13 : memref<!tpu.dma_semaphore, #tpu.memory_space<semaphore_mem>>) src(%dma_wait3A_666 : memref<128x128xf32, #tpu.memory_space<vmem>>) dst(%dma_wait3A_662 : memref<128x128xf32, #tpu.memory_space<hbm>>)
      %scan3A_667 = arith.constant 0 : i32
      %scan3A_668 = arith.constant 0 : i32
      %scan3A_669 = arith.constant 128 : i32
      %scan3A_670 = arith.addi %scan3A_668, %scan3A_669 : i32
      %scan3A_671 = arith.constant 1 : i32
      scf.for %scan3A_701 = %scan3A_668 to %scan3A_670 step %scan3A_671  : i32 {
        %get3A = arith.constant 2 : i32
        %get3A_702 = arith.index_cast %get3A : i32 to index
        %get3A_703 = arith.index_cast %scan3A_701 : i32 to index
        %get3A_704 = arith.constant 0 : index
        %get3A_705 = tpu.vector_load %arg6[%get3A_702, %get3A_703, %get3A_704] {strides = array<i32>} : memref<3x128x128xf32, #tpu.memory_space<vmem>>, vector<1x1x16xf32>,
        %get3A_706 = vector.shape_cast %get3A_705 : vector<1x1x16xf32> to vector<16xf32>
        %mul3A_707 = arith.constant 11.3137083 : f32
        %mul3A_708 = vector.broadcast %mul3A_707 : f32 to vector<16xf32>
        %mul3A_709 = arith.mulf %get3A_706, %mul3A_708 : vector<16xf32>
        %swap3A = arith.constant 2 : i32
        %swap3A_710 = arith.index_cast %swap3A : i32 to index
        %swap3A_711 = arith.index_cast %scan3A_701 : i32 to index
        %swap3A_712 = arith.constant 0 : index
        %swap3A_713 = tpu.vector_load %arg7[%swap3A_710, %swap3A_711, %swap3A_712] {strides = array<i32>} : memref<3x128x128xf32, #tpu.memory_space<vmem>>, vector<1x1x16xf32>,
        %swap3A_714 = vector.shape_cast %swap3A_713 : vector<1x1x16xf32> to vector<16xf32>
        %swap3A_715 = vector.shape_cast %mul3A_709 : vector<16xf32> to vector<1x1x16xf32>
        tpu.vector_store %arg7[%swap3A_710, %swap3A_711, %swap3A_712], %swap3A_715 {strides = array<i32>} : memref<3x128x128xf32, #tpu.memory_space<vmem>>, vector<1x1x16xf32>,
        %get3A_716 = arith.constant 2 : i32
        %get3A_717 = arith.index_cast %get3A_716 : i32 to index
        %get3A_718 = arith.index_cast %scan3A_701 : i32 to index
        %get3A_719 = arith.constant 16 : index
        %get3A_720 = tpu.vector_load %arg6[%get3A_717, %get3A_718, %get3A_719] {strides = array<i32>} : memref<3x128x128xf32, #tpu.memory_space<vmem>>, vector<1x1x16xf32>,
        %get3A_721 = vector.shape_cast %get3A_720 : vector<1x1x16xf32> to vector<16xf32>
        %mul3A_722 = arith.constant 11.3137083 : f32
        %mul3A_723 = vector.broadcast %mul3A_722 : f32 to vector<16xf32>
        %mul3A_724 = arith.mulf %get3A_721, %mul3A_723 : vector<16xf32>
        %swap3A_725 = arith.constant 2 : i32
        %swap3A_726 = arith.index_cast %swap3A_725 : i32 to index
        %swap3A_727 = arith.index_cast %scan3A_701 : i32 to index
        %swap3A_728 = arith.constant 16 : index
        %swap3A_729 = tpu.vector_load %arg7[%swap3A_726, %swap3A_727, %swap3A_728] {strides = array<i32>} : memref<3x128x128xf32, #tpu.memory_space<vmem>>, vector<1x1x16xf32>,
        %swap3A_730 = vector.shape_cast %swap3A_729 : vector<1x1x16xf32> to vector<16xf32>
        %swap3A_731 = vector.shape_cast %mul3A_724 : vector<16xf32> to vector<1x1x16xf32>
        tpu.vector_store %arg7[%swap3A_726, %swap3A_727, %swap3A_728], %swap3A_731 {strides = array<i32>} : memref<3x128x128xf32, #tpu.memory_space<vmem>>, vector<1x1x16xf32>,
        %get3A_732 = arith.constant 2 : i32
        %get3A_733 = arith.index_cast %get3A_732 : i32 to index
        %get3A_734 = arith.index_cast %scan3A_701 : i32 to index
        %get3A_735 = arith.constant 32 : index
        %get3A_736 = tpu.vector_load %arg6[%get3A_733, %get3A_734, %get3A_735] {strides = array<i32>} : memref<3x128x128xf32, #tpu.memory_space<vmem>>, vector<1x1x16xf32>,
        %get3A_737 = vector.shape_cast %get3A_736 : vector<1x1x16xf32> to vector<16xf32>
        %mul3A_738 = arith.constant 11.3137083 : f32
        %mul3A_739 = vector.broadcast %mul3A_738 : f32 to vector<16xf32>
        %mul3A_740 = arith.mulf %get3A_737, %mul3A_739 : vector<16xf32>
        %swap3A_741 = arith.constant 2 : i32
        %swap3A_742 = arith.index_cast %swap3A_741 : i32 to index
        %swap3A_743 = arith.index_cast %scan3A_701 : i32 to index
        %swap3A_744 = arith.constant 32 : index
        %swap3A_745 = tpu.vector_load %arg7[%swap3A_742, %swap3A_743, %swap3A_744] {strides = array<i32>} : memref<3x128x128xf32, #tpu.memory_space<vmem>>, vector<1x1x16xf32>,
        %swap3A_746 = vector.shape_cast %swap3A_745 : vector<1x1x16xf32> to vector<16xf32>
        %swap3A_747 = vector.shape_cast %mul3A_740 : vector<16xf32> to vector<1x1x16xf32>
        tpu.vector_store %arg7[%swap3A_742, %swap3A_743, %swap3A_744], %swap3A_747 {strides = array<i32>} : memref<3x128x128xf32, #tpu.memory_space<vmem>>, vector<1x1x16xf32>,
        %get3A_748 = arith.constant 2 : i32
        %get3A_749 = arith.index_cast %get3A_748 : i32 to index
        %get3A_750 = arith.index_cast %scan3A_701 : i32 to index
        %get3A_751 = arith.constant 48 : index
        %get3A_752 = tpu.vector_load %arg6[%get3A_749, %get3A_750, %get3A_751] {strides = array<i32>} : memref<3x128x128xf32, #tpu.memory_space<vmem>>, vector<1x1x16xf32>,
        %get3A_753 = vector.shape_cast %get3A_752 : vector<1x1x16xf32> to vector<16xf32>
        %mul3A_754 = arith.constant 11.3137083 : f32
        %mul3A_755 = vector.broadcast %mul3A_754 : f32 to vector<16xf32>
        %mul3A_756 = arith.mulf %get3A_753, %mul3A_755 : vector<16xf32>
        %swap3A_757 = arith.constant 2 : i32
        %swap3A_758 = arith.index_cast %swap3A_757 : i32 to index
        %swap3A_759 = arith.index_cast %scan3A_701 : i32 to index
        %swap3A_760 = arith.constant 48 : index
        %swap3A_761 = tpu.vector_load %arg7[%swap3A_758, %swap3A_759, %swap3A_760] {strides = array<i32>} : memref<3x128x128xf32, #tpu.memory_space<vmem>>, vector<1x1x16xf32>,
        %swap3A_762 = vector.shape_cast %swap3A_761 : vector<1x1x16xf32> to vector<16xf32>
        %swap3A_763 = vector.shape_cast %mul3A_756 : vector<16xf32> to vector<1x1x16xf32>
        tpu.vector_store %arg7[%swap3A_758, %swap3A_759, %swap3A_760], %swap3A_763 {strides = array<i32>} : memref<3x128x128xf32, #tpu.memory_space<vmem>>, vector<1x1x16xf32>,
        %get3A_764 = arith.constant 2 : i32
        %get3A_765 = arith.index_cast %get3A_764 : i32 to index
        %get3A_766 = arith.index_cast %scan3A_701 : i32 to index
        %get3A_767 = arith.constant 64 : index
        %get3A_768 = tpu.vector_load %arg6[%get3A_765, %get3A_766, %get3A_767] {strides = array<i32>} : memref<3x128x128xf32, #tpu.memory_space<vmem>>, vector<1x1x16xf32>,
        %get3A_769 = vector.shape_cast %get3A_768 : vector<1x1x16xf32> to vector<16xf32>
        %mul3A_770 = arith.constant 11.3137083 : f32
        %mul3A_771 = vector.broadcast %mul3A_770 : f32 to vector<16xf32>
        %mul3A_772 = arith.mulf %get3A_769, %mul3A_771 : vector<16xf32>
        %swap3A_773 = arith.constant 2 : i32
        %swap3A_774 = arith.index_cast %swap3A_773 : i32 to index
        %swap3A_775 = arith.index_cast %scan3A_701 : i32 to index
        %swap3A_776 = arith.constant 64 : index
        %swap3A_777 = tpu.vector_load %arg7[%swap3A_774, %swap3A_775, %swap3A_776] {strides = array<i32>} : memref<3x128x128xf32, #tpu.memory_space<vmem>>, vector<1x1x16xf32>,
        %swap3A_778 = vector.shape_cast %swap3A_777 : vector<1x1x16xf32> to vector<16xf32>
        %swap3A_779 = vector.shape_cast %mul3A_772 : vector<16xf32> to vector<1x1x16xf32>
        tpu.vector_store %arg7[%swap3A_774, %swap3A_775, %swap3A_776], %swap3A_779 {strides = array<i32>} : memref<3x128x128xf32, #tpu.memory_space<vmem>>, vector<1x1x16xf32>,
        %get3A_780 = arith.constant 2 : i32
        %get3A_781 = arith.index_cast %get3A_780 : i32 to index
        %get3A_782 = arith.index_cast %scan3A_701 : i32 to index
        %get3A_783 = arith.constant 80 : index
        %get3A_784 = tpu.vector_load %arg6[%get3A_781, %get3A_782, %get3A_783] {strides = array<i32>} : memref<3x128x128xf32, #tpu.memory_space<vmem>>, vector<1x1x16xf32>,
        %get3A_785 = vector.shape_cast %get3A_784 : vector<1x1x16xf32> to vector<16xf32>
        %mul3A_786 = arith.constant 11.3137083 : f32
        %mul3A_787 = vector.broadcast %mul3A_786 : f32 to vector<16xf32>
        %mul3A_788 = arith.mulf %get3A_785, %mul3A_787 : vector<16xf32>
        %swap3A_789 = arith.constant 2 : i32
        %swap3A_790 = arith.index_cast %swap3A_789 : i32 to index
        %swap3A_791 = arith.index_cast %scan3A_701 : i32 to index
        %swap3A_792 = arith.constant 80 : index
        %swap3A_793 = tpu.vector_load %arg7[%swap3A_790, %swap3A_791, %swap3A_792] {strides = array<i32>} : memref<3x128x128xf32, #tpu.memory_space<vmem>>, vector<1x1x16xf32>,
        %swap3A_794 = vector.shape_cast %swap3A_793 : vector<1x1x16xf32> to vector<16xf32>
        %swap3A_795 = vector.shape_cast %mul3A_788 : vector<16xf32> to vector<1x1x16xf32>
        tpu.vector_store %arg7[%swap3A_790, %swap3A_791, %swap3A_792], %swap3A_795 {strides = array<i32>} : memref<3x128x128xf32, #tpu.memory_space<vmem>>, vector<1x1x16xf32>,
        %get3A_796 = arith.constant 2 : i32
        %get3A_797 = arith.index_cast %get3A_796 : i32 to index
        %get3A_798 = arith.index_cast %scan3A_701 : i32 to index
        %get3A_799 = arith.constant 96 : index
        %get3A_800 = tpu.vector_load %arg6[%get3A_797, %get3A_798, %get3A_799] {strides = array<i32>} : memref<3x128x128xf32, #tpu.memory_space<vmem>>, vector<1x1x16xf32>,
        %get3A_801 = vector.shape_cast %get3A_800 : vector<1x1x16xf32> to vector<16xf32>
        %mul3A_802 = arith.constant 11.3137083 : f32
        %mul3A_803 = vector.broadcast %mul3A_802 : f32 to vector<16xf32>
        %mul3A_804 = arith.mulf %get3A_801, %mul3A_803 : vector<16xf32>
        %swap3A_805 = arith.constant 2 : i32
        %swap3A_806 = arith.index_cast %swap3A_805 : i32 to index
        %swap3A_807 = arith.index_cast %scan3A_701 : i32 to index
        %swap3A_808 = arith.constant 96 : index
        %swap3A_809 = tpu.vector_load %arg7[%swap3A_806, %swap3A_807, %swap3A_808] {strides = array<i32>} : memref<3x128x128xf32, #tpu.memory_space<vmem>>, vector<1x1x16xf32>,
        %swap3A_810 = vector.shape_cast %swap3A_809 : vector<1x1x16xf32> to vector<16xf32>
        %swap3A_811 = vector.shape_cast %mul3A_804 : vector<16xf32> to vector<1x1x16xf32>
        tpu.vector_store %arg7[%swap3A_806, %swap3A_807, %swap3A_808], %swap3A_811 {strides = array<i32>} : memref<3x128x128xf32, #tpu.memory_space<vmem>>, vector<1x1x16xf32>,
        %get3A_812 = arith.constant 2 : i32
        %get3A_813 = arith.index_cast %get3A_812 : i32 to index
        %get3A_814 = arith.index_cast %scan3A_701 : i32 to index
        %get3A_815 = arith.constant 112 : index
        %get3A_816 = tpu.vector_load %arg6[%get3A_813, %get3A_814, %get3A_815] {strides = array<i32>} : memref<3x128x128xf32, #tpu.memory_space<vmem>>, vector<1x1x16xf32>,
        %get3A_817 = vector.shape_cast %get3A_816 : vector<1x1x16xf32> to vector<16xf32>
        %mul3A_818 = arith.constant 11.3137083 : f32
        %mul3A_819 = vector.broadcast %mul3A_818 : f32 to vector<16xf32>
        %mul3A_820 = arith.mulf %get3A_817, %mul3A_819 : vector<16xf32>
        %swap3A_821 = arith.constant 2 : i32
        %swap3A_822 = arith.index_cast %swap3A_821 : i32 to index
        %swap3A_823 = arith.index_cast %scan3A_701 : i32 to index
        %swap3A_824 = arith.constant 112 : index
        %swap3A_825 = tpu.vector_load %arg7[%swap3A_822, %swap3A_823, %swap3A_824] {strides = array<i32>} : memref<3x128x128xf32, #tpu.memory_space<vmem>>, vector<1x1x16xf32>,
        %swap3A_826 = vector.shape_cast %swap3A_825 : vector<1x1x16xf32> to vector<16xf32>
        %swap3A_827 = vector.shape_cast %mul3A_820 : vector<16xf32> to vector<1x1x16xf32>
        tpu.vector_store %arg7[%swap3A_822, %swap3A_823, %swap3A_824], %swap3A_827 {strides = array<i32>} : memref<3x128x128xf32, #tpu.memory_space<vmem>>, vector<1x1x16xf32>,
      }
      %scan3A_672 = arith.constant 128 : i32
      %add3A_673 = arith.constant 3 : i32
      %add3A_674 = arith.addi %add3A_638, %add3A_673 : i32
      %dma_start3A_675 = arith.constant 2 : i32
      %dma_start3A_676 = arith.constant 0 : i32
      %dma_start3A_677 = arith.constant 0 : i32
      %dma_start3A_678 = tpu.memref_slice %arg6[%dma_start3A_675, %dma_start3A_676, %dma_start3A_677] : memref<3x128x128xf32, #tpu.memory_space<vmem>> -> memref<1x128x128xf32, #tpu.memory_space<vmem>>
      %dma_start3A_679 = tpu.memref_squeeze %dma_start3A_678 : memref<1x128x128xf32, #tpu.memory_space<vmem>> -> memref<128x128xf32, #tpu.memory_space<vmem>>
      %dma_start3A_680 = arith.constant 0 : i32
      %dma_start3A_681 = tpu.memref_slice %arg5[%add3A_674, %dma_start3A_680] : memref<50x128xi32, #tpu.memory_space<vmem>> -> memref<1x128xi32, #tpu.memory_space<vmem>>
      %dma_start3A_682 = tpu.memref_squeeze %dma_start3A_681 : memref<1x128xi32, #tpu.memory_space<vmem>> -> memref<128xi32, #tpu.memory_space<vmem>>
      %dma_start3A_683 = arith.constant 0 : i32
      %dma_start3A_684 = arith.constant 0 : i32
      %dma_start3A_685 = tpu.memref_slice %arg3[%dma_start3A_683, %dma_start3A_684] : memref<100000x128xf32, #tpu.memory_space<hbm>> -> memref<100000x128xf32, #tpu.memory_space<hbm>>
      tpu.enqueue_indirect_dma source(%dma_start3A_685 : memref<100000x128xf32, #tpu.memory_space<hbm>>) target(%dma_start3A_679 : memref<128x128xf32, #tpu.memory_space<vmem>>) offsets(%dma_start3A_682 : memref<128xi32, #tpu.memory_space<vmem>>) semaphore(%arg10 : memref<!tpu.dma_semaphore, #tpu.memory_space<semaphore_mem>>)
      %dma_start3A_686 = arith.constant 2 : i32
      %dma_start3A_687 = arith.constant 0 : i32
      %dma_start3A_688 = arith.constant 0 : i32
      %dma_start3A_689 = tpu.memref_slice %arg7[%dma_start3A_686, %dma_start3A_687, %dma_start3A_688] : memref<3x128x128xf32, #tpu.memory_space<vmem>> -> memref<1x128x128xf32, #tpu.memory_space<vmem>>
      %dma_start3A_690 = tpu.memref_squeeze %dma_start3A_689 : memref<1x128x128xf32, #tpu.memory_space<vmem>> -> memref<128x128xf32, #tpu.memory_space<vmem>>
      %dma_start3A_691 = arith.constant 0 : i32
      %dma_start3A_692 = tpu.memref_slice %arg4[%add3A_638, %mul3A_2, %dma_start3A_691] : memref<50x4096x128xf32, #tpu.memory_space<hbm>> -> memref<1x128x128xf32, #tpu.memory_space<hbm>>
      %dma_start3A_693 = tpu.memref_squeeze %dma_start3A_692 : memref<1x128x128xf32, #tpu.memory_space<hbm>> -> memref<128x128xf32, #tpu.memory_space<hbm>>
      %dma_start3A_694 = arith.constant 0 : i32
      %dma_start3A_695 = tpu.memref_slice %arg4[%add3A_638, %mul3A_2, %dma_start3A_694] : memref<50x4096x128xf32, #tpu.memory_space<hbm>> -> memref<1x128x128xf32, #tpu.memory_space<hbm>>
      %dma_start3A_696 = tpu.memref_squeeze %dma_start3A_695 : memref<1x128x128xf32, #tpu.memory_space<hbm>> -> memref<128x128xf32, #tpu.memory_space<hbm>>
      %dma_start3A_697 = arith.constant 0 : i32
      %dma_start3A_698 = arith.constant 0 : i32
      %dma_start3A_699 = tpu.memref_slice %arg7[%dma_start3A_686, %dma_start3A_697, %dma_start3A_698] : memref<3x128x128xf32, #tpu.memory_space<vmem>> -> memref<1x128x128xf32, #tpu.memory_space<vmem>>
      %dma_start3A_700 = tpu.memref_squeeze %dma_start3A_699 : memref<1x128x128xf32, #tpu.memory_space<vmem>> -> memref<128x128xf32, #tpu.memory_space<vmem>>
      tpu.enqueue_dma source(%dma_start3A_700 : memref<128x128xf32, #tpu.memory_space<vmem>>) target(%dma_start3A_696 : memref<128x128xf32, #tpu.memory_space<hbm>>) target_semaphore(%arg13 : memref<!tpu.dma_semaphore, #tpu.memory_space<semaphore_mem>>)
    }
    %scan3A_179 = arith.constant 14 : i32
    %dma_wait3A_180 = arith.constant 0 : i32
    %dma_wait3A_181 = arith.constant 0 : i32
    %dma_wait3A_182 = arith.constant 0 : i32
    %dma_wait3A_183 = arith.constant 0 : i32
    %dma_wait3A_184 = tpu.memref_slice %arg6[%dma_wait3A_181, %dma_wait3A_182, %dma_wait3A_183] : memref<3x128x128xf32, #tpu.memory_space<vmem>> -> memref<1x128x128xf32, #tpu.memory_space<vmem>>
    %dma_wait3A_185 = tpu.memref_squeeze %dma_wait3A_184 : memref<1x128x128xf32, #tpu.memory_space<vmem>> -> memref<128x128xf32, #tpu.memory_space<vmem>>
    %dma_wait3A_186 = arith.constant 0 : i32
    %dma_wait3A_187 = tpu.memref_slice %arg5[%dma_wait3A_180, %dma_wait3A_186] : memref<50x128xi32, #tpu.memory_space<vmem>> -> memref<1x128xi32, #tpu.memory_space<vmem>>
    %dma_wait3A_188 = tpu.memref_squeeze %dma_wait3A_187 : memref<1x128xi32, #tpu.memory_space<vmem>> -> memref<128xi32, #tpu.memory_space<vmem>>
    %dma_wait3A_189 = arith.constant 0 : i32
    %dma_wait3A_190 = arith.constant 0 : i32
    %dma_wait3A_191 = tpu.memref_slice %arg3[%dma_wait3A_189, %dma_wait3A_190] : memref<100000x128xf32, #tpu.memory_space<hbm>> -> memref<100000x128xf32, #tpu.memory_space<hbm>>
    tpu.wait_indirect_dma semaphore(%arg8 : memref<!tpu.dma_semaphore, #tpu.memory_space<semaphore_mem>>) src(%dma_wait3A_191 : memref<100000x128xf32, #tpu.memory_space<hbm>>) dst(%dma_wait3A_185 : memref<128x128xf32, #tpu.memory_space<vmem>>)
    %dma_wait3A_192 = arith.constant 0 : i32
    %dma_wait3A_193 = arith.constant 0 : i32
    %dma_wait3A_194 = arith.constant 0 : i32
    %dma_wait3A_195 = arith.constant 0 : i32
    %dma_wait3A_196 = tpu.memref_slice %arg7[%dma_wait3A_192, %dma_wait3A_194, %dma_wait3A_195] : memref<3x128x128xf32, #tpu.memory_space<vmem>> -> memref<1x128x128xf32, #tpu.memory_space<vmem>>
    %dma_wait3A_197 = tpu.memref_squeeze %dma_wait3A_196 : memref<1x128x128xf32, #tpu.memory_space<vmem>> -> memref<128x128xf32, #tpu.memory_space<vmem>>
    %dma_wait3A_198 = arith.constant 0 : i32
    %dma_wait3A_199 = tpu.memref_slice %arg4[%dma_wait3A_193, %mul3A_2, %dma_wait3A_198] : memref<50x4096x128xf32, #tpu.memory_space<hbm>> -> memref<1x128x128xf32, #tpu.memory_space<hbm>>
    %dma_wait3A_200 = tpu.memref_squeeze %dma_wait3A_199 : memref<1x128x128xf32, #tpu.memory_space<hbm>> -> memref<128x128xf32, #tpu.memory_space<hbm>>
    %dma_wait3A_201 = arith.constant 0 : i32
    %dma_wait3A_202 = tpu.memref_slice %arg4[%dma_wait3A_193, %mul3A_2, %dma_wait3A_201] : memref<50x4096x128xf32, #tpu.memory_space<hbm>> -> memref<1x128x128xf32, #tpu.memory_space<hbm>>
    %dma_wait3A_203 = tpu.memref_squeeze %dma_wait3A_202 : memref<1x128x128xf32, #tpu.memory_space<hbm>> -> memref<128x128xf32, #tpu.memory_space<hbm>>
    %dma_wait3A_204 = arith.constant 0 : i32
    %dma_wait3A_205 = arith.constant 0 : i32
    %dma_wait3A_206 = tpu.memref_slice %arg7[%dma_wait3A_192, %dma_wait3A_204, %dma_wait3A_205] : memref<3x128x128xf32, #tpu.memory_space<vmem>> -> memref<1x128x128xf32, #tpu.memory_space<vmem>>
    %dma_wait3A_207 = tpu.memref_squeeze %dma_wait3A_206 : memref<1x128x128xf32, #tpu.memory_space<vmem>> -> memref<128x128xf32, #tpu.memory_space<vmem>>
    tpu.wait_dma2 semaphore(%arg11 : memref<!tpu.dma_semaphore, #tpu.memory_space<semaphore_mem>>) src(%dma_wait3A_207 : memref<128x128xf32, #tpu.memory_space<vmem>>) dst(%dma_wait3A_203 : memref<128x128xf32, #tpu.memory_space<hbm>>)
    %scan3A_208 = arith.constant 0 : i32
    %scan3A_209 = arith.constant 0 : i32
    %scan3A_210 = arith.constant 128 : i32
    %scan3A_211 = arith.addi %scan3A_209, %scan3A_210 : i32
    %scan3A_212 = arith.constant 1 : i32
    scf.for %scan3A_502 = %scan3A_209 to %scan3A_211 step %scan3A_212  : i32 {
      %get3A = arith.constant 0 : i32
      %get3A_503 = arith.index_cast %get3A : i32 to index
      %get3A_504 = arith.index_cast %scan3A_502 : i32 to index
      %get3A_505 = arith.constant 0 : index
      %get3A_506 = tpu.vector_load %arg6[%get3A_503, %get3A_504, %get3A_505] {strides = array<i32>} : memref<3x128x128xf32, #tpu.memory_space<vmem>>, vector<1x1x16xf32>,
      %get3A_507 = vector.shape_cast %get3A_506 : vector<1x1x16xf32> to vector<16xf32>
      %mul3A_508 = arith.constant 11.3137083 : f32
      %mul3A_509 = vector.broadcast %mul3A_508 : f32 to vector<16xf32>
      %mul3A_510 = arith.mulf %get3A_507, %mul3A_509 : vector<16xf32>
      %swap3A = arith.constant 0 : i32
      %swap3A_511 = arith.index_cast %swap3A : i32 to index
      %swap3A_512 = arith.index_cast %scan3A_502 : i32 to index
      %swap3A_513 = arith.constant 0 : index
      %swap3A_514 = tpu.vector_load %arg7[%swap3A_511, %swap3A_512, %swap3A_513] {strides = array<i32>} : memref<3x128x128xf32, #tpu.memory_space<vmem>>, vector<1x1x16xf32>,
      %swap3A_515 = vector.shape_cast %swap3A_514 : vector<1x1x16xf32> to vector<16xf32>
      %swap3A_516 = vector.shape_cast %mul3A_510 : vector<16xf32> to vector<1x1x16xf32>
      tpu.vector_store %arg7[%swap3A_511, %swap3A_512, %swap3A_513], %swap3A_516 {strides = array<i32>} : memref<3x128x128xf32, #tpu.memory_space<vmem>>, vector<1x1x16xf32>,
      %get3A_517 = arith.constant 0 : i32
      %get3A_518 = arith.index_cast %get3A_517 : i32 to index
      %get3A_519 = arith.index_cast %scan3A_502 : i32 to index
      %get3A_520 = arith.constant 16 : index
      %get3A_521 = tpu.vector_load %arg6[%get3A_518, %get3A_519, %get3A_520] {strides = array<i32>} : memref<3x128x128xf32, #tpu.memory_space<vmem>>, vector<1x1x16xf32>,
      %get3A_522 = vector.shape_cast %get3A_521 : vector<1x1x16xf32> to vector<16xf32>
      %mul3A_523 = arith.constant 11.3137083 : f32
      %mul3A_524 = vector.broadcast %mul3A_523 : f32 to vector<16xf32>
      %mul3A_525 = arith.mulf %get3A_522, %mul3A_524 : vector<16xf32>
      %swap3A_526 = arith.constant 0 : i32
      %swap3A_527 = arith.index_cast %swap3A_526 : i32 to index
      %swap3A_528 = arith.index_cast %scan3A_502 : i32 to index
      %swap3A_529 = arith.constant 16 : index
      %swap3A_530 = tpu.vector_load %arg7[%swap3A_527, %swap3A_528, %swap3A_529] {strides = array<i32>} : memref<3x128x128xf32, #tpu.memory_space<vmem>>, vector<1x1x16xf32>,
      %swap3A_531 = vector.shape_cast %swap3A_530 : vector<1x1x16xf32> to vector<16xf32>
      %swap3A_532 = vector.shape_cast %mul3A_525 : vector<16xf32> to vector<1x1x16xf32>
      tpu.vector_store %arg7[%swap3A_527, %swap3A_528, %swap3A_529], %swap3A_532 {strides = array<i32>} : memref<3x128x128xf32, #tpu.memory_space<vmem>>, vector<1x1x16xf32>,
      %get3A_533 = arith.constant 0 : i32
      %get3A_534 = arith.index_cast %get3A_533 : i32 to index
      %get3A_535 = arith.index_cast %scan3A_502 : i32 to index
      %get3A_536 = arith.constant 32 : index
      %get3A_537 = tpu.vector_load %arg6[%get3A_534, %get3A_535, %get3A_536] {strides = array<i32>} : memref<3x128x128xf32, #tpu.memory_space<vmem>>, vector<1x1x16xf32>,
      %get3A_538 = vector.shape_cast %get3A_537 : vector<1x1x16xf32> to vector<16xf32>
      %mul3A_539 = arith.constant 11.3137083 : f32
      %mul3A_540 = vector.broadcast %mul3A_539 : f32 to vector<16xf32>
      %mul3A_541 = arith.mulf %get3A_538, %mul3A_540 : vector<16xf32>
      %swap3A_542 = arith.constant 0 : i32
      %swap3A_543 = arith.index_cast %swap3A_542 : i32 to index
      %swap3A_544 = arith.index_cast %scan3A_502 : i32 to index
      %swap3A_545 = arith.constant 32 : index
      %swap3A_546 = tpu.vector_load %arg7[%swap3A_543, %swap3A_544, %swap3A_545] {strides = array<i32>} : memref<3x128x128xf32, #tpu.memory_space<vmem>>, vector<1x1x16xf32>,
      %swap3A_547 = vector.shape_cast %swap3A_546 : vector<1x1x16xf32> to vector<16xf32>
      %swap3A_548 = vector.shape_cast %mul3A_541 : vector<16xf32> to vector<1x1x16xf32>
      tpu.vector_store %arg7[%swap3A_543, %swap3A_544, %swap3A_545], %swap3A_548 {strides = array<i32>} : memref<3x128x128xf32, #tpu.memory_space<vmem>>, vector<1x1x16xf32>,
      %get3A_549 = arith.constant 0 : i32
      %get3A_550 = arith.index_cast %get3A_549 : i32 to index
      %get3A_551 = arith.index_cast %scan3A_502 : i32 to index
      %get3A_552 = arith.constant 48 : index
      %get3A_553 = tpu.vector_load %arg6[%get3A_550, %get3A_551, %get3A_552] {strides = array<i32>} : memref<3x128x128xf32, #tpu.memory_space<vmem>>, vector<1x1x16xf32>,
      %get3A_554 = vector.shape_cast %get3A_553 : vector<1x1x16xf32> to vector<16xf32>
      %mul3A_555 = arith.constant 11.3137083 : f32
      %mul3A_556 = vector.broadcast %mul3A_555 : f32 to vector<16xf32>
      %mul3A_557 = arith.mulf %get3A_554, %mul3A_556 : vector<16xf32>
      %swap3A_558 = arith.constant 0 : i32
      %swap3A_559 = arith.index_cast %swap3A_558 : i32 to index
      %swap3A_560 = arith.index_cast %scan3A_502 : i32 to index
      %swap3A_561 = arith.constant 48 : index
      %swap3A_562 = tpu.vector_load %arg7[%swap3A_559, %swap3A_560, %swap3A_561] {strides = array<i32>} : memref<3x128x128xf32, #tpu.memory_space<vmem>>, vector<1x1x16xf32>,
      %swap3A_563 = vector.shape_cast %swap3A_562 : vector<1x1x16xf32> to vector<16xf32>
      %swap3A_564 = vector.shape_cast %mul3A_557 : vector<16xf32> to vector<1x1x16xf32>
      tpu.vector_store %arg7[%swap3A_559, %swap3A_560, %swap3A_561], %swap3A_564 {strides = array<i32>} : memref<3x128x128xf32, #tpu.memory_space<vmem>>, vector<1x1x16xf32>,
      %get3A_565 = arith.constant 0 : i32
      %get3A_566 = arith.index_cast %get3A_565 : i32 to index
      %get3A_567 = arith.index_cast %scan3A_502 : i32 to index
      %get3A_568 = arith.constant 64 : index
      %get3A_569 = tpu.vector_load %arg6[%get3A_566, %get3A_567, %get3A_568] {strides = array<i32>} : memref<3x128x128xf32, #tpu.memory_space<vmem>>, vector<1x1x16xf32>,
      %get3A_570 = vector.shape_cast %get3A_569 : vector<1x1x16xf32> to vector<16xf32>
      %mul3A_571 = arith.constant 11.3137083 : f32
      %mul3A_572 = vector.broadcast %mul3A_571 : f32 to vector<16xf32>
      %mul3A_573 = arith.mulf %get3A_570, %mul3A_572 : vector<16xf32>
      %swap3A_574 = arith.constant 0 : i32
      %swap3A_575 = arith.index_cast %swap3A_574 : i32 to index
      %swap3A_576 = arith.index_cast %scan3A_502 : i32 to index
      %swap3A_577 = arith.constant 64 : index
      %swap3A_578 = tpu.vector_load %arg7[%swap3A_575, %swap3A_576, %swap3A_577] {strides = array<i32>} : memref<3x128x128xf32, #tpu.memory_space<vmem>>, vector<1x1x16xf32>,
      %swap3A_579 = vector.shape_cast %swap3A_578 : vector<1x1x16xf32> to vector<16xf32>
      %swap3A_580 = vector.shape_cast %mul3A_573 : vector<16xf32> to vector<1x1x16xf32>
      tpu.vector_store %arg7[%swap3A_575, %swap3A_576, %swap3A_577], %swap3A_580 {strides = array<i32>} : memref<3x128x128xf32, #tpu.memory_space<vmem>>, vector<1x1x16xf32>,
      %get3A_581 = arith.constant 0 : i32
      %get3A_582 = arith.index_cast %get3A_581 : i32 to index
      %get3A_583 = arith.index_cast %scan3A_502 : i32 to index
      %get3A_584 = arith.constant 80 : index
      %get3A_585 = tpu.vector_load %arg6[%get3A_582, %get3A_583, %get3A_584] {strides = array<i32>} : memref<3x128x128xf32, #tpu.memory_space<vmem>>, vector<1x1x16xf32>,
      %get3A_586 = vector.shape_cast %get3A_585 : vector<1x1x16xf32> to vector<16xf32>
      %mul3A_587 = arith.constant 11.3137083 : f32
      %mul3A_588 = vector.broadcast %mul3A_587 : f32 to vector<16xf32>
      %mul3A_589 = arith.mulf %get3A_586, %mul3A_588 : vector<16xf32>
      %swap3A_590 = arith.constant 0 : i32
      %swap3A_591 = arith.index_cast %swap3A_590 : i32 to index
      %swap3A_592 = arith.index_cast %scan3A_502 : i32 to index
      %swap3A_593 = arith.constant 80 : index
      %swap3A_594 = tpu.vector_load %arg7[%swap3A_591, %swap3A_592, %swap3A_593] {strides = array<i32>} : memref<3x128x128xf32, #tpu.memory_space<vmem>>, vector<1x1x16xf32>,
      %swap3A_595 = vector.shape_cast %swap3A_594 : vector<1x1x16xf32> to vector<16xf32>
      %swap3A_596 = vector.shape_cast %mul3A_589 : vector<16xf32> to vector<1x1x16xf32>
      tpu.vector_store %arg7[%swap3A_591, %swap3A_592, %swap3A_593], %swap3A_596 {strides = array<i32>} : memref<3x128x128xf32, #tpu.memory_space<vmem>>, vector<1x1x16xf32>,
      %get3A_597 = arith.constant 0 : i32
      %get3A_598 = arith.index_cast %get3A_597 : i32 to index
      %get3A_599 = arith.index_cast %scan3A_502 : i32 to index
      %get3A_600 = arith.constant 96 : index
      %get3A_601 = tpu.vector_load %arg6[%get3A_598, %get3A_599, %get3A_600] {strides = array<i32>} : memref<3x128x128xf32, #tpu.memory_space<vmem>>, vector<1x1x16xf32>,
      %get3A_602 = vector.shape_cast %get3A_601 : vector<1x1x16xf32> to vector<16xf32>
      %mul3A_603 = arith.constant 11.3137083 : f32
      %mul3A_604 = vector.broadcast %mul3A_603 : f32 to vector<16xf32>
      %mul3A_605 = arith.mulf %get3A_602, %mul3A_604 : vector<16xf32>
      %swap3A_606 = arith.constant 0 : i32
      %swap3A_607 = arith.index_cast %swap3A_606 : i32 to index
      %swap3A_608 = arith.index_cast %scan3A_502 : i32 to index
      %swap3A_609 = arith.constant 96 : index
      %swap3A_610 = tpu.vector_load %arg7[%swap3A_607, %swap3A_608, %swap3A_609] {strides = array<i32>} : memref<3x128x128xf32, #tpu.memory_space<vmem>>, vector<1x1x16xf32>,
      %swap3A_611 = vector.shape_cast %swap3A_610 : vector<1x1x16xf32> to vector<16xf32>
      %swap3A_612 = vector.shape_cast %mul3A_605 : vector<16xf32> to vector<1x1x16xf32>
      tpu.vector_store %arg7[%swap3A_607, %swap3A_608, %swap3A_609], %swap3A_612 {strides = array<i32>} : memref<3x128x128xf32, #tpu.memory_space<vmem>>, vector<1x1x16xf32>,
      %get3A_613 = arith.constant 0 : i32
      %get3A_614 = arith.index_cast %get3A_613 : i32 to index
      %get3A_615 = arith.index_cast %scan3A_502 : i32 to index
      %get3A_616 = arith.constant 112 : index
      %get3A_617 = tpu.vector_load %arg6[%get3A_614, %get3A_615, %get3A_616] {strides = array<i32>} : memref<3x128x128xf32, #tpu.memory_space<vmem>>, vector<1x1x16xf32>,
      %get3A_618 = vector.shape_cast %get3A_617 : vector<1x1x16xf32> to vector<16xf32>
      %mul3A_619 = arith.constant 11.3137083 : f32
      %mul3A_620 = vector.broadcast %mul3A_619 : f32 to vector<16xf32>
      %mul3A_621 = arith.mulf %get3A_618, %mul3A_620 : vector<16xf32>
      %swap3A_622 = arith.constant 0 : i32
      %swap3A_623 = arith.index_cast %swap3A_622 : i32 to index
      %swap3A_624 = arith.index_cast %scan3A_502 : i32 to index
      %swap3A_625 = arith.constant 112 : index
      %swap3A_626 = tpu.vector_load %arg7[%swap3A_623, %swap3A_624, %swap3A_625] {strides = array<i32>} : memref<3x128x128xf32, #tpu.memory_space<vmem>>, vector<1x1x16xf32>,
      %swap3A_627 = vector.shape_cast %swap3A_626 : vector<1x1x16xf32> to vector<16xf32>
      %swap3A_628 = vector.shape_cast %mul3A_621 : vector<16xf32> to vector<1x1x16xf32>
      tpu.vector_store %arg7[%swap3A_623, %swap3A_624, %swap3A_625], %swap3A_628 {strides = array<i32>} : memref<3x128x128xf32, #tpu.memory_space<vmem>>, vector<1x1x16xf32>,
    }
    %scan3A_213 = arith.constant 128 : i32
    %dma_start3A_214 = arith.constant 0 : i32
    %dma_start3A_215 = arith.constant 45 : i32
    %dma_start3A_216 = arith.constant 0 : i32
    %dma_start3A_217 = arith.constant 0 : i32
    %dma_start3A_218 = tpu.memref_slice %arg7[%dma_start3A_214, %dma_start3A_216, %dma_start3A_217] : memref<3x128x128xf32, #tpu.memory_space<vmem>> -> memref<1x128x128xf32, #tpu.memory_space<vmem>>
    %dma_start3A_219 = tpu.memref_squeeze %dma_start3A_218 : memref<1x128x128xf32, #tpu.memory_space<vmem>> -> memref<128x128xf32, #tpu.memory_space<vmem>>
    %dma_start3A_220 = arith.constant 0 : i32
    %dma_start3A_221 = tpu.memref_slice %arg4[%dma_start3A_215, %mul3A_2, %dma_start3A_220] : memref<50x4096x128xf32, #tpu.memory_space<hbm>> -> memref<1x128x128xf32, #tpu.memory_space<hbm>>
    %dma_start3A_222 = tpu.memref_squeeze %dma_start3A_221 : memref<1x128x128xf32, #tpu.memory_space<hbm>> -> memref<128x128xf32, #tpu.memory_space<hbm>>
    %dma_start3A_223 = arith.constant 0 : i32
    %dma_start3A_224 = tpu.memref_slice %arg4[%dma_start3A_215, %mul3A_2, %dma_start3A_223] : memref<50x4096x128xf32, #tpu.memory_space<hbm>> -> memref<1x128x128xf32, #tpu.memory_space<hbm>>
    %dma_start3A_225 = tpu.memref_squeeze %dma_start3A_224 : memref<1x128x128xf32, #tpu.memory_space<hbm>> -> memref<128x128xf32, #tpu.memory_space<hbm>>
    %dma_start3A_226 = arith.constant 0 : i32
    %dma_start3A_227 = arith.constant 0 : i32
    %dma_start3A_228 = tpu.memref_slice %arg7[%dma_start3A_214, %dma_start3A_226, %dma_start3A_227] : memref<3x128x128xf32, #tpu.memory_space<vmem>> -> memref<1x128x128xf32, #tpu.memory_space<vmem>>
    %dma_start3A_229 = tpu.memref_squeeze %dma_start3A_228 : memref<1x128x128xf32, #tpu.memory_space<vmem>> -> memref<128x128xf32, #tpu.memory_space<vmem>>
    tpu.enqueue_dma source(%dma_start3A_229 : memref<128x128xf32, #tpu.memory_space<vmem>>) target(%dma_start3A_225 : memref<128x128xf32, #tpu.memory_space<hbm>>) target_semaphore(%arg11 : memref<!tpu.dma_semaphore, #tpu.memory_space<semaphore_mem>>)
    %dma_start3A_230 = arith.constant 48 : i32
    %dma_start3A_231 = arith.constant 0 : i32
    %dma_start3A_232 = arith.constant 0 : i32
    %dma_start3A_233 = arith.constant 0 : i32
    %dma_start3A_234 = tpu.memref_slice %arg6[%dma_start3A_231, %dma_start3A_232, %dma_start3A_233] : memref<3x128x128xf32, #tpu.memory_space<vmem>> -> memref<1x128x128xf32, #tpu.memory_space<vmem>>
    %dma_start3A_235 = tpu.memref_squeeze %dma_start3A_234 : memref<1x128x128xf32, #tpu.memory_space<vmem>> -> memref<128x128xf32, #tpu.memory_space<vmem>>
    %dma_start3A_236 = arith.constant 0 : i32
    %dma_start3A_237 = tpu.memref_slice %arg5[%dma_start3A_230, %dma_start3A_236] : memref<50x128xi32, #tpu.memory_space<vmem>> -> memref<1x128xi32, #tpu.memory_space<vmem>>
    %dma_start3A_238 = tpu.memref_squeeze %dma_start3A_237 : memref<1x128xi32, #tpu.memory_space<vmem>> -> memref<128xi32, #tpu.memory_space<vmem>>
    %dma_start3A_239 = arith.constant 0 : i32
    %dma_start3A_240 = arith.constant 0 : i32
    %dma_start3A_241 = tpu.memref_slice %arg3[%dma_start3A_239, %dma_start3A_240] : memref<100000x128xf32, #tpu.memory_space<hbm>> -> memref<100000x128xf32, #tpu.memory_space<hbm>>
    tpu.enqueue_indirect_dma source(%dma_start3A_241 : memref<100000x128xf32, #tpu.memory_space<hbm>>) target(%dma_start3A_235 : memref<128x128xf32, #tpu.memory_space<vmem>>) offsets(%dma_start3A_238 : memref<128xi32, #tpu.memory_space<vmem>>) semaphore(%arg8 : memref<!tpu.dma_semaphore, #tpu.memory_space<semaphore_mem>>)
    %dma_wait3A_242 = arith.constant 0 : i32
    %dma_wait3A_243 = arith.constant 1 : i32
    %dma_wait3A_244 = arith.constant 0 : i32
    %dma_wait3A_245 = arith.constant 0 : i32
    %dma_wait3A_246 = tpu.memref_slice %arg6[%dma_wait3A_243, %dma_wait3A_244, %dma_wait3A_245] : memref<3x128x128xf32, #tpu.memory_space<vmem>> -> memref<1x128x128xf32, #tpu.memory_space<vmem>>
    %dma_wait3A_247 = tpu.memref_squeeze %dma_wait3A_246 : memref<1x128x128xf32, #tpu.memory_space<vmem>> -> memref<128x128xf32, #tpu.memory_space<vmem>>
    %dma_wait3A_248 = arith.constant 0 : i32
    %dma_wait3A_249 = tpu.memref_slice %arg5[%dma_wait3A_242, %dma_wait3A_248] : memref<50x128xi32, #tpu.memory_space<vmem>> -> memref<1x128xi32, #tpu.memory_space<vmem>>
    %dma_wait3A_250 = tpu.memref_squeeze %dma_wait3A_249 : memref<1x128xi32, #tpu.memory_space<vmem>> -> memref<128xi32, #tpu.memory_space<vmem>>
    %dma_wait3A_251 = arith.constant 0 : i32
    %dma_wait3A_252 = arith.constant 0 : i32
    %dma_wait3A_253 = tpu.memref_slice %arg3[%dma_wait3A_251, %dma_wait3A_252] : memref<100000x128xf32, #tpu.memory_space<hbm>> -> memref<100000x128xf32, #tpu.memory_space<hbm>>
    tpu.wait_indirect_dma semaphore(%arg9 : memref<!tpu.dma_semaphore, #tpu.memory_space<semaphore_mem>>) src(%dma_wait3A_253 : memref<100000x128xf32, #tpu.memory_space<hbm>>) dst(%dma_wait3A_247 : memref<128x128xf32, #tpu.memory_space<vmem>>)
    %dma_wait3A_254 = arith.constant 1 : i32
    %dma_wait3A_255 = arith.constant 0 : i32
    %dma_wait3A_256 = arith.constant 0 : i32
    %dma_wait3A_257 = arith.constant 0 : i32
    %dma_wait3A_258 = tpu.memref_slice %arg7[%dma_wait3A_254, %dma_wait3A_256, %dma_wait3A_257] : memref<3x128x128xf32, #tpu.memory_space<vmem>> -> memref<1x128x128xf32, #tpu.memory_space<vmem>>
    %dma_wait3A_259 = tpu.memref_squeeze %dma_wait3A_258 : memref<1x128x128xf32, #tpu.memory_space<vmem>> -> memref<128x128xf32, #tpu.memory_space<vmem>>
    %dma_wait3A_260 = arith.constant 0 : i32
    %dma_wait3A_261 = tpu.memref_slice %arg4[%dma_wait3A_255, %mul3A_2, %dma_wait3A_260] : memref<50x4096x128xf32, #tpu.memory_space<hbm>> -> memref<1x128x128xf32, #tpu.memory_space<hbm>>
    %dma_wait3A_262 = tpu.memref_squeeze %dma_wait3A_261 : memref<1x128x128xf32, #tpu.memory_space<hbm>> -> memref<128x128xf32, #tpu.memory_space<hbm>>
    %dma_wait3A_263 = arith.constant 0 : i32
    %dma_wait3A_264 = tpu.memref_slice %arg4[%dma_wait3A_255, %mul3A_2, %dma_wait3A_263] : memref<50x4096x128xf32, #tpu.memory_space<hbm>> -> memref<1x128x128xf32, #tpu.memory_space<hbm>>
    %dma_wait3A_265 = tpu.memref_squeeze %dma_wait3A_264 : memref<1x128x128xf32, #tpu.memory_space<hbm>> -> memref<128x128xf32, #tpu.memory_space<hbm>>
    %dma_wait3A_266 = arith.constant 0 : i32
    %dma_wait3A_267 = arith.constant 0 : i32
    %dma_wait3A_268 = tpu.memref_slice %arg7[%dma_wait3A_254, %dma_wait3A_266, %dma_wait3A_267] : memref<3x128x128xf32, #tpu.memory_space<vmem>> -> memref<1x128x128xf32, #tpu.memory_space<vmem>>
    %dma_wait3A_269 = tpu.memref_squeeze %dma_wait3A_268 : memref<1x128x128xf32, #tpu.memory_space<vmem>> -> memref<128x128xf32, #tpu.memory_space<vmem>>
    tpu.wait_dma2 semaphore(%arg12 : memref<!tpu.dma_semaphore, #tpu.memory_space<semaphore_mem>>) src(%dma_wait3A_269 : memref<128x128xf32, #tpu.memory_space<vmem>>) dst(%dma_wait3A_265 : memref<128x128xf32, #tpu.memory_space<hbm>>)
    %scan3A_270 = arith.constant 0 : i32
    %scan3A_271 = arith.constant 0 : i32
    %scan3A_272 = arith.constant 128 : i32
    %scan3A_273 = arith.addi %scan3A_271, %scan3A_272 : i32
    %scan3A_274 = arith.constant 1 : i32
    scf.for %scan3A_502 = %scan3A_271 to %scan3A_273 step %scan3A_274  : i32 {
      %get3A = arith.constant 1 : i32
      %get3A_503 = arith.index_cast %get3A : i32 to index
      %get3A_504 = arith.index_cast %scan3A_502 : i32 to index
      %get3A_505 = arith.constant 0 : index
      %get3A_506 = tpu.vector_load %arg6[%get3A_503, %get3A_504, %get3A_505] {strides = array<i32>} : memref<3x128x128xf32, #tpu.memory_space<vmem>>, vector<1x1x16xf32>,
      %get3A_507 = vector.shape_cast %get3A_506 : vector<1x1x16xf32> to vector<16xf32>
      %mul3A_508 = arith.constant 11.3137083 : f32
      %mul3A_509 = vector.broadcast %mul3A_508 : f32 to vector<16xf32>
      %mul3A_510 = arith.mulf %get3A_507, %mul3A_509 : vector<16xf32>
      %swap3A = arith.constant 1 : i32
      %swap3A_511 = arith.index_cast %swap3A : i32 to index
      %swap3A_512 = arith.index_cast %scan3A_502 : i32 to index
      %swap3A_513 = arith.constant 0 : index
      %swap3A_514 = tpu.vector_load %arg7[%swap3A_511, %swap3A_512, %swap3A_513] {strides = array<i32>} : memref<3x128x128xf32, #tpu.memory_space<vmem>>, vector<1x1x16xf32>,
      %swap3A_515 = vector.shape_cast %swap3A_514 : vector<1x1x16xf32> to vector<16xf32>
      %swap3A_516 = vector.shape_cast %mul3A_510 : vector<16xf32> to vector<1x1x16xf32>
      tpu.vector_store %arg7[%swap3A_511, %swap3A_512, %swap3A_513], %swap3A_516 {strides = array<i32>} : memref<3x128x128xf32, #tpu.memory_space<vmem>>, vector<1x1x16xf32>,
      %get3A_517 = arith.constant 1 : i32
      %get3A_518 = arith.index_cast %get3A_517 : i32 to index
      %get3A_519 = arith.index_cast %scan3A_502 : i32 to index
      %get3A_520 = arith.constant 16 : index
      %get3A_521 = tpu.vector_load %arg6[%get3A_518, %get3A_519, %get3A_520] {strides = array<i32>} : memref<3x128x128xf32, #tpu.memory_space<vmem>>, vector<1x1x16xf32>,
      %get3A_522 = vector.shape_cast %get3A_521 : vector<1x1x16xf32> to vector<16xf32>
      %mul3A_523 = arith.constant 11.3137083 : f32
      %mul3A_524 = vector.broadcast %mul3A_523 : f32 to vector<16xf32>
      %mul3A_525 = arith.mulf %get3A_522, %mul3A_524 : vector<16xf32>
      %swap3A_526 = arith.constant 1 : i32
      %swap3A_527 = arith.index_cast %swap3A_526 : i32 to index
      %swap3A_528 = arith.index_cast %scan3A_502 : i32 to index
      %swap3A_529 = arith.constant 16 : index
      %swap3A_530 = tpu.vector_load %arg7[%swap3A_527, %swap3A_528, %swap3A_529] {strides = array<i32>} : memref<3x128x128xf32, #tpu.memory_space<vmem>>, vector<1x1x16xf32>,
      %swap3A_531 = vector.shape_cast %swap3A_530 : vector<1x1x16xf32> to vector<16xf32>
      %swap3A_532 = vector.shape_cast %mul3A_525 : vector<16xf32> to vector<1x1x16xf32>
      tpu.vector_store %arg7[%swap3A_527, %swap3A_528, %swap3A_529], %swap3A_532 {strides = array<i32>} : memref<3x128x128xf32, #tpu.memory_space<vmem>>, vector<1x1x16xf32>,
      %get3A_533 = arith.constant 1 : i32
      %get3A_534 = arith.index_cast %get3A_533 : i32 to index
      %get3A_535 = arith.index_cast %scan3A_502 : i32 to index
      %get3A_536 = arith.constant 32 : index
      %get3A_537 = tpu.vector_load %arg6[%get3A_534, %get3A_535, %get3A_536] {strides = array<i32>} : memref<3x128x128xf32, #tpu.memory_space<vmem>>, vector<1x1x16xf32>,
      %get3A_538 = vector.shape_cast %get3A_537 : vector<1x1x16xf32> to vector<16xf32>
      %mul3A_539 = arith.constant 11.3137083 : f32
      %mul3A_540 = vector.broadcast %mul3A_539 : f32 to vector<16xf32>
      %mul3A_541 = arith.mulf %get3A_538, %mul3A_540 : vector<16xf32>
      %swap3A_542 = arith.constant 1 : i32
      %swap3A_543 = arith.index_cast %swap3A_542 : i32 to index
      %swap3A_544 = arith.index_cast %scan3A_502 : i32 to index
      %swap3A_545 = arith.constant 32 : index
      %swap3A_546 = tpu.vector_load %arg7[%swap3A_543, %swap3A_544, %swap3A_545] {strides = array<i32>} : memref<3x128x128xf32, #tpu.memory_space<vmem>>, vector<1x1x16xf32>,
      %swap3A_547 = vector.shape_cast %swap3A_546 : vector<1x1x16xf32> to vector<16xf32>
      %swap3A_548 = vector.shape_cast %mul3A_541 : vector<16xf32> to vector<1x1x16xf32>
      tpu.vector_store %arg7[%swap3A_543, %swap3A_544, %swap3A_545], %swap3A_548 {strides = array<i32>} : memref<3x128x128xf32, #tpu.memory_space<vmem>>, vector<1x1x16xf32>,
      %get3A_549 = arith.constant 1 : i32
      %get3A_550 = arith.index_cast %get3A_549 : i32 to index
      %get3A_551 = arith.index_cast %scan3A_502 : i32 to index
      %get3A_552 = arith.constant 48 : index
      %get3A_553 = tpu.vector_load %arg6[%get3A_550, %get3A_551, %get3A_552] {strides = array<i32>} : memref<3x128x128xf32, #tpu.memory_space<vmem>>, vector<1x1x16xf32>,
      %get3A_554 = vector.shape_cast %get3A_553 : vector<1x1x16xf32> to vector<16xf32>
      %mul3A_555 = arith.constant 11.3137083 : f32
      %mul3A_556 = vector.broadcast %mul3A_555 : f32 to vector<16xf32>
      %mul3A_557 = arith.mulf %get3A_554, %mul3A_556 : vector<16xf32>
      %swap3A_558 = arith.constant 1 : i32
      %swap3A_559 = arith.index_cast %swap3A_558 : i32 to index
      %swap3A_560 = arith.index_cast %scan3A_502 : i32 to index
      %swap3A_561 = arith.constant 48 : index
      %swap3A_562 = tpu.vector_load %arg7[%swap3A_559, %swap3A_560, %swap3A_561] {strides = array<i32>} : memref<3x128x128xf32, #tpu.memory_space<vmem>>, vector<1x1x16xf32>,
      %swap3A_563 = vector.shape_cast %swap3A_562 : vector<1x1x16xf32> to vector<16xf32>
      %swap3A_564 = vector.shape_cast %mul3A_557 : vector<16xf32> to vector<1x1x16xf32>
      tpu.vector_store %arg7[%swap3A_559, %swap3A_560, %swap3A_561], %swap3A_564 {strides = array<i32>} : memref<3x128x128xf32, #tpu.memory_space<vmem>>, vector<1x1x16xf32>,
      %get3A_565 = arith.constant 1 : i32
      %get3A_566 = arith.index_cast %get3A_565 : i32 to index
      %get3A_567 = arith.index_cast %scan3A_502 : i32 to index
      %get3A_568 = arith.constant 64 : index
      %get3A_569 = tpu.vector_load %arg6[%get3A_566, %get3A_567, %get3A_568] {strides = array<i32>} : memref<3x128x128xf32, #tpu.memory_space<vmem>>, vector<1x1x16xf32>,
      %get3A_570 = vector.shape_cast %get3A_569 : vector<1x1x16xf32> to vector<16xf32>
      %mul3A_571 = arith.constant 11.3137083 : f32
      %mul3A_572 = vector.broadcast %mul3A_571 : f32 to vector<16xf32>
      %mul3A_573 = arith.mulf %get3A_570, %mul3A_572 : vector<16xf32>
      %swap3A_574 = arith.constant 1 : i32
      %swap3A_575 = arith.index_cast %swap3A_574 : i32 to index
      %swap3A_576 = arith.index_cast %scan3A_502 : i32 to index
      %swap3A_577 = arith.constant 64 : index
      %swap3A_578 = tpu.vector_load %arg7[%swap3A_575, %swap3A_576, %swap3A_577] {strides = array<i32>} : memref<3x128x128xf32, #tpu.memory_space<vmem>>, vector<1x1x16xf32>,
      %swap3A_579 = vector.shape_cast %swap3A_578 : vector<1x1x16xf32> to vector<16xf32>
      %swap3A_580 = vector.shape_cast %mul3A_573 : vector<16xf32> to vector<1x1x16xf32>
      tpu.vector_store %arg7[%swap3A_575, %swap3A_576, %swap3A_577], %swap3A_580 {strides = array<i32>} : memref<3x128x128xf32, #tpu.memory_space<vmem>>, vector<1x1x16xf32>,
      %get3A_581 = arith.constant 1 : i32
      %get3A_582 = arith.index_cast %get3A_581 : i32 to index
      %get3A_583 = arith.index_cast %scan3A_502 : i32 to index
      %get3A_584 = arith.constant 80 : index
      %get3A_585 = tpu.vector_load %arg6[%get3A_582, %get3A_583, %get3A_584] {strides = array<i32>} : memref<3x128x128xf32, #tpu.memory_space<vmem>>, vector<1x1x16xf32>,
      %get3A_586 = vector.shape_cast %get3A_585 : vector<1x1x16xf32> to vector<16xf32>
      %mul3A_587 = arith.constant 11.3137083 : f32
      %mul3A_588 = vector.broadcast %mul3A_587 : f32 to vector<16xf32>
      %mul3A_589 = arith.mulf %get3A_586, %mul3A_588 : vector<16xf32>
      %swap3A_590 = arith.constant 1 : i32
      %swap3A_591 = arith.index_cast %swap3A_590 : i32 to index
      %swap3A_592 = arith.index_cast %scan3A_502 : i32 to index
      %swap3A_593 = arith.constant 80 : index
      %swap3A_594 = tpu.vector_load %arg7[%swap3A_591, %swap3A_592, %swap3A_593] {strides = array<i32>} : memref<3x128x128xf32, #tpu.memory_space<vmem>>, vector<1x1x16xf32>,
      %swap3A_595 = vector.shape_cast %swap3A_594 : vector<1x1x16xf32> to vector<16xf32>
      %swap3A_596 = vector.shape_cast %mul3A_589 : vector<16xf32> to vector<1x1x16xf32>
      tpu.vector_store %arg7[%swap3A_591, %swap3A_592, %swap3A_593], %swap3A_596 {strides = array<i32>} : memref<3x128x128xf32, #tpu.memory_space<vmem>>, vector<1x1x16xf32>,
      %get3A_597 = arith.constant 1 : i32
      %get3A_598 = arith.index_cast %get3A_597 : i32 to index
      %get3A_599 = arith.index_cast %scan3A_502 : i32 to index
      %get3A_600 = arith.constant 96 : index
      %get3A_601 = tpu.vector_load %arg6[%get3A_598, %get3A_599, %get3A_600] {strides = array<i32>} : memref<3x128x128xf32, #tpu.memory_space<vmem>>, vector<1x1x16xf32>,
      %get3A_602 = vector.shape_cast %get3A_601 : vector<1x1x16xf32> to vector<16xf32>
      %mul3A_603 = arith.constant 11.3137083 : f32
      %mul3A_604 = vector.broadcast %mul3A_603 : f32 to vector<16xf32>
      %mul3A_605 = arith.mulf %get3A_602, %mul3A_604 : vector<16xf32>
      %swap3A_606 = arith.constant 1 : i32
      %swap3A_607 = arith.index_cast %swap3A_606 : i32 to index
      %swap3A_608 = arith.index_cast %scan3A_502 : i32 to index
      %swap3A_609 = arith.constant 96 : index
      %swap3A_610 = tpu.vector_load %arg7[%swap3A_607, %swap3A_608, %swap3A_609] {strides = array<i32>} : memref<3x128x128xf32, #tpu.memory_space<vmem>>, vector<1x1x16xf32>,
      %swap3A_611 = vector.shape_cast %swap3A_610 : vector<1x1x16xf32> to vector<16xf32>
      %swap3A_612 = vector.shape_cast %mul3A_605 : vector<16xf32> to vector<1x1x16xf32>
      tpu.vector_store %arg7[%swap3A_607, %swap3A_608, %swap3A_609], %swap3A_612 {strides = array<i32>} : memref<3x128x128xf32, #tpu.memory_space<vmem>>, vector<1x1x16xf32>,
      %get3A_613 = arith.constant 1 : i32
      %get3A_614 = arith.index_cast %get3A_613 : i32 to index
      %get3A_615 = arith.index_cast %scan3A_502 : i32 to index
      %get3A_616 = arith.constant 112 : index
      %get3A_617 = tpu.vector_load %arg6[%get3A_614, %get3A_615, %get3A_616] {strides = array<i32>} : memref<3x128x128xf32, #tpu.memory_space<vmem>>, vector<1x1x16xf32>,
      %get3A_618 = vector.shape_cast %get3A_617 : vector<1x1x16xf32> to vector<16xf32>
      %mul3A_619 = arith.constant 11.3137083 : f32
      %mul3A_620 = vector.broadcast %mul3A_619 : f32 to vector<16xf32>
      %mul3A_621 = arith.mulf %get3A_618, %mul3A_620 : vector<16xf32>
      %swap3A_622 = arith.constant 1 : i32
      %swap3A_623 = arith.index_cast %swap3A_622 : i32 to index
      %swap3A_624 = arith.index_cast %scan3A_502 : i32 to index
      %swap3A_625 = arith.constant 112 : index
      %swap3A_626 = tpu.vector_load %arg7[%swap3A_623, %swap3A_624, %swap3A_625] {strides = array<i32>} : memref<3x128x128xf32, #tpu.memory_space<vmem>>, vector<1x1x16xf32>,
      %swap3A_627 = vector.shape_cast %swap3A_626 : vector<1x1x16xf32> to vector<16xf32>
      %swap3A_628 = vector.shape_cast %mul3A_621 : vector<16xf32> to vector<1x1x16xf32>
      tpu.vector_store %arg7[%swap3A_623, %swap3A_624, %swap3A_625], %swap3A_628 {strides = array<i32>} : memref<3x128x128xf32, #tpu.memory_space<vmem>>, vector<1x1x16xf32>,
    }
    %scan3A_275 = arith.constant 128 : i32
    %dma_start3A_276 = arith.constant 1 : i32
    %dma_start3A_277 = arith.constant 46 : i32
    %dma_start3A_278 = arith.constant 0 : i32
    %dma_start3A_279 = arith.constant 0 : i32
    %dma_start3A_280 = tpu.memref_slice %arg7[%dma_start3A_276, %dma_start3A_278, %dma_start3A_279] : memref<3x128x128xf32, #tpu.memory_space<vmem>> -> memref<1x128x128xf32, #tpu.memory_space<vmem>>
    %dma_start3A_281 = tpu.memref_squeeze %dma_start3A_280 : memref<1x128x128xf32, #tpu.memory_space<vmem>> -> memref<128x128xf32, #tpu.memory_space<vmem>>
    %dma_start3A_282 = arith.constant 0 : i32
    %dma_start3A_283 = tpu.memref_slice %arg4[%dma_start3A_277, %mul3A_2, %dma_start3A_282] : memref<50x4096x128xf32, #tpu.memory_space<hbm>> -> memref<1x128x128xf32, #tpu.memory_space<hbm>>
    %dma_start3A_284 = tpu.memref_squeeze %dma_start3A_283 : memref<1x128x128xf32, #tpu.memory_space<hbm>> -> memref<128x128xf32, #tpu.memory_space<hbm>>
    %dma_start3A_285 = arith.constant 0 : i32
    %dma_start3A_286 = tpu.memref_slice %arg4[%dma_start3A_277, %mul3A_2, %dma_start3A_285] : memref<50x4096x128xf32, #tpu.memory_space<hbm>> -> memref<1x128x128xf32, #tpu.memory_space<hbm>>
    %dma_start3A_287 = tpu.memref_squeeze %dma_start3A_286 : memref<1x128x128xf32, #tpu.memory_space<hbm>> -> memref<128x128xf32, #tpu.memory_space<hbm>>
    %dma_start3A_288 = arith.constant 0 : i32
    %dma_start3A_289 = arith.constant 0 : i32
    %dma_start3A_290 = tpu.memref_slice %arg7[%dma_start3A_276, %dma_start3A_288, %dma_start3A_289] : memref<3x128x128xf32, #tpu.memory_space<vmem>> -> memref<1x128x128xf32, #tpu.memory_space<vmem>>
    %dma_start3A_291 = tpu.memref_squeeze %dma_start3A_290 : memref<1x128x128xf32, #tpu.memory_space<vmem>> -> memref<128x128xf32, #tpu.memory_space<vmem>>
    tpu.enqueue_dma source(%dma_start3A_291 : memref<128x128xf32, #tpu.memory_space<vmem>>) target(%dma_start3A_287 : memref<128x128xf32, #tpu.memory_space<hbm>>) target_semaphore(%arg12 : memref<!tpu.dma_semaphore, #tpu.memory_space<semaphore_mem>>)
    %dma_start3A_292 = arith.constant 49 : i32
    %dma_start3A_293 = arith.constant 1 : i32
    %dma_start3A_294 = arith.constant 0 : i32
    %dma_start3A_295 = arith.constant 0 : i32
    %dma_start3A_296 = tpu.memref_slice %arg6[%dma_start3A_293, %dma_start3A_294, %dma_start3A_295] : memref<3x128x128xf32, #tpu.memory_space<vmem>> -> memref<1x128x128xf32, #tpu.memory_space<vmem>>
    %dma_start3A_297 = tpu.memref_squeeze %dma_start3A_296 : memref<1x128x128xf32, #tpu.memory_space<vmem>> -> memref<128x128xf32, #tpu.memory_space<vmem>>
    %dma_start3A_298 = arith.constant 0 : i32
    %dma_start3A_299 = tpu.memref_slice %arg5[%dma_start3A_292, %dma_start3A_298] : memref<50x128xi32, #tpu.memory_space<vmem>> -> memref<1x128xi32, #tpu.memory_space<vmem>>
    %dma_start3A_300 = tpu.memref_squeeze %dma_start3A_299 : memref<1x128xi32, #tpu.memory_space<vmem>> -> memref<128xi32, #tpu.memory_space<vmem>>
    %dma_start3A_301 = arith.constant 0 : i32
    %dma_start3A_302 = arith.constant 0 : i32
    %dma_start3A_303 = tpu.memref_slice %arg3[%dma_start3A_301, %dma_start3A_302] : memref<100000x128xf32, #tpu.memory_space<hbm>> -> memref<100000x128xf32, #tpu.memory_space<hbm>>
    tpu.enqueue_indirect_dma source(%dma_start3A_303 : memref<100000x128xf32, #tpu.memory_space<hbm>>) target(%dma_start3A_297 : memref<128x128xf32, #tpu.memory_space<vmem>>) offsets(%dma_start3A_300 : memref<128xi32, #tpu.memory_space<vmem>>) semaphore(%arg9 : memref<!tpu.dma_semaphore, #tpu.memory_space<semaphore_mem>>)
    %dma_wait3A_304 = arith.constant 0 : i32
    %dma_wait3A_305 = arith.constant 2 : i32
    %dma_wait3A_306 = arith.constant 0 : i32
    %dma_wait3A_307 = arith.constant 0 : i32
    %dma_wait3A_308 = tpu.memref_slice %arg6[%dma_wait3A_305, %dma_wait3A_306, %dma_wait3A_307] : memref<3x128x128xf32, #tpu.memory_space<vmem>> -> memref<1x128x128xf32, #tpu.memory_space<vmem>>
    %dma_wait3A_309 = tpu.memref_squeeze %dma_wait3A_308 : memref<1x128x128xf32, #tpu.memory_space<vmem>> -> memref<128x128xf32, #tpu.memory_space<vmem>>
    %dma_wait3A_310 = arith.constant 0 : i32
    %dma_wait3A_311 = tpu.memref_slice %arg5[%dma_wait3A_304, %dma_wait3A_310] : memref<50x128xi32, #tpu.memory_space<vmem>> -> memref<1x128xi32, #tpu.memory_space<vmem>>
    %dma_wait3A_312 = tpu.memref_squeeze %dma_wait3A_311 : memref<1x128xi32, #tpu.memory_space<vmem>> -> memref<128xi32, #tpu.memory_space<vmem>>
    %dma_wait3A_313 = arith.constant 0 : i32
    %dma_wait3A_314 = arith.constant 0 : i32
    %dma_wait3A_315 = tpu.memref_slice %arg3[%dma_wait3A_313, %dma_wait3A_314] : memref<100000x128xf32, #tpu.memory_space<hbm>> -> memref<100000x128xf32, #tpu.memory_space<hbm>>
    tpu.wait_indirect_dma semaphore(%arg10 : memref<!tpu.dma_semaphore, #tpu.memory_space<semaphore_mem>>) src(%dma_wait3A_315 : memref<100000x128xf32, #tpu.memory_space<hbm>>) dst(%dma_wait3A_309 : memref<128x128xf32, #tpu.memory_space<vmem>>)
    %dma_wait3A_316 = arith.constant 2 : i32
    %dma_wait3A_317 = arith.constant 0 : i32
    %dma_wait3A_318 = arith.constant 0 : i32
    %dma_wait3A_319 = arith.constant 0 : i32
    %dma_wait3A_320 = tpu.memref_slice %arg7[%dma_wait3A_316, %dma_wait3A_318, %dma_wait3A_319] : memref<3x128x128xf32, #tpu.memory_space<vmem>> -> memref<1x128x128xf32, #tpu.memory_space<vmem>>
    %dma_wait3A_321 = tpu.memref_squeeze %dma_wait3A_320 : memref<1x128x128xf32, #tpu.memory_space<vmem>> -> memref<128x128xf32, #tpu.memory_space<vmem>>
    %dma_wait3A_322 = arith.constant 0 : i32
    %dma_wait3A_323 = tpu.memref_slice %arg4[%dma_wait3A_317, %mul3A_2, %dma_wait3A_322] : memref<50x4096x128xf32, #tpu.memory_space<hbm>> -> memref<1x128x128xf32, #tpu.memory_space<hbm>>
    %dma_wait3A_324 = tpu.memref_squeeze %dma_wait3A_323 : memref<1x128x128xf32, #tpu.memory_space<hbm>> -> memref<128x128xf32, #tpu.memory_space<hbm>>
    %dma_wait3A_325 = arith.constant 0 : i32
    %dma_wait3A_326 = tpu.memref_slice %arg4[%dma_wait3A_317, %mul3A_2, %dma_wait3A_325] : memref<50x4096x128xf32, #tpu.memory_space<hbm>> -> memref<1x128x128xf32, #tpu.memory_space<hbm>>
    %dma_wait3A_327 = tpu.memref_squeeze %dma_wait3A_326 : memref<1x128x128xf32, #tpu.memory_space<hbm>> -> memref<128x128xf32, #tpu.memory_space<hbm>>
    %dma_wait3A_328 = arith.constant 0 : i32
    %dma_wait3A_329 = arith.constant 0 : i32
    %dma_wait3A_330 = tpu.memref_slice %arg7[%dma_wait3A_316, %dma_wait3A_328, %dma_wait3A_329] : memref<3x128x128xf32, #tpu.memory_space<vmem>> -> memref<1x128x128xf32, #tpu.memory_space<vmem>>
    %dma_wait3A_331 = tpu.memref_squeeze %dma_wait3A_330 : memref<1x128x128xf32, #tpu.memory_space<vmem>> -> memref<128x128xf32, #tpu.memory_space<vmem>>
    tpu.wait_dma2 semaphore(%arg13 : memref<!tpu.dma_semaphore, #tpu.memory_space<semaphore_mem>>) src(%dma_wait3A_331 : memref<128x128xf32, #tpu.memory_space<vmem>>) dst(%dma_wait3A_327 : memref<128x128xf32, #tpu.memory_space<hbm>>)
    %scan3A_332 = arith.constant 0 : i32
    %scan3A_333 = arith.constant 0 : i32
    %scan3A_334 = arith.constant 128 : i32
    %scan3A_335 = arith.addi %scan3A_333, %scan3A_334 : i32
    %scan3A_336 = arith.constant 1 : i32
    scf.for %scan3A_502 = %scan3A_333 to %scan3A_335 step %scan3A_336  : i32 {
      %get3A = arith.constant 2 : i32
      %get3A_503 = arith.index_cast %get3A : i32 to index
      %get3A_504 = arith.index_cast %scan3A_502 : i32 to index
      %get3A_505 = arith.constant 0 : index
      %get3A_506 = tpu.vector_load %arg6[%get3A_503, %get3A_504, %get3A_505] {strides = array<i32>} : memref<3x128x128xf32, #tpu.memory_space<vmem>>, vector<1x1x16xf32>,
      %get3A_507 = vector.shape_cast %get3A_506 : vector<1x1x16xf32> to vector<16xf32>
      %mul3A_508 = arith.constant 11.3137083 : f32
      %mul3A_509 = vector.broadcast %mul3A_508 : f32 to vector<16xf32>
      %mul3A_510 = arith.mulf %get3A_507, %mul3A_509 : vector<16xf32>
      %swap3A = arith.constant 2 : i32
      %swap3A_511 = arith.index_cast %swap3A : i32 to index
      %swap3A_512 = arith.index_cast %scan3A_502 : i32 to index
      %swap3A_513 = arith.constant 0 : index
      %swap3A_514 = tpu.vector_load %arg7[%swap3A_511, %swap3A_512, %swap3A_513] {strides = array<i32>} : memref<3x128x128xf32, #tpu.memory_space<vmem>>, vector<1x1x16xf32>,
      %swap3A_515 = vector.shape_cast %swap3A_514 : vector<1x1x16xf32> to vector<16xf32>
      %swap3A_516 = vector.shape_cast %mul3A_510 : vector<16xf32> to vector<1x1x16xf32>
      tpu.vector_store %arg7[%swap3A_511, %swap3A_512, %swap3A_513], %swap3A_516 {strides = array<i32>} : memref<3x128x128xf32, #tpu.memory_space<vmem>>, vector<1x1x16xf32>,
      %get3A_517 = arith.constant 2 : i32
      %get3A_518 = arith.index_cast %get3A_517 : i32 to index
      %get3A_519 = arith.index_cast %scan3A_502 : i32 to index
      %get3A_520 = arith.constant 16 : index
      %get3A_521 = tpu.vector_load %arg6[%get3A_518, %get3A_519, %get3A_520] {strides = array<i32>} : memref<3x128x128xf32, #tpu.memory_space<vmem>>, vector<1x1x16xf32>,
      %get3A_522 = vector.shape_cast %get3A_521 : vector<1x1x16xf32> to vector<16xf32>
      %mul3A_523 = arith.constant 11.3137083 : f32
      %mul3A_524 = vector.broadcast %mul3A_523 : f32 to vector<16xf32>
      %mul3A_525 = arith.mulf %get3A_522, %mul3A_524 : vector<16xf32>
      %swap3A_526 = arith.constant 2 : i32
      %swap3A_527 = arith.index_cast %swap3A_526 : i32 to index
      %swap3A_528 = arith.index_cast %scan3A_502 : i32 to index
      %swap3A_529 = arith.constant 16 : index
      %swap3A_530 = tpu.vector_load %arg7[%swap3A_527, %swap3A_528, %swap3A_529] {strides = array<i32>} : memref<3x128x128xf32, #tpu.memory_space<vmem>>, vector<1x1x16xf32>,
      %swap3A_531 = vector.shape_cast %swap3A_530 : vector<1x1x16xf32> to vector<16xf32>
      %swap3A_532 = vector.shape_cast %mul3A_525 : vector<16xf32> to vector<1x1x16xf32>
      tpu.vector_store %arg7[%swap3A_527, %swap3A_528, %swap3A_529], %swap3A_532 {strides = array<i32>} : memref<3x128x128xf32, #tpu.memory_space<vmem>>, vector<1x1x16xf32>,
      %get3A_533 = arith.constant 2 : i32
      %get3A_534 = arith.index_cast %get3A_533 : i32 to index
      %get3A_535 = arith.index_cast %scan3A_502 : i32 to index
      %get3A_536 = arith.constant 32 : index
      %get3A_537 = tpu.vector_load %arg6[%get3A_534, %get3A_535, %get3A_536] {strides = array<i32>} : memref<3x128x128xf32, #tpu.memory_space<vmem>>, vector<1x1x16xf32>,
      %get3A_538 = vector.shape_cast %get3A_537 : vector<1x1x16xf32> to vector<16xf32>
      %mul3A_539 = arith.constant 11.3137083 : f32
      %mul3A_540 = vector.broadcast %mul3A_539 : f32 to vector<16xf32>
      %mul3A_541 = arith.mulf %get3A_538, %mul3A_540 : vector<16xf32>
      %swap3A_542 = arith.constant 2 : i32
      %swap3A_543 = arith.index_cast %swap3A_542 : i32 to index
      %swap3A_544 = arith.index_cast %scan3A_502 : i32 to index
      %swap3A_545 = arith.constant 32 : index
      %swap3A_546 = tpu.vector_load %arg7[%swap3A_543, %swap3A_544, %swap3A_545] {strides = array<i32>} : memref<3x128x128xf32, #tpu.memory_space<vmem>>, vector<1x1x16xf32>,
      %swap3A_547 = vector.shape_cast %swap3A_546 : vector<1x1x16xf32> to vector<16xf32>
      %swap3A_548 = vector.shape_cast %mul3A_541 : vector<16xf32> to vector<1x1x16xf32>
      tpu.vector_store %arg7[%swap3A_543, %swap3A_544, %swap3A_545], %swap3A_548 {strides = array<i32>} : memref<3x128x128xf32, #tpu.memory_space<vmem>>, vector<1x1x16xf32>,
      %get3A_549 = arith.constant 2 : i32
      %get3A_550 = arith.index_cast %get3A_549 : i32 to index
      %get3A_551 = arith.index_cast %scan3A_502 : i32 to index
      %get3A_552 = arith.constant 48 : index
      %get3A_553 = tpu.vector_load %arg6[%get3A_550, %get3A_551, %get3A_552] {strides = array<i32>} : memref<3x128x128xf32, #tpu.memory_space<vmem>>, vector<1x1x16xf32>,
      %get3A_554 = vector.shape_cast %get3A_553 : vector<1x1x16xf32> to vector<16xf32>
      %mul3A_555 = arith.constant 11.3137083 : f32
      %mul3A_556 = vector.broadcast %mul3A_555 : f32 to vector<16xf32>
      %mul3A_557 = arith.mulf %get3A_554, %mul3A_556 : vector<16xf32>
      %swap3A_558 = arith.constant 2 : i32
      %swap3A_559 = arith.index_cast %swap3A_558 : i32 to index
      %swap3A_560 = arith.index_cast %scan3A_502 : i32 to index
      %swap3A_561 = arith.constant 48 : index
      %swap3A_562 = tpu.vector_load %arg7[%swap3A_559, %swap3A_560, %swap3A_561] {strides = array<i32>} : memref<3x128x128xf32, #tpu.memory_space<vmem>>, vector<1x1x16xf32>,
      %swap3A_563 = vector.shape_cast %swap3A_562 : vector<1x1x16xf32> to vector<16xf32>
      %swap3A_564 = vector.shape_cast %mul3A_557 : vector<16xf32> to vector<1x1x16xf32>
      tpu.vector_store %arg7[%swap3A_559, %swap3A_560, %swap3A_561], %swap3A_564 {strides = array<i32>} : memref<3x128x128xf32, #tpu.memory_space<vmem>>, vector<1x1x16xf32>,
      %get3A_565 = arith.constant 2 : i32
      %get3A_566 = arith.index_cast %get3A_565 : i32 to index
      %get3A_567 = arith.index_cast %scan3A_502 : i32 to index
      %get3A_568 = arith.constant 64 : index
      %get3A_569 = tpu.vector_load %arg6[%get3A_566, %get3A_567, %get3A_568] {strides = array<i32>} : memref<3x128x128xf32, #tpu.memory_space<vmem>>, vector<1x1x16xf32>,
      %get3A_570 = vector.shape_cast %get3A_569 : vector<1x1x16xf32> to vector<16xf32>
      %mul3A_571 = arith.constant 11.3137083 : f32
      %mul3A_572 = vector.broadcast %mul3A_571 : f32 to vector<16xf32>
      %mul3A_573 = arith.mulf %get3A_570, %mul3A_572 : vector<16xf32>
      %swap3A_574 = arith.constant 2 : i32
      %swap3A_575 = arith.index_cast %swap3A_574 : i32 to index
      %swap3A_576 = arith.index_cast %scan3A_502 : i32 to index
      %swap3A_577 = arith.constant 64 : index
      %swap3A_578 = tpu.vector_load %arg7[%swap3A_575, %swap3A_576, %swap3A_577] {strides = array<i32>} : memref<3x128x128xf32, #tpu.memory_space<vmem>>, vector<1x1x16xf32>,
      %swap3A_579 = vector.shape_cast %swap3A_578 : vector<1x1x16xf32> to vector<16xf32>
      %swap3A_580 = vector.shape_cast %mul3A_573 : vector<16xf32> to vector<1x1x16xf32>
      tpu.vector_store %arg7[%swap3A_575, %swap3A_576, %swap3A_577], %swap3A_580 {strides = array<i32>} : memref<3x128x128xf32, #tpu.memory_space<vmem>>, vector<1x1x16xf32>,
      %get3A_581 = arith.constant 2 : i32
      %get3A_582 = arith.index_cast %get3A_581 : i32 to index
      %get3A_583 = arith.index_cast %scan3A_502 : i32 to index
      %get3A_584 = arith.constant 80 : index
      %get3A_585 = tpu.vector_load %arg6[%get3A_582, %get3A_583, %get3A_584] {strides = array<i32>} : memref<3x128x128xf32, #tpu.memory_space<vmem>>, vector<1x1x16xf32>,
      %get3A_586 = vector.shape_cast %get3A_585 : vector<1x1x16xf32> to vector<16xf32>
      %mul3A_587 = arith.constant 11.3137083 : f32
      %mul3A_588 = vector.broadcast %mul3A_587 : f32 to vector<16xf32>
      %mul3A_589 = arith.mulf %get3A_586, %mul3A_588 : vector<16xf32>
      %swap3A_590 = arith.constant 2 : i32
      %swap3A_591 = arith.index_cast %swap3A_590 : i32 to index
      %swap3A_592 = arith.index_cast %scan3A_502 : i32 to index
      %swap3A_593 = arith.constant 80 : index
      %swap3A_594 = tpu.vector_load %arg7[%swap3A_591, %swap3A_592, %swap3A_593] {strides = array<i32>} : memref<3x128x128xf32, #tpu.memory_space<vmem>>, vector<1x1x16xf32>,
      %swap3A_595 = vector.shape_cast %swap3A_594 : vector<1x1x16xf32> to vector<16xf32>
      %swap3A_596 = vector.shape_cast %mul3A_589 : vector<16xf32> to vector<1x1x16xf32>
      tpu.vector_store %arg7[%swap3A_591, %swap3A_592, %swap3A_593], %swap3A_596 {strides = array<i32>} : memref<3x128x128xf32, #tpu.memory_space<vmem>>, vector<1x1x16xf32>,
      %get3A_597 = arith.constant 2 : i32
      %get3A_598 = arith.index_cast %get3A_597 : i32 to index
      %get3A_599 = arith.index_cast %scan3A_502 : i32 to index
      %get3A_600 = arith.constant 96 : index
      %get3A_601 = tpu.vector_load %arg6[%get3A_598, %get3A_599, %get3A_600] {strides = array<i32>} : memref<3x128x128xf32, #tpu.memory_space<vmem>>, vector<1x1x16xf32>,
      %get3A_602 = vector.shape_cast %get3A_601 : vector<1x1x16xf32> to vector<16xf32>
      %mul3A_603 = arith.constant 11.3137083 : f32
      %mul3A_604 = vector.broadcast %mul3A_603 : f32 to vector<16xf32>
      %mul3A_605 = arith.mulf %get3A_602, %mul3A_604 : vector<16xf32>
      %swap3A_606 = arith.constant 2 : i32
      %swap3A_607 = arith.index_cast %swap3A_606 : i32 to index
      %swap3A_608 = arith.index_cast %scan3A_502 : i32 to index
      %swap3A_609 = arith.constant 96 : index
      %swap3A_610 = tpu.vector_load %arg7[%swap3A_607, %swap3A_608, %swap3A_609] {strides = array<i32>} : memref<3x128x128xf32, #tpu.memory_space<vmem>>, vector<1x1x16xf32>,
      %swap3A_611 = vector.shape_cast %swap3A_610 : vector<1x1x16xf32> to vector<16xf32>
      %swap3A_612 = vector.shape_cast %mul3A_605 : vector<16xf32> to vector<1x1x16xf32>
      tpu.vector_store %arg7[%swap3A_607, %swap3A_608, %swap3A_609], %swap3A_612 {strides = array<i32>} : memref<3x128x128xf32, #tpu.memory_space<vmem>>, vector<1x1x16xf32>,
      %get3A_613 = arith.constant 2 : i32
      %get3A_614 = arith.index_cast %get3A_613 : i32 to index
      %get3A_615 = arith.index_cast %scan3A_502 : i32 to index
      %get3A_616 = arith.constant 112 : index
      %get3A_617 = tpu.vector_load %arg6[%get3A_614, %get3A_615, %get3A_616] {strides = array<i32>} : memref<3x128x128xf32, #tpu.memory_space<vmem>>, vector<1x1x16xf32>,
      %get3A_618 = vector.shape_cast %get3A_617 : vector<1x1x16xf32> to vector<16xf32>
      %mul3A_619 = arith.constant 11.3137083 : f32
      %mul3A_620 = vector.broadcast %mul3A_619 : f32 to vector<16xf32>
      %mul3A_621 = arith.mulf %get3A_618, %mul3A_620 : vector<16xf32>
      %swap3A_622 = arith.constant 2 : i32
      %swap3A_623 = arith.index_cast %swap3A_622 : i32 to index
      %swap3A_624 = arith.index_cast %scan3A_502 : i32 to index
      %swap3A_625 = arith.constant 112 : index
      %swap3A_626 = tpu.vector_load %arg7[%swap3A_623, %swap3A_624, %swap3A_625] {strides = array<i32>} : memref<3x128x128xf32, #tpu.memory_space<vmem>>, vector<1x1x16xf32>,
      %swap3A_627 = vector.shape_cast %swap3A_626 : vector<1x1x16xf32> to vector<16xf32>
      %swap3A_628 = vector.shape_cast %mul3A_621 : vector<16xf32> to vector<1x1x16xf32>
      tpu.vector_store %arg7[%swap3A_623, %swap3A_624, %swap3A_625], %swap3A_628 {strides = array<i32>} : memref<3x128x128xf32, #tpu.memory_space<vmem>>, vector<1x1x16xf32>,
    }
    %scan3A_337 = arith.constant 128 : i32
    %dma_start3A_338 = arith.constant 2 : i32
    %dma_start3A_339 = arith.constant 47 : i32
    %dma_start3A_340 = arith.constant 0 : i32
    %dma_start3A_341 = arith.constant 0 : i32
    %dma_start3A_342 = tpu.memref_slice %arg7[%dma_start3A_338, %dma_start3A_340, %dma_start3A_341] : memref<3x128x128xf32, #tpu.memory_space<vmem>> -> memref<1x128x128xf32, #tpu.memory_space<vmem>>
    %dma_start3A_343 = tpu.memref_squeeze %dma_start3A_342 : memref<1x128x128xf32, #tpu.memory_space<vmem>> -> memref<128x128xf32, #tpu.memory_space<vmem>>
    %dma_start3A_344 = arith.constant 0 : i32
    %dma_start3A_345 = tpu.memref_slice %arg4[%dma_start3A_339, %mul3A_2, %dma_start3A_344] : memref<50x4096x128xf32, #tpu.memory_space<hbm>> -> memref<1x128x128xf32, #tpu.memory_space<hbm>>
    %dma_start3A_346 = tpu.memref_squeeze %dma_start3A_345 : memref<1x128x128xf32, #tpu.memory_space<hbm>> -> memref<128x128xf32, #tpu.memory_space<hbm>>
    %dma_start3A_347 = arith.constant 0 : i32
    %dma_start3A_348 = tpu.memref_slice %arg4[%dma_start3A_339, %mul3A_2, %dma_start3A_347] : memref<50x4096x128xf32, #tpu.memory_space<hbm>> -> memref<1x128x128xf32, #tpu.memory_space<hbm>>
    %dma_start3A_349 = tpu.memref_squeeze %dma_start3A_348 : memref<1x128x128xf32, #tpu.memory_space<hbm>> -> memref<128x128xf32, #tpu.memory_space<hbm>>
    %dma_start3A_350 = arith.constant 0 : i32
    %dma_start3A_351 = arith.constant 0 : i32
    %dma_start3A_352 = tpu.memref_slice %arg7[%dma_start3A_338, %dma_start3A_350, %dma_start3A_351] : memref<3x128x128xf32, #tpu.memory_space<vmem>> -> memref<1x128x128xf32, #tpu.memory_space<vmem>>
    %dma_start3A_353 = tpu.memref_squeeze %dma_start3A_352 : memref<1x128x128xf32, #tpu.memory_space<vmem>> -> memref<128x128xf32, #tpu.memory_space<vmem>>
    tpu.enqueue_dma source(%dma_start3A_353 : memref<128x128xf32, #tpu.memory_space<vmem>>) target(%dma_start3A_349 : memref<128x128xf32, #tpu.memory_space<hbm>>) target_semaphore(%arg13 : memref<!tpu.dma_semaphore, #tpu.memory_space<semaphore_mem>>)
    %dma_wait3A_354 = arith.constant 0 : i32
    %dma_wait3A_355 = arith.constant 0 : i32
    %dma_wait3A_356 = arith.constant 0 : i32
    %dma_wait3A_357 = arith.constant 0 : i32
    %dma_wait3A_358 = tpu.memref_slice %arg6[%dma_wait3A_355, %dma_wait3A_356, %dma_wait3A_357] : memref<3x128x128xf32, #tpu.memory_space<vmem>> -> memref<1x128x128xf32, #tpu.memory_space<vmem>>
    %dma_wait3A_359 = tpu.memref_squeeze %dma_wait3A_358 : memref<1x128x128xf32, #tpu.memory_space<vmem>> -> memref<128x128xf32, #tpu.memory_space<vmem>>
    %dma_wait3A_360 = arith.constant 0 : i32
    %dma_wait3A_361 = tpu.memref_slice %arg5[%dma_wait3A_354, %dma_wait3A_360] : memref<50x128xi32, #tpu.memory_space<vmem>> -> memref<1x128xi32, #tpu.memory_space<vmem>>
    %dma_wait3A_362 = tpu.memref_squeeze %dma_wait3A_361 : memref<1x128xi32, #tpu.memory_space<vmem>> -> memref<128xi32, #tpu.memory_space<vmem>>
    %dma_wait3A_363 = arith.constant 0 : i32
    %dma_wait3A_364 = arith.constant 0 : i32
    %dma_wait3A_365 = tpu.memref_slice %arg3[%dma_wait3A_363, %dma_wait3A_364] : memref<100000x128xf32, #tpu.memory_space<hbm>> -> memref<100000x128xf32, #tpu.memory_space<hbm>>
    tpu.wait_indirect_dma semaphore(%arg8 : memref<!tpu.dma_semaphore, #tpu.memory_space<semaphore_mem>>) src(%dma_wait3A_365 : memref<100000x128xf32, #tpu.memory_space<hbm>>) dst(%dma_wait3A_359 : memref<128x128xf32, #tpu.memory_space<vmem>>)
    %dma_wait3A_366 = arith.constant 0 : i32
    %dma_wait3A_367 = arith.constant 0 : i32
    %dma_wait3A_368 = arith.constant 0 : i32
    %dma_wait3A_369 = arith.constant 0 : i32
    %dma_wait3A_370 = tpu.memref_slice %arg7[%dma_wait3A_366, %dma_wait3A_368, %dma_wait3A_369] : memref<3x128x128xf32, #tpu.memory_space<vmem>> -> memref<1x128x128xf32, #tpu.memory_space<vmem>>
    %dma_wait3A_371 = tpu.memref_squeeze %dma_wait3A_370 : memref<1x128x128xf32, #tpu.memory_space<vmem>> -> memref<128x128xf32, #tpu.memory_space<vmem>>
    %dma_wait3A_372 = arith.constant 0 : i32
    %dma_wait3A_373 = tpu.memref_slice %arg4[%dma_wait3A_367, %mul3A_2, %dma_wait3A_372] : memref<50x4096x128xf32, #tpu.memory_space<hbm>> -> memref<1x128x128xf32, #tpu.memory_space<hbm>>
    %dma_wait3A_374 = tpu.memref_squeeze %dma_wait3A_373 : memref<1x128x128xf32, #tpu.memory_space<hbm>> -> memref<128x128xf32, #tpu.memory_space<hbm>>
    %dma_wait3A_375 = arith.constant 0 : i32
    %dma_wait3A_376 = tpu.memref_slice %arg4[%dma_wait3A_367, %mul3A_2, %dma_wait3A_375] : memref<50x4096x128xf32, #tpu.memory_space<hbm>> -> memref<1x128x128xf32, #tpu.memory_space<hbm>>
    %dma_wait3A_377 = tpu.memref_squeeze %dma_wait3A_376 : memref<1x128x128xf32, #tpu.memory_space<hbm>> -> memref<128x128xf32, #tpu.memory_space<hbm>>
    %dma_wait3A_378 = arith.constant 0 : i32
    %dma_wait3A_379 = arith.constant 0 : i32
    %dma_wait3A_380 = tpu.memref_slice %arg7[%dma_wait3A_366, %dma_wait3A_378, %dma_wait3A_379] : memref<3x128x128xf32, #tpu.memory_space<vmem>> -> memref<1x128x128xf32, #tpu.memory_space<vmem>>
    %dma_wait3A_381 = tpu.memref_squeeze %dma_wait3A_380 : memref<1x128x128xf32, #tpu.memory_space<vmem>> -> memref<128x128xf32, #tpu.memory_space<vmem>>
    tpu.wait_dma2 semaphore(%arg11 : memref<!tpu.dma_semaphore, #tpu.memory_space<semaphore_mem>>) src(%dma_wait3A_381 : memref<128x128xf32, #tpu.memory_space<vmem>>) dst(%dma_wait3A_377 : memref<128x128xf32, #tpu.memory_space<hbm>>)
    %scan3A_382 = arith.constant 0 : i32
    %scan3A_383 = arith.constant 0 : i32
    %scan3A_384 = arith.constant 128 : i32
    %scan3A_385 = arith.addi %scan3A_383, %scan3A_384 : i32
    %scan3A_386 = arith.constant 1 : i32
    scf.for %scan3A_502 = %scan3A_383 to %scan3A_385 step %scan3A_386  : i32 {
      %get3A = arith.constant 0 : i32
      %get3A_503 = arith.index_cast %get3A : i32 to index
      %get3A_504 = arith.index_cast %scan3A_502 : i32 to index
      %get3A_505 = arith.constant 0 : index
      %get3A_506 = tpu.vector_load %arg6[%get3A_503, %get3A_504, %get3A_505] {strides = array<i32>} : memref<3x128x128xf32, #tpu.memory_space<vmem>>, vector<1x1x16xf32>,
      %get3A_507 = vector.shape_cast %get3A_506 : vector<1x1x16xf32> to vector<16xf32>
      %mul3A_508 = arith.constant 11.3137083 : f32
      %mul3A_509 = vector.broadcast %mul3A_508 : f32 to vector<16xf32>
      %mul3A_510 = arith.mulf %get3A_507, %mul3A_509 : vector<16xf32>
      %swap3A = arith.constant 0 : i32
      %swap3A_511 = arith.index_cast %swap3A : i32 to index
      %swap3A_512 = arith.index_cast %scan3A_502 : i32 to index
      %swap3A_513 = arith.constant 0 : index
      %swap3A_514 = tpu.vector_load %arg7[%swap3A_511, %swap3A_512, %swap3A_513] {strides = array<i32>} : memref<3x128x128xf32, #tpu.memory_space<vmem>>, vector<1x1x16xf32>,
      %swap3A_515 = vector.shape_cast %swap3A_514 : vector<1x1x16xf32> to vector<16xf32>
      %swap3A_516 = vector.shape_cast %mul3A_510 : vector<16xf32> to vector<1x1x16xf32>
      tpu.vector_store %arg7[%swap3A_511, %swap3A_512, %swap3A_513], %swap3A_516 {strides = array<i32>} : memref<3x128x128xf32, #tpu.memory_space<vmem>>, vector<1x1x16xf32>,
      %get3A_517 = arith.constant 0 : i32
      %get3A_518 = arith.index_cast %get3A_517 : i32 to index
      %get3A_519 = arith.index_cast %scan3A_502 : i32 to index
      %get3A_520 = arith.constant 16 : index
      %get3A_521 = tpu.vector_load %arg6[%get3A_518, %get3A_519, %get3A_520] {strides = array<i32>} : memref<3x128x128xf32, #tpu.memory_space<vmem>>, vector<1x1x16xf32>,
      %get3A_522 = vector.shape_cast %get3A_521 : vector<1x1x16xf32> to vector<16xf32>
      %mul3A_523 = arith.constant 11.3137083 : f32
      %mul3A_524 = vector.broadcast %mul3A_523 : f32 to vector<16xf32>
      %mul3A_525 = arith.mulf %get3A_522, %mul3A_524 : vector<16xf32>
      %swap3A_526 = arith.constant 0 : i32
      %swap3A_527 = arith.index_cast %swap3A_526 : i32 to index
      %swap3A_528 = arith.index_cast %scan3A_502 : i32 to index
      %swap3A_529 = arith.constant 16 : index
      %swap3A_530 = tpu.vector_load %arg7[%swap3A_527, %swap3A_528, %swap3A_529] {strides = array<i32>} : memref<3x128x128xf32, #tpu.memory_space<vmem>>, vector<1x1x16xf32>,
      %swap3A_531 = vector.shape_cast %swap3A_530 : vector<1x1x16xf32> to vector<16xf32>
      %swap3A_532 = vector.shape_cast %mul3A_525 : vector<16xf32> to vector<1x1x16xf32>
      tpu.vector_store %arg7[%swap3A_527, %swap3A_528, %swap3A_529], %swap3A_532 {strides = array<i32>} : memref<3x128x128xf32, #tpu.memory_space<vmem>>, vector<1x1x16xf32>,
      %get3A_533 = arith.constant 0 : i32
      %get3A_534 = arith.index_cast %get3A_533 : i32 to index
      %get3A_535 = arith.index_cast %scan3A_502 : i32 to index
      %get3A_536 = arith.constant 32 : index
      %get3A_537 = tpu.vector_load %arg6[%get3A_534, %get3A_535, %get3A_536] {strides = array<i32>} : memref<3x128x128xf32, #tpu.memory_space<vmem>>, vector<1x1x16xf32>,
      %get3A_538 = vector.shape_cast %get3A_537 : vector<1x1x16xf32> to vector<16xf32>
      %mul3A_539 = arith.constant 11.3137083 : f32
      %mul3A_540 = vector.broadcast %mul3A_539 : f32 to vector<16xf32>
      %mul3A_541 = arith.mulf %get3A_538, %mul3A_540 : vector<16xf32>
      %swap3A_542 = arith.constant 0 : i32
      %swap3A_543 = arith.index_cast %swap3A_542 : i32 to index
      %swap3A_544 = arith.index_cast %scan3A_502 : i32 to index
      %swap3A_545 = arith.constant 32 : index
      %swap3A_546 = tpu.vector_load %arg7[%swap3A_543, %swap3A_544, %swap3A_545] {strides = array<i32>} : memref<3x128x128xf32, #tpu.memory_space<vmem>>, vector<1x1x16xf32>,
      %swap3A_547 = vector.shape_cast %swap3A_546 : vector<1x1x16xf32> to vector<16xf32>
      %swap3A_548 = vector.shape_cast %mul3A_541 : vector<16xf32> to vector<1x1x16xf32>
      tpu.vector_store %arg7[%swap3A_543, %swap3A_544, %swap3A_545], %swap3A_548 {strides = array<i32>} : memref<3x128x128xf32, #tpu.memory_space<vmem>>, vector<1x1x16xf32>,
      %get3A_549 = arith.constant 0 : i32
      %get3A_550 = arith.index_cast %get3A_549 : i32 to index
      %get3A_551 = arith.index_cast %scan3A_502 : i32 to index
      %get3A_552 = arith.constant 48 : index
      %get3A_553 = tpu.vector_load %arg6[%get3A_550, %get3A_551, %get3A_552] {strides = array<i32>} : memref<3x128x128xf32, #tpu.memory_space<vmem>>, vector<1x1x16xf32>,
      %get3A_554 = vector.shape_cast %get3A_553 : vector<1x1x16xf32> to vector<16xf32>
      %mul3A_555 = arith.constant 11.3137083 : f32
      %mul3A_556 = vector.broadcast %mul3A_555 : f32 to vector<16xf32>
      %mul3A_557 = arith.mulf %get3A_554, %mul3A_556 : vector<16xf32>
      %swap3A_558 = arith.constant 0 : i32
      %swap3A_559 = arith.index_cast %swap3A_558 : i32 to index
      %swap3A_560 = arith.index_cast %scan3A_502 : i32 to index
      %swap3A_561 = arith.constant 48 : index
      %swap3A_562 = tpu.vector_load %arg7[%swap3A_559, %swap3A_560, %swap3A_561] {strides = array<i32>} : memref<3x128x128xf32, #tpu.memory_space<vmem>>, vector<1x1x16xf32>,
      %swap3A_563 = vector.shape_cast %swap3A_562 : vector<1x1x16xf32> to vector<16xf32>
      %swap3A_564 = vector.shape_cast %mul3A_557 : vector<16xf32> to vector<1x1x16xf32>
      tpu.vector_store %arg7[%swap3A_559, %swap3A_560, %swap3A_561], %swap3A_564 {strides = array<i32>} : memref<3x128x128xf32, #tpu.memory_space<vmem>>, vector<1x1x16xf32>,
      %get3A_565 = arith.constant 0 : i32
      %get3A_566 = arith.index_cast %get3A_565 : i32 to index
      %get3A_567 = arith.index_cast %scan3A_502 : i32 to index
      %get3A_568 = arith.constant 64 : index
      %get3A_569 = tpu.vector_load %arg6[%get3A_566, %get3A_567, %get3A_568] {strides = array<i32>} : memref<3x128x128xf32, #tpu.memory_space<vmem>>, vector<1x1x16xf32>,
      %get3A_570 = vector.shape_cast %get3A_569 : vector<1x1x16xf32> to vector<16xf32>
      %mul3A_571 = arith.constant 11.3137083 : f32
      %mul3A_572 = vector.broadcast %mul3A_571 : f32 to vector<16xf32>
      %mul3A_573 = arith.mulf %get3A_570, %mul3A_572 : vector<16xf32>
      %swap3A_574 = arith.constant 0 : i32
      %swap3A_575 = arith.index_cast %swap3A_574 : i32 to index
      %swap3A_576 = arith.index_cast %scan3A_502 : i32 to index
      %swap3A_577 = arith.constant 64 : index
      %swap3A_578 = tpu.vector_load %arg7[%swap3A_575, %swap3A_576, %swap3A_577] {strides = array<i32>} : memref<3x128x128xf32, #tpu.memory_space<vmem>>, vector<1x1x16xf32>,
      %swap3A_579 = vector.shape_cast %swap3A_578 : vector<1x1x16xf32> to vector<16xf32>
      %swap3A_580 = vector.shape_cast %mul3A_573 : vector<16xf32> to vector<1x1x16xf32>
      tpu.vector_store %arg7[%swap3A_575, %swap3A_576, %swap3A_577], %swap3A_580 {strides = array<i32>} : memref<3x128x128xf32, #tpu.memory_space<vmem>>, vector<1x1x16xf32>,
      %get3A_581 = arith.constant 0 : i32
      %get3A_582 = arith.index_cast %get3A_581 : i32 to index
      %get3A_583 = arith.index_cast %scan3A_502 : i32 to index
      %get3A_584 = arith.constant 80 : index
      %get3A_585 = tpu.vector_load %arg6[%get3A_582, %get3A_583, %get3A_584] {strides = array<i32>} : memref<3x128x128xf32, #tpu.memory_space<vmem>>, vector<1x1x16xf32>,
      %get3A_586 = vector.shape_cast %get3A_585 : vector<1x1x16xf32> to vector<16xf32>
      %mul3A_587 = arith.constant 11.3137083 : f32
      %mul3A_588 = vector.broadcast %mul3A_587 : f32 to vector<16xf32>
      %mul3A_589 = arith.mulf %get3A_586, %mul3A_588 : vector<16xf32>
      %swap3A_590 = arith.constant 0 : i32
      %swap3A_591 = arith.index_cast %swap3A_590 : i32 to index
      %swap3A_592 = arith.index_cast %scan3A_502 : i32 to index
      %swap3A_593 = arith.constant 80 : index
      %swap3A_594 = tpu.vector_load %arg7[%swap3A_591, %swap3A_592, %swap3A_593] {strides = array<i32>} : memref<3x128x128xf32, #tpu.memory_space<vmem>>, vector<1x1x16xf32>,
      %swap3A_595 = vector.shape_cast %swap3A_594 : vector<1x1x16xf32> to vector<16xf32>
      %swap3A_596 = vector.shape_cast %mul3A_589 : vector<16xf32> to vector<1x1x16xf32>
      tpu.vector_store %arg7[%swap3A_591, %swap3A_592, %swap3A_593], %swap3A_596 {strides = array<i32>} : memref<3x128x128xf32, #tpu.memory_space<vmem>>, vector<1x1x16xf32>,
      %get3A_597 = arith.constant 0 : i32
      %get3A_598 = arith.index_cast %get3A_597 : i32 to index
      %get3A_599 = arith.index_cast %scan3A_502 : i32 to index
      %get3A_600 = arith.constant 96 : index
      %get3A_601 = tpu.vector_load %arg6[%get3A_598, %get3A_599, %get3A_600] {strides = array<i32>} : memref<3x128x128xf32, #tpu.memory_space<vmem>>, vector<1x1x16xf32>,
      %get3A_602 = vector.shape_cast %get3A_601 : vector<1x1x16xf32> to vector<16xf32>
      %mul3A_603 = arith.constant 11.3137083 : f32
      %mul3A_604 = vector.broadcast %mul3A_603 : f32 to vector<16xf32>
      %mul3A_605 = arith.mulf %get3A_602, %mul3A_604 : vector<16xf32>
      %swap3A_606 = arith.constant 0 : i32
      %swap3A_607 = arith.index_cast %swap3A_606 : i32 to index
      %swap3A_608 = arith.index_cast %scan3A_502 : i32 to index
      %swap3A_609 = arith.constant 96 : index
      %swap3A_610 = tpu.vector_load %arg7[%swap3A_607, %swap3A_608, %swap3A_609] {strides = array<i32>} : memref<3x128x128xf32, #tpu.memory_space<vmem>>, vector<1x1x16xf32>,
      %swap3A_611 = vector.shape_cast %swap3A_610 : vector<1x1x16xf32> to vector<16xf32>
      %swap3A_612 = vector.shape_cast %mul3A_605 : vector<16xf32> to vector<1x1x16xf32>
      tpu.vector_store %arg7[%swap3A_607, %swap3A_608, %swap3A_609], %swap3A_612 {strides = array<i32>} : memref<3x128x128xf32, #tpu.memory_space<vmem>>, vector<1x1x16xf32>,
      %get3A_613 = arith.constant 0 : i32
      %get3A_614 = arith.index_cast %get3A_613 : i32 to index
      %get3A_615 = arith.index_cast %scan3A_502 : i32 to index
      %get3A_616 = arith.constant 112 : index
      %get3A_617 = tpu.vector_load %arg6[%get3A_614, %get3A_615, %get3A_616] {strides = array<i32>} : memref<3x128x128xf32, #tpu.memory_space<vmem>>, vector<1x1x16xf32>,
      %get3A_618 = vector.shape_cast %get3A_617 : vector<1x1x16xf32> to vector<16xf32>
      %mul3A_619 = arith.constant 11.3137083 : f32
      %mul3A_620 = vector.broadcast %mul3A_619 : f32 to vector<16xf32>
      %mul3A_621 = arith.mulf %get3A_618, %mul3A_620 : vector<16xf32>
      %swap3A_622 = arith.constant 0 : i32
      %swap3A_623 = arith.index_cast %swap3A_622 : i32 to index
      %swap3A_624 = arith.index_cast %scan3A_502 : i32 to index
      %swap3A_625 = arith.constant 112 : index
      %swap3A_626 = tpu.vector_load %arg7[%swap3A_623, %swap3A_624, %swap3A_625] {strides = array<i32>} : memref<3x128x128xf32, #tpu.memory_space<vmem>>, vector<1x1x16xf32>,
      %swap3A_627 = vector.shape_cast %swap3A_626 : vector<1x1x16xf32> to vector<16xf32>
      %swap3A_628 = vector.shape_cast %mul3A_621 : vector<16xf32> to vector<1x1x16xf32>
      tpu.vector_store %arg7[%swap3A_623, %swap3A_624, %swap3A_625], %swap3A_628 {strides = array<i32>} : memref<3x128x128xf32, #tpu.memory_space<vmem>>, vector<1x1x16xf32>,
    }
    %scan3A_387 = arith.constant 128 : i32
    %dma_start3A_388 = arith.constant 0 : i32
    %dma_start3A_389 = arith.constant 48 : i32
    %dma_start3A_390 = arith.constant 0 : i32
    %dma_start3A_391 = arith.constant 0 : i32
    %dma_start3A_392 = tpu.memref_slice %arg7[%dma_start3A_388, %dma_start3A_390, %dma_start3A_391] : memref<3x128x128xf32, #tpu.memory_space<vmem>> -> memref<1x128x128xf32, #tpu.memory_space<vmem>>
    %dma_start3A_393 = tpu.memref_squeeze %dma_start3A_392 : memref<1x128x128xf32, #tpu.memory_space<vmem>> -> memref<128x128xf32, #tpu.memory_space<vmem>>
    %dma_start3A_394 = arith.constant 0 : i32
    %dma_start3A_395 = tpu.memref_slice %arg4[%dma_start3A_389, %mul3A_2, %dma_start3A_394] : memref<50x4096x128xf32, #tpu.memory_space<hbm>> -> memref<1x128x128xf32, #tpu.memory_space<hbm>>
    %dma_start3A_396 = tpu.memref_squeeze %dma_start3A_395 : memref<1x128x128xf32, #tpu.memory_space<hbm>> -> memref<128x128xf32, #tpu.memory_space<hbm>>
    %dma_start3A_397 = arith.constant 0 : i32
    %dma_start3A_398 = tpu.memref_slice %arg4[%dma_start3A_389, %mul3A_2, %dma_start3A_397] : memref<50x4096x128xf32, #tpu.memory_space<hbm>> -> memref<1x128x128xf32, #tpu.memory_space<hbm>>
    %dma_start3A_399 = tpu.memref_squeeze %dma_start3A_398 : memref<1x128x128xf32, #tpu.memory_space<hbm>> -> memref<128x128xf32, #tpu.memory_space<hbm>>
    %dma_start3A_400 = arith.constant 0 : i32
    %dma_start3A_401 = arith.constant 0 : i32
    %dma_start3A_402 = tpu.memref_slice %arg7[%dma_start3A_388, %dma_start3A_400, %dma_start3A_401] : memref<3x128x128xf32, #tpu.memory_space<vmem>> -> memref<1x128x128xf32, #tpu.memory_space<vmem>>
    %dma_start3A_403 = tpu.memref_squeeze %dma_start3A_402 : memref<1x128x128xf32, #tpu.memory_space<vmem>> -> memref<128x128xf32, #tpu.memory_space<vmem>>
    tpu.enqueue_dma source(%dma_start3A_403 : memref<128x128xf32, #tpu.memory_space<vmem>>) target(%dma_start3A_399 : memref<128x128xf32, #tpu.memory_space<hbm>>) target_semaphore(%arg11 : memref<!tpu.dma_semaphore, #tpu.memory_space<semaphore_mem>>)
    %dma_wait3A_404 = arith.constant 0 : i32
    %dma_wait3A_405 = arith.constant 1 : i32
    %dma_wait3A_406 = arith.constant 0 : i32
    %dma_wait3A_407 = arith.constant 0 : i32
    %dma_wait3A_408 = tpu.memref_slice %arg6[%dma_wait3A_405, %dma_wait3A_406, %dma_wait3A_407] : memref<3x128x128xf32, #tpu.memory_space<vmem>> -> memref<1x128x128xf32, #tpu.memory_space<vmem>>
    %dma_wait3A_409 = tpu.memref_squeeze %dma_wait3A_408 : memref<1x128x128xf32, #tpu.memory_space<vmem>> -> memref<128x128xf32, #tpu.memory_space<vmem>>
    %dma_wait3A_410 = arith.constant 0 : i32
    %dma_wait3A_411 = tpu.memref_slice %arg5[%dma_wait3A_404, %dma_wait3A_410] : memref<50x128xi32, #tpu.memory_space<vmem>> -> memref<1x128xi32, #tpu.memory_space<vmem>>
    %dma_wait3A_412 = tpu.memref_squeeze %dma_wait3A_411 : memref<1x128xi32, #tpu.memory_space<vmem>> -> memref<128xi32, #tpu.memory_space<vmem>>
    %dma_wait3A_413 = arith.constant 0 : i32
    %dma_wait3A_414 = arith.constant 0 : i32
    %dma_wait3A_415 = tpu.memref_slice %arg3[%dma_wait3A_413, %dma_wait3A_414] : memref<100000x128xf32, #tpu.memory_space<hbm>> -> memref<100000x128xf32, #tpu.memory_space<hbm>>
    tpu.wait_indirect_dma semaphore(%arg9 : memref<!tpu.dma_semaphore, #tpu.memory_space<semaphore_mem>>) src(%dma_wait3A_415 : memref<100000x128xf32, #tpu.memory_space<hbm>>) dst(%dma_wait3A_409 : memref<128x128xf32, #tpu.memory_space<vmem>>)
    %dma_wait3A_416 = arith.constant 1 : i32
    %dma_wait3A_417 = arith.constant 0 : i32
    %dma_wait3A_418 = arith.constant 0 : i32
    %dma_wait3A_419 = arith.constant 0 : i32
    %dma_wait3A_420 = tpu.memref_slice %arg7[%dma_wait3A_416, %dma_wait3A_418, %dma_wait3A_419] : memref<3x128x128xf32, #tpu.memory_space<vmem>> -> memref<1x128x128xf32, #tpu.memory_space<vmem>>
    %dma_wait3A_421 = tpu.memref_squeeze %dma_wait3A_420 : memref<1x128x128xf32, #tpu.memory_space<vmem>> -> memref<128x128xf32, #tpu.memory_space<vmem>>
    %dma_wait3A_422 = arith.constant 0 : i32
    %dma_wait3A_423 = tpu.memref_slice %arg4[%dma_wait3A_417, %mul3A_2, %dma_wait3A_422] : memref<50x4096x128xf32, #tpu.memory_space<hbm>> -> memref<1x128x128xf32, #tpu.memory_space<hbm>>
    %dma_wait3A_424 = tpu.memref_squeeze %dma_wait3A_423 : memref<1x128x128xf32, #tpu.memory_space<hbm>> -> memref<128x128xf32, #tpu.memory_space<hbm>>
    %dma_wait3A_425 = arith.constant 0 : i32
    %dma_wait3A_426 = tpu.memref_slice %arg4[%dma_wait3A_417, %mul3A_2, %dma_wait3A_425] : memref<50x4096x128xf32, #tpu.memory_space<hbm>> -> memref<1x128x128xf32, #tpu.memory_space<hbm>>
    %dma_wait3A_427 = tpu.memref_squeeze %dma_wait3A_426 : memref<1x128x128xf32, #tpu.memory_space<hbm>> -> memref<128x128xf32, #tpu.memory_space<hbm>>
    %dma_wait3A_428 = arith.constant 0 : i32
    %dma_wait3A_429 = arith.constant 0 : i32
    %dma_wait3A_430 = tpu.memref_slice %arg7[%dma_wait3A_416, %dma_wait3A_428, %dma_wait3A_429] : memref<3x128x128xf32, #tpu.memory_space<vmem>> -> memref<1x128x128xf32, #tpu.memory_space<vmem>>
    %dma_wait3A_431 = tpu.memref_squeeze %dma_wait3A_430 : memref<1x128x128xf32, #tpu.memory_space<vmem>> -> memref<128x128xf32, #tpu.memory_space<vmem>>
    tpu.wait_dma2 semaphore(%arg12 : memref<!tpu.dma_semaphore, #tpu.memory_space<semaphore_mem>>) src(%dma_wait3A_431 : memref<128x128xf32, #tpu.memory_space<vmem>>) dst(%dma_wait3A_427 : memref<128x128xf32, #tpu.memory_space<hbm>>)
    %scan3A_432 = arith.constant 0 : i32
    %scan3A_433 = arith.constant 0 : i32
    %scan3A_434 = arith.constant 128 : i32
    %scan3A_435 = arith.addi %scan3A_433, %scan3A_434 : i32
    %scan3A_436 = arith.constant 1 : i32
    scf.for %scan3A_502 = %scan3A_433 to %scan3A_435 step %scan3A_436  : i32 {
      %get3A = arith.constant 1 : i32
      %get3A_503 = arith.index_cast %get3A : i32 to index
      %get3A_504 = arith.index_cast %scan3A_502 : i32 to index
      %get3A_505 = arith.constant 0 : index
      %get3A_506 = tpu.vector_load %arg6[%get3A_503, %get3A_504, %get3A_505] {strides = array<i32>} : memref<3x128x128xf32, #tpu.memory_space<vmem>>, vector<1x1x16xf32>,
      %get3A_507 = vector.shape_cast %get3A_506 : vector<1x1x16xf32> to vector<16xf32>
      %mul3A_508 = arith.constant 11.3137083 : f32
      %mul3A_509 = vector.broadcast %mul3A_508 : f32 to vector<16xf32>
      %mul3A_510 = arith.mulf %get3A_507, %mul3A_509 : vector<16xf32>
      %swap3A = arith.constant 1 : i32
      %swap3A_511 = arith.index_cast %swap3A : i32 to index
      %swap3A_512 = arith.index_cast %scan3A_502 : i32 to index
      %swap3A_513 = arith.constant 0 : index
      %swap3A_514 = tpu.vector_load %arg7[%swap3A_511, %swap3A_512, %swap3A_513] {strides = array<i32>} : memref<3x128x128xf32, #tpu.memory_space<vmem>>, vector<1x1x16xf32>,
      %swap3A_515 = vector.shape_cast %swap3A_514 : vector<1x1x16xf32> to vector<16xf32>
      %swap3A_516 = vector.shape_cast %mul3A_510 : vector<16xf32> to vector<1x1x16xf32>
      tpu.vector_store %arg7[%swap3A_511, %swap3A_512, %swap3A_513], %swap3A_516 {strides = array<i32>} : memref<3x128x128xf32, #tpu.memory_space<vmem>>, vector<1x1x16xf32>,
      %get3A_517 = arith.constant 1 : i32
      %get3A_518 = arith.index_cast %get3A_517 : i32 to index
      %get3A_519 = arith.index_cast %scan3A_502 : i32 to index
      %get3A_520 = arith.constant 16 : index
      %get3A_521 = tpu.vector_load %arg6[%get3A_518, %get3A_519, %get3A_520] {strides = array<i32>} : memref<3x128x128xf32, #tpu.memory_space<vmem>>, vector<1x1x16xf32>,
      %get3A_522 = vector.shape_cast %get3A_521 : vector<1x1x16xf32> to vector<16xf32>
      %mul3A_523 = arith.constant 11.3137083 : f32
      %mul3A_524 = vector.broadcast %mul3A_523 : f32 to vector<16xf32>
      %mul3A_525 = arith.mulf %get3A_522, %mul3A_524 : vector<16xf32>
      %swap3A_526 = arith.constant 1 : i32
      %swap3A_527 = arith.index_cast %swap3A_526 : i32 to index
      %swap3A_528 = arith.index_cast %scan3A_502 : i32 to index
      %swap3A_529 = arith.constant 16 : index
      %swap3A_530 = tpu.vector_load %arg7[%swap3A_527, %swap3A_528, %swap3A_529] {strides = array<i32>} : memref<3x128x128xf32, #tpu.memory_space<vmem>>, vector<1x1x16xf32>,
      %swap3A_531 = vector.shape_cast %swap3A_530 : vector<1x1x16xf32> to vector<16xf32>
      %swap3A_532 = vector.shape_cast %mul3A_525 : vector<16xf32> to vector<1x1x16xf32>
      tpu.vector_store %arg7[%swap3A_527, %swap3A_528, %swap3A_529], %swap3A_532 {strides = array<i32>} : memref<3x128x128xf32, #tpu.memory_space<vmem>>, vector<1x1x16xf32>,
      %get3A_533 = arith.constant 1 : i32
      %get3A_534 = arith.index_cast %get3A_533 : i32 to index
      %get3A_535 = arith.index_cast %scan3A_502 : i32 to index
      %get3A_536 = arith.constant 32 : index
      %get3A_537 = tpu.vector_load %arg6[%get3A_534, %get3A_535, %get3A_536] {strides = array<i32>} : memref<3x128x128xf32, #tpu.memory_space<vmem>>, vector<1x1x16xf32>,
      %get3A_538 = vector.shape_cast %get3A_537 : vector<1x1x16xf32> to vector<16xf32>
      %mul3A_539 = arith.constant 11.3137083 : f32
      %mul3A_540 = vector.broadcast %mul3A_539 : f32 to vector<16xf32>
      %mul3A_541 = arith.mulf %get3A_538, %mul3A_540 : vector<16xf32>
      %swap3A_542 = arith.constant 1 : i32
      %swap3A_543 = arith.index_cast %swap3A_542 : i32 to index
      %swap3A_544 = arith.index_cast %scan3A_502 : i32 to index
      %swap3A_545 = arith.constant 32 : index
      %swap3A_546 = tpu.vector_load %arg7[%swap3A_543, %swap3A_544, %swap3A_545] {strides = array<i32>} : memref<3x128x128xf32, #tpu.memory_space<vmem>>, vector<1x1x16xf32>,
      %swap3A_547 = vector.shape_cast %swap3A_546 : vector<1x1x16xf32> to vector<16xf32>
      %swap3A_548 = vector.shape_cast %mul3A_541 : vector<16xf32> to vector<1x1x16xf32>
      tpu.vector_store %arg7[%swap3A_543, %swap3A_544, %swap3A_545], %swap3A_548 {strides = array<i32>} : memref<3x128x128xf32, #tpu.memory_space<vmem>>, vector<1x1x16xf32>,
      %get3A_549 = arith.constant 1 : i32
      %get3A_550 = arith.index_cast %get3A_549 : i32 to index
      %get3A_551 = arith.index_cast %scan3A_502 : i32 to index
      %get3A_552 = arith.constant 48 : index
      %get3A_553 = tpu.vector_load %arg6[%get3A_550, %get3A_551, %get3A_552] {strides = array<i32>} : memref<3x128x128xf32, #tpu.memory_space<vmem>>, vector<1x1x16xf32>,
      %get3A_554 = vector.shape_cast %get3A_553 : vector<1x1x16xf32> to vector<16xf32>
      %mul3A_555 = arith.constant 11.3137083 : f32
      %mul3A_556 = vector.broadcast %mul3A_555 : f32 to vector<16xf32>
      %mul3A_557 = arith.mulf %get3A_554, %mul3A_556 : vector<16xf32>
      %swap3A_558 = arith.constant 1 : i32
      %swap3A_559 = arith.index_cast %swap3A_558 : i32 to index
      %swap3A_560 = arith.index_cast %scan3A_502 : i32 to index
      %swap3A_561 = arith.constant 48 : index
      %swap3A_562 = tpu.vector_load %arg7[%swap3A_559, %swap3A_560, %swap3A_561] {strides = array<i32>} : memref<3x128x128xf32, #tpu.memory_space<vmem>>, vector<1x1x16xf32>,
      %swap3A_563 = vector.shape_cast %swap3A_562 : vector<1x1x16xf32> to vector<16xf32>
      %swap3A_564 = vector.shape_cast %mul3A_557 : vector<16xf32> to vector<1x1x16xf32>
      tpu.vector_store %arg7[%swap3A_559, %swap3A_560, %swap3A_561], %swap3A_564 {strides = array<i32>} : memref<3x128x128xf32, #tpu.memory_space<vmem>>, vector<1x1x16xf32>,
      %get3A_565 = arith.constant 1 : i32
      %get3A_566 = arith.index_cast %get3A_565 : i32 to index
      %get3A_567 = arith.index_cast %scan3A_502 : i32 to index
      %get3A_568 = arith.constant 64 : index
      %get3A_569 = tpu.vector_load %arg6[%get3A_566, %get3A_567, %get3A_568] {strides = array<i32>} : memref<3x128x128xf32, #tpu.memory_space<vmem>>, vector<1x1x16xf32>,
      %get3A_570 = vector.shape_cast %get3A_569 : vector<1x1x16xf32> to vector<16xf32>
      %mul3A_571 = arith.constant 11.3137083 : f32
      %mul3A_572 = vector.broadcast %mul3A_571 : f32 to vector<16xf32>
      %mul3A_573 = arith.mulf %get3A_570, %mul3A_572 : vector<16xf32>
      %swap3A_574 = arith.constant 1 : i32
      %swap3A_575 = arith.index_cast %swap3A_574 : i32 to index
      %swap3A_576 = arith.index_cast %scan3A_502 : i32 to index
      %swap3A_577 = arith.constant 64 : index
      %swap3A_578 = tpu.vector_load %arg7[%swap3A_575, %swap3A_576, %swap3A_577] {strides = array<i32>} : memref<3x128x128xf32, #tpu.memory_space<vmem>>, vector<1x1x16xf32>,
      %swap3A_579 = vector.shape_cast %swap3A_578 : vector<1x1x16xf32> to vector<16xf32>
      %swap3A_580 = vector.shape_cast %mul3A_573 : vector<16xf32> to vector<1x1x16xf32>
      tpu.vector_store %arg7[%swap3A_575, %swap3A_576, %swap3A_577], %swap3A_580 {strides = array<i32>} : memref<3x128x128xf32, #tpu.memory_space<vmem>>, vector<1x1x16xf32>,
      %get3A_581 = arith.constant 1 : i32
      %get3A_582 = arith.index_cast %get3A_581 : i32 to index
      %get3A_583 = arith.index_cast %scan3A_502 : i32 to index
      %get3A_584 = arith.constant 80 : index
      %get3A_585 = tpu.vector_load %arg6[%get3A_582, %get3A_583, %get3A_584] {strides = array<i32>} : memref<3x128x128xf32, #tpu.memory_space<vmem>>, vector<1x1x16xf32>,
      %get3A_586 = vector.shape_cast %get3A_585 : vector<1x1x16xf32> to vector<16xf32>
      %mul3A_587 = arith.constant 11.3137083 : f32
      %mul3A_588 = vector.broadcast %mul3A_587 : f32 to vector<16xf32>
      %mul3A_589 = arith.mulf %get3A_586, %mul3A_588 : vector<16xf32>
      %swap3A_590 = arith.constant 1 : i32
      %swap3A_591 = arith.index_cast %swap3A_590 : i32 to index
      %swap3A_592 = arith.index_cast %scan3A_502 : i32 to index
      %swap3A_593 = arith.constant 80 : index
      %swap3A_594 = tpu.vector_load %arg7[%swap3A_591, %swap3A_592, %swap3A_593] {strides = array<i32>} : memref<3x128x128xf32, #tpu.memory_space<vmem>>, vector<1x1x16xf32>,
      %swap3A_595 = vector.shape_cast %swap3A_594 : vector<1x1x16xf32> to vector<16xf32>
      %swap3A_596 = vector.shape_cast %mul3A_589 : vector<16xf32> to vector<1x1x16xf32>
      tpu.vector_store %arg7[%swap3A_591, %swap3A_592, %swap3A_593], %swap3A_596 {strides = array<i32>} : memref<3x128x128xf32, #tpu.memory_space<vmem>>, vector<1x1x16xf32>,
      %get3A_597 = arith.constant 1 : i32
      %get3A_598 = arith.index_cast %get3A_597 : i32 to index
      %get3A_599 = arith.index_cast %scan3A_502 : i32 to index
      %get3A_600 = arith.constant 96 : index
      %get3A_601 = tpu.vector_load %arg6[%get3A_598, %get3A_599, %get3A_600] {strides = array<i32>} : memref<3x128x128xf32, #tpu.memory_space<vmem>>, vector<1x1x16xf32>,
      %get3A_602 = vector.shape_cast %get3A_601 : vector<1x1x16xf32> to vector<16xf32>
      %mul3A_603 = arith.constant 11.3137083 : f32
      %mul3A_604 = vector.broadcast %mul3A_603 : f32 to vector<16xf32>
      %mul3A_605 = arith.mulf %get3A_602, %mul3A_604 : vector<16xf32>
      %swap3A_606 = arith.constant 1 : i32
      %swap3A_607 = arith.index_cast %swap3A_606 : i32 to index
      %swap3A_608 = arith.index_cast %scan3A_502 : i32 to index
      %swap3A_609 = arith.constant 96 : index
      %swap3A_610 = tpu.vector_load %arg7[%swap3A_607, %swap3A_608, %swap3A_609] {strides = array<i32>} : memref<3x128x128xf32, #tpu.memory_space<vmem>>, vector<1x1x16xf32>,
      %swap3A_611 = vector.shape_cast %swap3A_610 : vector<1x1x16xf32> to vector<16xf32>
      %swap3A_612 = vector.shape_cast %mul3A_605 : vector<16xf32> to vector<1x1x16xf32>
      tpu.vector_store %arg7[%swap3A_607, %swap3A_608, %swap3A_609], %swap3A_612 {strides = array<i32>} : memref<3x128x128xf32, #tpu.memory_space<vmem>>, vector<1x1x16xf32>,
      %get3A_613 = arith.constant 1 : i32
      %get3A_614 = arith.index_cast %get3A_613 : i32 to index
      %get3A_615 = arith.index_cast %scan3A_502 : i32 to index
      %get3A_616 = arith.constant 112 : index
      %get3A_617 = tpu.vector_load %arg6[%get3A_614, %get3A_615, %get3A_616] {strides = array<i32>} : memref<3x128x128xf32, #tpu.memory_space<vmem>>, vector<1x1x16xf32>,
      %get3A_618 = vector.shape_cast %get3A_617 : vector<1x1x16xf32> to vector<16xf32>
      %mul3A_619 = arith.constant 11.3137083 : f32
      %mul3A_620 = vector.broadcast %mul3A_619 : f32 to vector<16xf32>
      %mul3A_621 = arith.mulf %get3A_618, %mul3A_620 : vector<16xf32>
      %swap3A_622 = arith.constant 1 : i32
      %swap3A_623 = arith.index_cast %swap3A_622 : i32 to index
      %swap3A_624 = arith.index_cast %scan3A_502 : i32 to index
      %swap3A_625 = arith.constant 112 : index
      %swap3A_626 = tpu.vector_load %arg7[%swap3A_623, %swap3A_624, %swap3A_625] {strides = array<i32>} : memref<3x128x128xf32, #tpu.memory_space<vmem>>, vector<1x1x16xf32>,
      %swap3A_627 = vector.shape_cast %swap3A_626 : vector<1x1x16xf32> to vector<16xf32>
      %swap3A_628 = vector.shape_cast %mul3A_621 : vector<16xf32> to vector<1x1x16xf32>
      tpu.vector_store %arg7[%swap3A_623, %swap3A_624, %swap3A_625], %swap3A_628 {strides = array<i32>} : memref<3x128x128xf32, #tpu.memory_space<vmem>>, vector<1x1x16xf32>,
    }
    %scan3A_437 = arith.constant 128 : i32
    %dma_start3A_438 = arith.constant 1 : i32
    %dma_start3A_439 = arith.constant 49 : i32
    %dma_start3A_440 = arith.constant 0 : i32
    %dma_start3A_441 = arith.constant 0 : i32
    %dma_start3A_442 = tpu.memref_slice %arg7[%dma_start3A_438, %dma_start3A_440, %dma_start3A_441] : memref<3x128x128xf32, #tpu.memory_space<vmem>> -> memref<1x128x128xf32, #tpu.memory_space<vmem>>
    %dma_start3A_443 = tpu.memref_squeeze %dma_start3A_442 : memref<1x128x128xf32, #tpu.memory_space<vmem>> -> memref<128x128xf32, #tpu.memory_space<vmem>>
    %dma_start3A_444 = arith.constant 0 : i32
    %dma_start3A_445 = tpu.memref_slice %arg4[%dma_start3A_439, %mul3A_2, %dma_start3A_444] : memref<50x4096x128xf32, #tpu.memory_space<hbm>> -> memref<1x128x128xf32, #tpu.memory_space<hbm>>
    %dma_start3A_446 = tpu.memref_squeeze %dma_start3A_445 : memref<1x128x128xf32, #tpu.memory_space<hbm>> -> memref<128x128xf32, #tpu.memory_space<hbm>>
    %dma_start3A_447 = arith.constant 0 : i32
    %dma_start3A_448 = tpu.memref_slice %arg4[%dma_start3A_439, %mul3A_2, %dma_start3A_447] : memref<50x4096x128xf32, #tpu.memory_space<hbm>> -> memref<1x128x128xf32, #tpu.memory_space<hbm>>
    %dma_start3A_449 = tpu.memref_squeeze %dma_start3A_448 : memref<1x128x128xf32, #tpu.memory_space<hbm>> -> memref<128x128xf32, #tpu.memory_space<hbm>>
    %dma_start3A_450 = arith.constant 0 : i32
    %dma_start3A_451 = arith.constant 0 : i32
    %dma_start3A_452 = tpu.memref_slice %arg7[%dma_start3A_438, %dma_start3A_450, %dma_start3A_451] : memref<3x128x128xf32, #tpu.memory_space<vmem>> -> memref<1x128x128xf32, #tpu.memory_space<vmem>>
    %dma_start3A_453 = tpu.memref_squeeze %dma_start3A_452 : memref<1x128x128xf32, #tpu.memory_space<vmem>> -> memref<128x128xf32, #tpu.memory_space<vmem>>
    tpu.enqueue_dma source(%dma_start3A_453 : memref<128x128xf32, #tpu.memory_space<vmem>>) target(%dma_start3A_449 : memref<128x128xf32, #tpu.memory_space<hbm>>) target_semaphore(%arg12 : memref<!tpu.dma_semaphore, #tpu.memory_space<semaphore_mem>>)
    %dma_wait3A_454 = arith.constant 2 : i32
    %dma_wait3A_455 = arith.constant 0 : i32
    %dma_wait3A_456 = arith.constant 0 : i32
    %dma_wait3A_457 = arith.constant 0 : i32
    %dma_wait3A_458 = tpu.memref_slice %arg7[%dma_wait3A_454, %dma_wait3A_456, %dma_wait3A_457] : memref<3x128x128xf32, #tpu.memory_space<vmem>> -> memref<1x128x128xf32, #tpu.memory_space<vmem>>
    %dma_wait3A_459 = tpu.memref_squeeze %dma_wait3A_458 : memref<1x128x128xf32, #tpu.memory_space<vmem>> -> memref<128x128xf32, #tpu.memory_space<vmem>>
    %dma_wait3A_460 = arith.constant 0 : i32
    %dma_wait3A_461 = tpu.memref_slice %arg4[%dma_wait3A_455, %mul3A_2, %dma_wait3A_460] : memref<50x4096x128xf32, #tpu.memory_space<hbm>> -> memref<1x128x128xf32, #tpu.memory_space<hbm>>
    %dma_wait3A_462 = tpu.memref_squeeze %dma_wait3A_461 : memref<1x128x128xf32, #tpu.memory_space<hbm>> -> memref<128x128xf32, #tpu.memory_space<hbm>>
    %dma_wait3A_463 = arith.constant 0 : i32
    %dma_wait3A_464 = tpu.memref_slice %arg4[%dma_wait3A_455, %mul3A_2, %dma_wait3A_463] : memref<50x4096x128xf32, #tpu.memory_space<hbm>> -> memref<1x128x128xf32, #tpu.memory_space<hbm>>
    %dma_wait3A_465 = tpu.memref_squeeze %dma_wait3A_464 : memref<1x128x128xf32, #tpu.memory_space<hbm>> -> memref<128x128xf32, #tpu.memory_space<hbm>>
    %dma_wait3A_466 = arith.constant 0 : i32
    %dma_wait3A_467 = arith.constant 0 : i32
    %dma_wait3A_468 = tpu.memref_slice %arg7[%dma_wait3A_454, %dma_wait3A_466, %dma_wait3A_467] : memref<3x128x128xf32, #tpu.memory_space<vmem>> -> memref<1x128x128xf32, #tpu.memory_space<vmem>>
    %dma_wait3A_469 = tpu.memref_squeeze %dma_wait3A_468 : memref<1x128x128xf32, #tpu.memory_space<vmem>> -> memref<128x128xf32, #tpu.memory_space<vmem>>
    tpu.wait_dma2 semaphore(%arg13 : memref<!tpu.dma_semaphore, #tpu.memory_space<semaphore_mem>>) src(%dma_wait3A_469 : memref<128x128xf32, #tpu.memory_space<vmem>>) dst(%dma_wait3A_465 : memref<128x128xf32, #tpu.memory_space<hbm>>)
    %dma_wait3A_470 = arith.constant 0 : i32
    %dma_wait3A_471 = arith.constant 0 : i32
    %dma_wait3A_472 = arith.constant 0 : i32
    %dma_wait3A_473 = arith.constant 0 : i32
    %dma_wait3A_474 = tpu.memref_slice %arg7[%dma_wait3A_470, %dma_wait3A_472, %dma_wait3A_473] : memref<3x128x128xf32, #tpu.memory_space<vmem>> -> memref<1x128x128xf32, #tpu.memory_space<vmem>>
    %dma_wait3A_475 = tpu.memref_squeeze %dma_wait3A_474 : memref<1x128x128xf32, #tpu.memory_space<vmem>> -> memref<128x128xf32, #tpu.memory_space<vmem>>
    %dma_wait3A_476 = arith.constant 0 : i32
    %dma_wait3A_477 = tpu.memref_slice %arg4[%dma_wait3A_471, %mul3A_2, %dma_wait3A_476] : memref<50x4096x128xf32, #tpu.memory_space<hbm>> -> memref<1x128x128xf32, #tpu.memory_space<hbm>>
    %dma_wait3A_478 = tpu.memref_squeeze %dma_wait3A_477 : memref<1x128x128xf32, #tpu.memory_space<hbm>> -> memref<128x128xf32, #tpu.memory_space<hbm>>
    %dma_wait3A_479 = arith.constant 0 : i32
    %dma_wait3A_480 = tpu.memref_slice %arg4[%dma_wait3A_471, %mul3A_2, %dma_wait3A_479] : memref<50x4096x128xf32, #tpu.memory_space<hbm>> -> memref<1x128x128xf32, #tpu.memory_space<hbm>>
    %dma_wait3A_481 = tpu.memref_squeeze %dma_wait3A_480 : memref<1x128x128xf32, #tpu.memory_space<hbm>> -> memref<128x128xf32, #tpu.memory_space<hbm>>
    %dma_wait3A_482 = arith.constant 0 : i32
    %dma_wait3A_483 = arith.constant 0 : i32
    %dma_wait3A_484 = tpu.memref_slice %arg7[%dma_wait3A_470, %dma_wait3A_482, %dma_wait3A_483] : memref<3x128x128xf32, #tpu.memory_space<vmem>> -> memref<1x128x128xf32, #tpu.memory_space<vmem>>
    %dma_wait3A_485 = tpu.memref_squeeze %dma_wait3A_484 : memref<1x128x128xf32, #tpu.memory_space<vmem>> -> memref<128x128xf32, #tpu.memory_space<vmem>>
    tpu.wait_dma2 semaphore(%arg11 : memref<!tpu.dma_semaphore, #tpu.memory_space<semaphore_mem>>) src(%dma_wait3A_485 : memref<128x128xf32, #tpu.memory_space<vmem>>) dst(%dma_wait3A_481 : memref<128x128xf32, #tpu.memory_space<hbm>>)
    %dma_wait3A_486 = arith.constant 1 : i32
    %dma_wait3A_487 = arith.constant 0 : i32
    %dma_wait3A_488 = arith.constant 0 : i32
    %dma_wait3A_489 = arith.constant 0 : i32
    %dma_wait3A_490 = tpu.memref_slice %arg7[%dma_wait3A_486, %dma_wait3A_488, %dma_wait3A_489] : memref<3x128x128xf32, #tpu.memory_space<vmem>> -> memref<1x128x128xf32, #tpu.memory_space<vmem>>
    %dma_wait3A_491 = tpu.memref_squeeze %dma_wait3A_490 : memref<1x128x128xf32, #tpu.memory_space<vmem>> -> memref<128x128xf32, #tpu.memory_space<vmem>>
    %dma_wait3A_492 = arith.constant 0 : i32
    %dma_wait3A_493 = tpu.memref_slice %arg4[%dma_wait3A_487, %mul3A_2, %dma_wait3A_492] : memref<50x4096x128xf32, #tpu.memory_space<hbm>> -> memref<1x128x128xf32, #tpu.memory_space<hbm>>
    %dma_wait3A_494 = tpu.memref_squeeze %dma_wait3A_493 : memref<1x128x128xf32, #tpu.memory_space<hbm>> -> memref<128x128xf32, #tpu.memory_space<hbm>>
    %dma_wait3A_495 = arith.constant 0 : i32
    %dma_wait3A_496 = tpu.memref_slice %arg4[%dma_wait3A_487, %mul3A_2, %dma_wait3A_495] : memref<50x4096x128xf32, #tpu.memory_space<hbm>> -> memref<1x128x128xf32, #tpu.memory_space<hbm>>
    %dma_wait3A_497 = tpu.memref_squeeze %dma_wait3A_496 : memref<1x128x128xf32, #tpu.memory_space<hbm>> -> memref<128x128xf32, #tpu.memory_space<hbm>>
    %dma_wait3A_498 = arith.constant 0 : i32
    %dma_wait3A_499 = arith.constant 0 : i32
    %dma_wait3A_500 = tpu.memref_slice %arg7[%dma_wait3A_486, %dma_wait3A_498, %dma_wait3A_499] : memref<3x128x128xf32, #tpu.memory_space<vmem>> -> memref<1x128x128xf32, #tpu.memory_space<vmem>>
    %dma_wait3A_501 = tpu.memref_squeeze %dma_wait3A_500 : memref<1x128x128xf32, #tpu.memory_space<vmem>> -> memref<128x128xf32, #tpu.memory_space<vmem>>
    tpu.wait_dma2 semaphore(%arg12 : memref<!tpu.dma_semaphore, #tpu.memory_space<semaphore_mem>>) src(%dma_wait3A_501 : memref<128x128xf32, #tpu.memory_space<vmem>>) dst(%dma_wait3A_497 : memref<128x128xf32, #tpu.memory_space<hbm>>)
    return
  }
}

</mosaic_0001>

<sc_bundles>
// kernel: kernel.3.cloned.1.call-start
scs
__scs_entry_jumppad:
0x0: {  	(pc) =	sbr.rel $0x88, $3  }
0x1: {  	(tag) =	ssettag $0x0;
	lr =	simm.s32 $0x1  }
0x2: {  	[smem:$0x3F9F] =	sst lr;
	_ =	strace $0xD0000000  }
0x3: {  	_ = 	snop  }
0x4: {  	_ = 	snop  }
0x5: {  	_ = 	snop  }
0x6: {  	_ = 	snop  }
0x7: {  	_ = 	snop  }
__scs_overlays_trampoline_lowered:
0x8: {  	[smem:$0x3FAE] =	sst s0  }
0x9: {  	[smem:$0x3FAF] =	sst s1  }
0xa: {  	[smem:$0x3FB0] =	sst s2  }
0xb: {  	[smem:$0x3FB1] =	sst s3  }
0xc: {  	[smem:$0x3FB2] =	sst s4  }
0xd: {  	[smem:$0x3FB3] =	sst s5  }
0xe: {  	[smem:$0x3FB4] =	sst s6  }
0xf: {  	[smem:$0x3FB5] =	sst s7  }
0x10: {  	[smem:$0x3FB6] =	sst s8  }
0x11: {  	[smem:$0x3FB7] =	sst s9;
	s0 =	simm.s32 @!p0 $0x0  }
0x12: {  	s1 =	sld [smem:$0x3F9D];
	s0 =	simm.s32 @p0 $0x1  }
0x13: {  	[smem:$0x3FB8] =	sst s0;
	s0 =	simm.s32 @!p1 $0x0  }
0x14: {  	s2 =	sld [smem:$0x3F9C];
	s0 =	simm.s32 @p1 $0x1  }
0x15: {  	[smem:$0x3FB9] =	sst s0;
	s0 =	simm.s32 @!p2 $0x0  }
0x16: {  	s3 =	sld [smem:$0x3FDB];
	s0 =	simm.s32 @p2 $0x1  }
0x17: {  	s4 =	simm.s32 $0x1BF5;
	[smem:$0x3FBB] =	sst s0  }
0x18: {  	s0 =	sld [smem:$0x3F9E];
	_ =	swait.ge [sflag:s4], $0x0  }
0x19: {  	s7 =	sld [smem:$0x3F9F]  }
0x1a: {  	s8 =	sadd.s32 $0xFFFFE003, lr  }
0x1b: {  	s9 =	sadd.s32 $0xFFFFFEF7, lr;
	s5 =	simm.s32 $0xFFFFFFFF;
	p2 =	slt.u32 s8, $0xFFFFF086  }
0x1c: {  	p1 =	slt.u32 s9, $0xF7A;
	s5 =	simm.s32 @!p2 $0x0  }
0x1d: {  	s5 =	simm.s32 @p1 $0x1;
	p0 =	seq.s32 s7, s2  }
0x1e: {  	s7 =	smul.u32 @!p0 $0xF7A, s2;
	p2 =	seq.s32 @!p0 s5, $0x0  }
0x1f: {  	s9 =	smul.u32 $0xF7A, s1;
	s8 =	simm.s32 @!p0 $0x1BF5;
	p2 =	por !p2, p0  }
0x20: {  	[sflag:s8] =	ssyncset.s32 @!p0 $0xFFFFF086;
	s6 =	sadd.s32 @!p0 s3, s7;
	s7 =	simm.s32 @!p0 $0x108  }
0x21: {  	s3 =	sadd.s32 s3, s9;
	s6 =	sadd.s32 @!p0 $0x88, s6;
	s7 =	simm.s32 @p2 $0x1082  }
0x22: {  	[simem:s7], [sflag:s8] =	dma.local @!p0 [hbm:s6], $0xF7A  }
0x23: {  	s9 =	sor.u32 $0xD0000000, s2;
	s6 =	simm.s32 $0x108;
	_ =	swait.ge @!p0 [sflag:s8], $0x0  }
0x24: {  	s3 =	sadd.s32 $0x88, s3;
	s6 =	simm.s32 @!p1 $0x1082;
	[sflag:s4] =	ssyncset.s32 $0xFFFFF086  }
0x25: {  	[simem:s6], [sflag:s4] =	dma.local [hbm:s3], $0xF7A  }
0x26: {  	[smem:$0x3F9F] =	sst s1;
	(tag) =	ssettag s2;
	_ =	strace s9  }
0x27: {  	s1 =	sld [smem:$0x3FAF]  }
0x28: {  	s2 =	sld [smem:$0x3FB0]  }
0x29: {  	s4 =	sld [smem:$0x3FB2]  }
0x2a: {  	p0 =	seq.s32 s5, $0x0;
	s5 =	sld [smem:$0x3FB3]  }
0x2b: {  	s6 =	sld [smem:$0x3FB4]  }
0x2c: {  	s7 =	sld [smem:$0x3FB5]  }
0x2d: {  	s3 =	simm.s32 $0x108;
	s8 =	sld [smem:$0x3FB6]  }
0x2e: {  	s3 =	simm.s32 @!p0 $0x1082;
	s9 =	sld [smem:$0x3FB7]  }
0x2f: {  	lr =	sadd.s32 s0, s3;
	s0 =	sld [smem:$0x3FAE]  }
0x30: {  	s3 =	sld [smem:$0x3FB1]  }
0x31: {  	[smem:$0x3FBA] =	sst s10  }
0x32: {  	s10 =	sld [smem:$0x3FB8];
	_ =	sdelay $0x3  }
0x33: {  	p0 =	seq.s32 s10, $0x1;
	s10 =	sld [smem:$0x3FBA];
	_ =	sdelay $0x3  }
0x34: {  	[smem:$0x3FBA] =	sst s10  }
0x35: {  	s10 =	sld [smem:$0x3FB9];
	_ =	sdelay $0x3  }
0x36: {  	p1 =	seq.s32 s10, $0x1;
	s10 =	sld [smem:$0x3FBA];
	_ =	sdelay $0x3  }
0x37: {  	[smem:$0x3FBA] =	sst s10  }
0x38: {  	s10 =	sld [smem:$0x3FBB]  }
0x39: {  	_ = 	snop;
	(pc) =	sbr.ind lr, $3  }
0x3a: {  	_ = 	snop  }
0x3b: {  	_ = 	snop  }
0x3c: {  	p2 =	seq.s32 s10, $0x1;
	s10 =	sld [smem:$0x3FBA]  }
0x3d: {  	_ =	shalt  }
0x3e: {  	_ =	shalt  }
0x3f: {  	_ =	shalt  }
0x40: {  	_ =	shalt  }
0x41: {  	_ =	shalt  }
0x42: {  	_ =	shalt  }
0x43: {  	_ =	shalt  }
0x44: {  	_ =	shalt  }
0x45: {  	_ =	shalt  }
0x46: {  	_ =	shalt  }
0x47: {  	_ =	shalt  }
0x48: {  	_ =	shalt  }
0x49: {  	_ =	shalt  }
0x4a: {  	_ =	shalt  }
0x4b: {  	_ =	shalt  }
0x4c: {  	_ =	shalt  }
0x4d: {  	_ =	shalt  }
0x4e: {  	_ =	shalt  }
0x4f: {  	_ =	shalt  }
0x50: {  	_ =	shalt  }
0x51: {  	_ =	shalt  }
0x52: {  	_ =	shalt  }
0x53: {  	_ =	shalt  }
0x54: {  	_ =	shalt  }
0x55: {  	_ =	shalt  }
0x56: {  	_ =	shalt  }
0x57: {  	_ =	shalt  }
0x58: {  	_ =	shalt  }
0x59: {  	_ =	shalt  }
0x5a: {  	_ =	shalt  }
0x5b: {  	_ =	shalt  }
0x5c: {  	_ =	shalt  }
0x5d: {  	_ =	shalt  }
0x5e: {  	_ =	shalt  }
0x5f: {  	_ =	shalt  }
0x60: {  	_ =	shalt  }
0x61: {  	_ =	shalt  }
0x62: {  	_ =	shalt  }
0x63: {  	_ =	shalt  }
0x64: {  	_ =	shalt  }
0x65: {  	_ =	shalt  }
0x66: {  	_ =	shalt  }
0x67: {  	_ =	shalt  }
0x68: {  	_ =	shalt  }
0x69: {  	_ =	shalt  }
0x6a: {  	_ =	shalt  }
0x6b: {  	_ =	shalt  }
0x6c: {  	_ =	shalt  }
0x6d: {  	_ =	shalt  }
0x6e: {  	_ =	shalt  }
0x6f: {  	_ =	shalt  }
0x70: {  	_ =	shalt  }
0x71: {  	_ =	shalt  }
0x72: {  	_ =	shalt  }
0x73: {  	_ =	shalt  }
0x74: {  	_ =	shalt  }
0x75: {  	_ =	shalt  }
0x76: {  	_ =	shalt  }
0x77: {  	_ =	shalt  }
0x78: {  	_ =	shalt  }
0x79: {  	_ =	shalt  }
0x7a: {  	_ =	shalt  }
0x7b: {  	_ =	shalt  }
0x7c: {  	_ =	shalt  }
0x7d: {  	_ =	shalt  }
0x7e: {  	_ =	shalt  }
0x7f: {  	_ =	shalt  }
0x80: {  	_ =	shalt  }
0x81: {  	_ =	shalt  }
0x82: {  	_ =	shalt  }
0x83: {  	_ =	shalt  }
0x84: {  	_ =	shalt  }
0x85: {  	_ =	shalt  }
0x86: {  	_ =	shalt  }
0x87: {  	_ =	shalt  }
.Lfunc_end0:
.L_simem_size_0:
called_computation_lowered:
.L_overlay_start_0:
0x88: {  	s2 =	sld [smem:$0x3FD9]  }
0x89: {  	s3 =	sld [smem:$0x3FFE];
	_ =	sdelay $0x1  }
0x8a: {  	s1 =	srdreg.scid  }
0x8b: {  	s0 =	sand.u32 $0x1, s1  }
0x8c: {  	s18 =	sshll.u32 s0, $0xA;
	s2 =	sadd.s32 s3, s2  }
0x8d: {  	s2 =	sadd.s32 s2, s18  }
0x8e: {  	[smem:$0x3FC6] =	sst s2  }
0x8f: {  	_ = 	snop  }
0x90: {  	s2 =	sld [smem:$0x3FC9]  }
0x91: {  	s19 =	sld [smem:$0x3FC8]  }
0x92: {  	s4 =	sld [smem:$0x3FD0];
	(tm) =	ssettm $0x1  }
0x93: {  	s5 =	sld [smem:$0x3FFB];
	_ =	sdelay $0x3  }
0x94: {  	_ =	strace s5  }
0x95: {  	s5 =	sld [smem:$0x3FFC];
	_ =	sdelay $0x3  }
0x96: {  	_ =	strace s5  }
0x97: {  	s5 =	sld [smem:$0x3FFD];
	_ =	sdelay $0x3  }
0x98: {  	_ =	strace s5  }
0x99: {  	_ =	strace $0x8FFFFFFF  }
0x9a: {  	s20 =	sld [smem:$0x3FDB];
	_ =	sdelay $0x1  }
0x9b: {  	s6 =	simm.s32 $_scs_section_size  }
0x9c: {  	s7 =	simm.s32 $_size__tile_overlayer_lowered;
	s8 =	simm.s32 $_tile_overlayer_lowered  }
0x9d: {  	s23 =	simm.s32 $0x1BFF;
	s22 =	sshll.u32 s8, $0x1;
	s5 =	sadd.s32 s6, s20  }
0x9e: {  	s9 =	simm.s32 $0x0;
	s21 =	sshll.u32 s7, $0x1;
	s7 =	sadd.s32 s22, s5  }
0x9f: {  	[timem:s9], [sflag:s23] =	dma.local [hbm:s7], s21  }
0xa0: {  	_ =	swait.ge [sflag:s23], s21  }
0xa1: {  	s6 =	ssub.s32 $0x0, s21;
	[sflag:s23] =	ssyncset.done $0x0  }
0xa2: {  	[sflag:s23] =	ssyncadd.s32 s6;
	_ =	sdelay $0x1  }
0xa3: {  	s24 =	simm.s32 $0x1B8B  }
0xa4: {  	_ =	swait.ge [sflag:s24], $0x1  }
0xa5: {  	[sflag:s24] =	ssyncset.done $0x0  }
0xa6: {  	s25 =	simm.s32 $0x1B8E;
	[sflag:s24] =	ssyncadd.s32 $0xFFFFFFFF  }
0xa7: {  	s26 =	simm.s32 $execute0_lowered;
	[smem:$0x3FD2] =	sst s25  }
0xa8: {  	s6 =	sshll.u32 s26, $0x1;
	_ =	strace $0x80000046;
	[dreg:$0x1] =	wrdreg $0xFFFFFFFF  }
0xa9: {  	s28 =	simm.s32 $_size_execute0_lowered;
	s5 =	sadd.s32 s5, s6;
	[dreg:$0x0] =	wrdreg $0x0  }
0xaa: {  	s6 =	sshll.u32 s28, $0x1;
	[dreg:$0x2] =	wrdreg s5  }
0xab: {  	[dreg:$0x3] =	wrdreg s6  }
0xac: {  	[dreg:$0x4] =	wrdreg $0xC0  }
0xad: {  	_ =	task [dreg:s9], $0x5FFFF  }
0xae: {  	[dreg:$0x1] =	wrdreg $0xFFFFFFFF  }
0xaf: {  	[dreg:$0x0] =	wrdreg $0x60  }
0xb0: {  	[dreg:$0x2] =	wrdreg s2  }
0xb1: {  	[dreg:$0x3] =	wrdreg s19  }
0xb2: {  	[dreg:$0x4] =	wrdreg s4  }
0xb3: {  	[dreg:$0x5] =	wrdreg $0x9  }
0xb4: {  	_ =	task.clear_ibuf [dreg:s9], $0x6FFFF;
	_ =	strace $0x90000046  }
0xb5: {  	s29 =	simm.s32 $0x9;
	_ =	strace $0x80000048  }
0xb6: {  	_ =	swait.ge [sflag:s29], $0x1  }
0xb7: {  	[sflag:s29] =	ssyncadd.s32 $0xFFFFFFFF  }
0xb8: {  	_ =	strace $0x90000048  }
0xb9: {  	_ =	sfence  }
0xba: {  	s30 =	sld [smem:$0x0];
	_ =	sdelay $0x2  }
0xbb: {  	s31 =	sshll.u32 s1, $0xD;
	s1 =	sshrl.u32 s1, $0x2  }
0xbc: {  	s3 =	sand.u32 $0x4000, s31;
	s1 =	sadd.s32 s1, s30  }
0xbd: {  	s0 =	sor.u32 s3, s0;
	s1 =	sshll.u32 s1, $0x11  }
0xbe: {  	s0 =	sor.u32 s1, s0  }
0xbf: {  	s0 =	sadd.s32 $0x8F2B, s0  }
0xc0: {  	[sflag:s0] =	ssyncadd.remote.s32 $0x1  }
0xc1: {  	_ =	sfence.sel $0xFFFF  }
0xc2: {  	[dreg:$0x0] =	wrdreg $0xFFFFFFFF;
	(pc) =	sbr.abs _section_cstart, $3  }
0xc3: {  	[dreg:$0x1] =	wrdreg $0xFFFFFFFF  }
0xc4: {  	_ =	task.clear_ibuf [dreg:s9], $0x2FFFF;
	_ =	strace $0x9FFFFFFF  }
0xc5: {  	(tm) =	ssettm $0x7FFFFFFF  }
tec
execute0_lowered:
.L_overlay_start_1:
0x0: {  	(tag) =	ssettag $0x1  }
0x1: {  	s0 =	rddreg [dreg:$0x0]  }
0x2: {  	s2 =	rddreg [dreg:$0x1]  }
0x3: {  	s3 =	rddreg [dreg:$0x2];
	s1 =	srdreg.scid  }
0x4: {  	s5 =	stileid.u32;
	s4 =	simm.s32 $0x0;
	s16 =	simm.s32 $0x1800  }
0x5: {  	s30 =	simm.s32 $0x1;
	s31 =	simm.s32 $0xDC00;
	s9 =	simm.s32 $0x5  }
0x6: {  	s29 =	simm.s32 $0x6;
	s10 =	simm.s32 $0x0;
	s1 =	sand.u32 $0x1, s1  }
0x7: {  	s5 =	sshll.u32 s5, $0x8;
	s6 =	sshll.u32 s1, $0x7;
	s1 =	ssub.s32 $0x2, s1  }
0x8: {  	[smem:$0x7FF] =	sst s4;
	s8 =	sor.u32 s6, s5;
	s18 =	sshrl.u32 s1, $0x1  }
0x9: {  	_ =	strace $0x80000047;
	s6 =	sshll.u32 s8, $0x4;
	s1 =	ssub.s32 s1, s18  }
0xa: {  	s5 =	sadd.s32 s0, s8;
	s6 =	sadd.s32 s3, s6;
	s26 =	smax.u32 s1, $0x1  }
0xb: {  	s8 =	sshll.u32 s8, $0x7;
	s19 =	sadd.s32 $0x10000, s6;
	[dreg:$0xb] =	wrdreg s26  }
0xc: {  	s0 =	simm.s32 $0x15C00;
	s20 =	sadd.s32 $0x20000, s6;
	[dreg:$0x4] =	wrdreg s19  }
0xd: {  	s7 =	sadd.s32 $0x1000, s5;
	s21 =	sadd.s32 $0x2D0000, s6;
	[dreg:$0x5] =	wrdreg s20  }
0xe: {  	s11 =	sor.u32 $0x80000, s8;
	s22 =	sadd.s32 $0x2E0000, s6;
	[dreg:$0x6] =	wrdreg s21  }
0xf: {  	s12 =	sor.u32 $0x100000, s8;
	s23 =	sadd.s32 $0x2F0000, s6;
	[dreg:$0x7] =	wrdreg s22  }
0x10: {  	s1 =	simm.s32 $0x2;
	s24 =	sadd.s32 $0x300000, s6;
	[dreg:$0x8] =	wrdreg s23  }
0x11: {  	s25 =	sadd.s32 $0x310000, s6;
	s28 =	sadd.s32 $0x5000, s7;
	[dreg:$0x9] =	wrdreg s24  }
0x12: {  	s26 =	simm.s32 $0x3;
	[dreg:$0xa] =	wrdreg s25;
	s19 =	simm.s32 $0x7  }
0x13: {  	s20 =	simm.s32 $0x80;
	s21 =	simm.s32 $0x1C00;
	s22 =	simm.s32 $0x5C00  }
0x14: {  	s24 =	simm.s32 $0x9C00;
	s23 =	simm.s32 $0x11C00;
	s25 =	simm.s32 $0x4  }
.LBB2_1:
0x15: {  	[tilespmem:s4], [sflag:$0x7] =	stream.linear.gather [hbm4b:s5+s4], $0x400, $0x38;
	[tilespmem:$0x19C00] =	vst v63  }
0x16: {  	_ =	swait.ge [sflag:s19], $0x400  }
0x17: {  	[sflag:s19] =	ssyncset.done $0x0  }
0x18: {  	[sflag:s19] =	ssyncadd.s32 $0xFFFFFC00  }
0x19: {  	[tilespmem:s21], [sflag:$0x1] =	stream.indirect.gather [hbm4b:s2+s20], $0x80, s4, s20, $0xb8;
	[tilespmem:$0x19C00] =	vst v63  }
0x1a: {  	_ = 	snop  }
0x1b: {  	[tilespmem:s22], [sflag:$0x2] =	stream.indirect.gather [hbm4b:s2+s20], $0x80, s20, s20, $0xb8;
	[tilespmem:$0x19C00] =	vst v63  }
0x1c: {  	s13 =	simm.s32 $0x100  }
0x1d: {  	[tilespmem:s24], [sflag:$0x3] =	stream.indirect.gather [hbm4b:s2+s20], $0x80, s13, s20, $0xb8;
	[tilespmem:$0x19C00] =	vst v63  }
0x1e: {  	s18 =	simm.s32 $0x8000;
	s14 =	simm.s32 $0x400  }
0x1f: {  	[tilespmem:s14], [sflag:$0x7] =	stream.strided.gather [hbm4b:s7+s14], $0x1400, s18, s14, $0x38;
	[tilespmem:$0x19C00] =	vst v63  }
0x20: {  	_ = 	snop  }
0x21: {  	[tilespmem:s16], [sflag:$0x7] =	stream.linear.gather [hbm4b:s28+s4], $0x100, $0x38;
	[tilespmem:$0x19C00] =	vst v63  }
0x22: {  	_ =	swait.ge [sflag:s19], $0x1500  }
0x23: {  	[sflag:s19] =	ssyncset.done $0x0  }
0x24: {  	[sflag:s19] =	ssyncadd.s32 $0xFFFFEB00  }
0x25: {  	_ =	swait.ge [sflag:s30], $0x4000  }
0x26: {  	[sflag:s30] =	ssyncset.done $0x0  }
0x27: {  	s14 =	simm.s32 $0x0;
	[sflag:s30] =	ssyncadd.s32 $0xFFFFC000  }
0x28: {  	v1 =	vld [tilespmem:s14+$0x1C70]  }
0x29: {  	v5 =	vld [tilespmem:s14+$0x1C00]  }
0x2a: {  	v6 =	vld [tilespmem:s14+$0x1C10]  }
0x2b: {  	v4 =	vld [tilespmem:s14+$0x1C20]  }
0x2c: {  	v3 =	vld [tilespmem:s14+$0x1C30]  }
0x2d: {  	v0 =	vld [tilespmem:s14+$0x1C40];
	v7 =	vmul.f32 $1.131370830e+01, v1  }
0x2e: {  	v1 =	vld [tilespmem:s14+$0x1C50];
	v5 =	vmul.f32 $1.131370830e+01, v5  }
0x2f: {  	s15 =	simm.s32 $0x400;
	s13 =	simm.s32 $0x80;
	v2 =	vld [tilespmem:s14+$0x1C60];
	v6 =	vmul.f32 $1.131370830e+01, v6;
	[tilespmem:s14+$0xDC70] =	vst v7  }
.LBB2_2:
0x30: {  	p0 =	sne.s32 s15, $0xFE00;
	v7 =	vld [tilespmem:s13+$0x1C70];
	[tilespmem:s14+$0xDC00] =	vst v5;
	v4 =	vmul.f32 $1.131370830e+01, v4  }
0x31: {  	v5 =	vld [tilespmem:s13+$0x1C00];
	[tilespmem:s14+$0xDC10] =	vst v6;
	v3 =	vmul.f32 $1.131370830e+01, v3  }
0x32: {  	v6 =	vld [tilespmem:s13+$0x1C10];
	[tilespmem:s14+$0xDC20] =	vst v4;
	v0 =	vmul.f32 $1.131370830e+01, v0  }
.Ltmp0:
0x33: {  	v4 =	vld [tilespmem:s13+$0x1C20];
	[tilespmem:s14+$0xDC30] =	vst v3;
	v1 =	vmul.f32 $1.131370830e+01, v1;
	(pc) =	sbr.rel @p0 .LBB2_2-.Ltmp0, $4  }
0x34: {  	v3 =	vld [tilespmem:s13+$0x1C30];
	[tilespmem:s14+$0xDC40] =	vst v0;
	v2 =	vmul.f32 $1.131370830e+01, v2  }
0x35: {  	v0 =	vld [tilespmem:s13+$0x1C40];
	v7 =	vmul.f32 $1.131370830e+01, v7;
	[tilespmem:s14+$0xDC50] =	vst v1  }
0x36: {  	v5 =	vmul.f32 $1.131370830e+01, v5;
	v1 =	vld [tilespmem:s13+$0x1C50];
	[tilespmem:s14+$0xDC60] =	vst v2;
	s14 =	smov.u32 s13  }
0x37: {  	s13 =	sshra.s32 s15, $0x2;
	s15 =	sadd.s32 $0x200, s15;
	v6 =	vmul.f32 $1.131370830e+01, v6;
	v2 =	vld [tilespmem:s14+$0x1C60];
	[tilespmem:s14+$0xDC70] =	vst v7  }
0x38: {  	v7 =	vld [tilespmem:s13+$0x1C70];
	[tilespmem:s14+$0xDC00] =	vst v5;
	v4 =	vmul.f32 $1.131370830e+01, v4  }
0x39: {  	v5 =	vld [tilespmem:s13+$0x1C00];
	[tilespmem:s14+$0xDC10] =	vst v6;
	v3 =	vmul.f32 $1.131370830e+01, v3  }
0x3a: {  	v6 =	vld [tilespmem:s13+$0x1C10];
	[tilespmem:s14+$0xDC20] =	vst v4;
	v0 =	vmul.f32 $1.131370830e+01, v0  }
0x3b: {  	v4 =	vld [tilespmem:s13+$0x1C20];
	[tilespmem:s14+$0xDC30] =	vst v3;
	v1 =	vmul.f32 $1.131370830e+01, v1  }
0x3c: {  	v3 =	vld [tilespmem:s13+$0x1C30];
	[tilespmem:s14+$0xDC40] =	vst v0;
	v2 =	vmul.f32 $1.131370830e+01, v2  }
0x3d: {  	v0 =	vld [tilespmem:s13+$0x1C40];
	[tilespmem:s14+$0xDC50] =	vst v1;
	v7 =	vmul.f32 $1.131370830e+01, v7  }
0x3e: {  	v1 =	vld [tilespmem:s13+$0x1C50];
	[tilespmem:s14+$0xDC60] =	vst v2;
	v2 =	vmul.f32 $1.131370830e+01, v5  }
0x3f: {  	v5 =	vld [tilespmem:s13+$0x1C60];
	v6 =	vmul.f32 $1.131370830e+01, v6;
	[tilespmem:s13+$0xDC70] =	vst v7  }
0x40: {  	[tilespmem:s13+$0xDC00] =	vst v2;
	v2 =	vmul.f32 $1.131370830e+01, v4  }
0x41: {  	[tilespmem:s13+$0xDC10] =	vst v6;
	v3 =	vmul.f32 $1.131370830e+01, v3  }
0x42: {  	[tilespmem:s13+$0xDC20] =	vst v2;
	v0 =	vmul.f32 $1.131370830e+01, v0  }
0x43: {  	[tilespmem:s13+$0xDC30] =	vst v3;
	v1 =	vmul.f32 $1.131370830e+01, v1  }
0x44: {  	[tilespmem:s13+$0xDC40] =	vst v0;
	v0 =	vmul.f32 $1.131370830e+01, v5  }
0x45: {  	[tilespmem:s13+$0xDC50] =	vst v1  }
0x46: {  	s17 =	simm.s32 $0x0;
	[tilespmem:s13+$0xDC60] =	vst v0  }
0x47: {  	[hbm4b:s6+s17] =	stream.linear.scatter [tilespmem:s31], [sflag:$0x4], $0x4000, $0x38;
	[tilespmem:$0x19C00] =	vst v63  }
0x48: {  	s18 =	simm.s32 $0x180  }
0x49: {  	[tilespmem:s21], [sflag:$0x1] =	stream.indirect.gather [hbm4b:s2+s20], $0x80, s18, s20, $0xb8;
	[tilespmem:$0x19C00] =	vst v63  }
0x4a: {  	_ =	swait.ge [sflag:s1], $0x4000  }
0x4b: {  	[sflag:s1] =	ssyncset.done $0x0  }
0x4c: {  	s14 =	simm.s32 $0x0;
	[sflag:s1] =	ssyncadd.s32 $0xFFFFC000  }
0x4d: {  	v1 =	vld [tilespmem:s14+$0x5C70]  }
0x4e: {  	v5 =	vld [tilespmem:s14+$0x5C00]  }
0x4f: {  	v6 =	vld [tilespmem:s14+$0x5C10]  }
0x50: {  	v4 =	vld [tilespmem:s14+$0x5C20]  }
0x51: {  	v3 =	vld [tilespmem:s14+$0x5C30]  }
0x52: {  	v0 =	vld [tilespmem:s14+$0x5C40];
	v7 =	vmul.f32 $1.131370830e+01, v1  }
0x53: {  	v1 =	vld [tilespmem:s14+$0x5C50];
	v5 =	vmul.f32 $1.131370830e+01, v5  }
0x54: {  	s15 =	simm.s32 $0x400;
	s13 =	simm.s32 $0x80;
	v2 =	vld [tilespmem:s14+$0x5C60];
	v6 =	vmul.f32 $1.131370830e+01, v6;
	[tilespmem:s14+$0x11C70] =	vst v7  }
.LBB2_4:
0x55: {  	p0 =	sne.s32 s15, $0xFE00;
	v7 =	vld [tilespmem:s13+$0x5C70];
	[tilespmem:s14+$0x11C00] =	vst v5;
	v4 =	vmul.f32 $1.131370830e+01, v4  }
0x56: {  	v5 =	vld [tilespmem:s13+$0x5C00];
	[tilespmem:s14+$0x11C10] =	vst v6;
	v3 =	vmul.f32 $1.131370830e+01, v3  }
0x57: {  	v6 =	vld [tilespmem:s13+$0x5C10];
	[tilespmem:s14+$0x11C20] =	vst v4;
	v0 =	vmul.f32 $1.131370830e+01, v0  }
.Ltmp1:
0x58: {  	v4 =	vld [tilespmem:s13+$0x5C20];
	[tilespmem:s14+$0x11C30] =	vst v3;
	v1 =	vmul.f32 $1.131370830e+01, v1;
	(pc) =	sbr.rel @p0 .LBB2_4-.Ltmp1, $4  }
0x59: {  	v3 =	vld [tilespmem:s13+$0x5C30];
	[tilespmem:s14+$0x11C40] =	vst v0;
	v2 =	vmul.f32 $1.131370830e+01, v2  }
0x5a: {  	v0 =	vld [tilespmem:s13+$0x5C40];
	v7 =	vmul.f32 $1.131370830e+01, v7;
	[tilespmem:s14+$0x11C50] =	vst v1  }
0x5b: {  	v5 =	vmul.f32 $1.131370830e+01, v5;
	v1 =	vld [tilespmem:s13+$0x5C50];
	[tilespmem:s14+$0x11C60] =	vst v2;
	s14 =	smov.u32 s13  }
0x5c: {  	s13 =	sshra.s32 s15, $0x2;
	s15 =	sadd.s32 $0x200, s15;
	v6 =	vmul.f32 $1.131370830e+01, v6;
	v2 =	vld [tilespmem:s14+$0x5C60];
	[tilespmem:s14+$0x11C70] =	vst v7  }
0x5d: {  	v7 =	vld [tilespmem:s13+$0x5C70];
	[tilespmem:s14+$0x11C00] =	vst v5;
	v4 =	vmul.f32 $1.131370830e+01, v4  }
0x5e: {  	v5 =	vld [tilespmem:s13+$0x5C00];
	[tilespmem:s14+$0x11C10] =	vst v6;
	v3 =	vmul.f32 $1.131370830e+01, v3  }
0x5f: {  	v6 =	vld [tilespmem:s13+$0x5C10];
	[tilespmem:s14+$0x11C20] =	vst v4;
	v0 =	vmul.f32 $1.131370830e+01, v0  }
0x60: {  	v4 =	vld [tilespmem:s13+$0x5C20];
	[tilespmem:s14+$0x11C30] =	vst v3;
	v1 =	vmul.f32 $1.131370830e+01, v1  }
0x61: {  	v3 =	vld [tilespmem:s13+$0x5C30];
	[tilespmem:s14+$0x11C40] =	vst v0;
	v2 =	vmul.f32 $1.131370830e+01, v2  }
0x62: {  	v0 =	vld [tilespmem:s13+$0x5C40];
	[tilespmem:s14+$0x11C50] =	vst v1;
	v7 =	vmul.f32 $1.131370830e+01, v7  }
0x63: {  	v1 =	vld [tilespmem:s13+$0x5C50];
	[tilespmem:s14+$0x11C60] =	vst v2;
	v2 =	vmul.f32 $1.131370830e+01, v5  }
0x64: {  	v5 =	vld [tilespmem:s13+$0x5C60];
	v6 =	vmul.f32 $1.131370830e+01, v6;
	[tilespmem:s13+$0x11C70] =	vst v7  }
0x65: {  	[tilespmem:s13+$0x11C00] =	vst v2;
	v2 =	vmul.f32 $1.131370830e+01, v4  }
0x66: {  	[tilespmem:s13+$0x11C10] =	vst v6;
	v3 =	vmul.f32 $1.131370830e+01, v3  }
0x67: {  	[tilespmem:s13+$0x11C20] =	vst v2;
	v0 =	vmul.f32 $1.131370830e+01, v0  }
0x68: {  	[tilespmem:s13+$0x11C30] =	vst v3;
	v1 =	vmul.f32 $1.131370830e+01, v1  }
0x69: {  	[tilespmem:s13+$0x11C40] =	vst v0;
	v0 =	vmul.f32 $1.131370830e+01, v5  }
0x6a: {  	[tilespmem:s13+$0x11C50] =	vst v1  }
0x6b: {  	s16 =	simm.s32 $0x0;
	s17 =	rddreg [dreg:$0x4];
	[tilespmem:s13+$0x11C60] =	vst v0  }
0x6c: {  	[hbm4b:s17+s16] =	stream.linear.scatter [tilespmem:s23], [sflag:$0x5], $0x4000, $0x38;
	[tilespmem:$0x19C00] =	vst v63  }
0x6d: {  	s18 =	simm.s32 $0x200  }
0x6e: {  	[tilespmem:s22], [sflag:$0x2] =	stream.indirect.gather [hbm4b:s2+s20], $0x80, s18, s20, $0xb8;
	[tilespmem:$0x19C00] =	vst v63  }
0x6f: {  	_ =	swait.ge [sflag:s26], $0x4000  }
0x70: {  	[sflag:s26] =	ssyncset.done $0x0  }
0x71: {  	s14 =	simm.s32 $0x0;
	[sflag:s26] =	ssyncadd.s32 $0xFFFFC000  }
0x72: {  	v1 =	vld [tilespmem:s14+$0x9C70]  }
0x73: {  	v5 =	vld [tilespmem:s14+$0x9C00]  }
0x74: {  	v6 =	vld [tilespmem:s14+$0x9C10]  }
0x75: {  	v4 =	vld [tilespmem:s14+$0x9C20]  }
0x76: {  	v3 =	vld [tilespmem:s14+$0x9C30]  }
0x77: {  	v0 =	vld [tilespmem:s14+$0x9C40];
	v7 =	vmul.f32 $1.131370830e+01, v1  }
0x78: {  	v1 =	vld [tilespmem:s14+$0x9C50];
	v5 =	vmul.f32 $1.131370830e+01, v5  }
0x79: {  	s15 =	simm.s32 $0x400;
	s13 =	simm.s32 $0x80;
	v2 =	vld [tilespmem:s14+$0x9C60];
	v6 =	vmul.f32 $1.131370830e+01, v6;
	[tilespmem:s14+$0x15C70] =	vst v7  }
.LBB2_6:
0x7a: {  	p0 =	sne.s32 s15, $0xFE00;
	v7 =	vld [tilespmem:s13+$0x9C70];
	[tilespmem:s14+$0x15C00] =	vst v5;
	v4 =	vmul.f32 $1.131370830e+01, v4  }
0x7b: {  	v5 =	vld [tilespmem:s13+$0x9C00];
	[tilespmem:s14+$0x15C10] =	vst v6;
	v3 =	vmul.f32 $1.131370830e+01, v3  }
0x7c: {  	v6 =	vld [tilespmem:s13+$0x9C10];
	[tilespmem:s14+$0x15C20] =	vst v4;
	v0 =	vmul.f32 $1.131370830e+01, v0  }
.Ltmp2:
0x7d: {  	v4 =	vld [tilespmem:s13+$0x9C20];
	[tilespmem:s14+$0x15C30] =	vst v3;
	v1 =	vmul.f32 $1.131370830e+01, v1;
	(pc) =	sbr.rel @p0 .LBB2_6-.Ltmp2, $4  }
0x7e: {  	v3 =	vld [tilespmem:s13+$0x9C30];
	[tilespmem:s14+$0x15C40] =	vst v0;
	v2 =	vmul.f32 $1.131370830e+01, v2  }
0x7f: {  	v0 =	vld [tilespmem:s13+$0x9C40];
	v7 =	vmul.f32 $1.131370830e+01, v7;
	[tilespmem:s14+$0x15C50] =	vst v1  }
0x80: {  	v5 =	vmul.f32 $1.131370830e+01, v5;
	v1 =	vld [tilespmem:s13+$0x9C50];
	[tilespmem:s14+$0x15C60] =	vst v2;
	s14 =	smov.u32 s13  }
0x81: {  	s13 =	sshra.s32 s15, $0x2;
	s15 =	sadd.s32 $0x200, s15;
	v6 =	vmul.f32 $1.131370830e+01, v6;
	v2 =	vld [tilespmem:s14+$0x9C60];
	[tilespmem:s14+$0x15C70] =	vst v7  }
0x82: {  	v7 =	vld [tilespmem:s13+$0x9C70];
	[tilespmem:s14+$0x15C00] =	vst v5;
	v4 =	vmul.f32 $1.131370830e+01, v4  }
0x83: {  	v5 =	vld [tilespmem:s13+$0x9C00];
	[tilespmem:s14+$0x15C10] =	vst v6;
	v3 =	vmul.f32 $1.131370830e+01, v3  }
0x84: {  	v6 =	vld [tilespmem:s13+$0x9C10];
	[tilespmem:s14+$0x15C20] =	vst v4;
	v0 =	vmul.f32 $1.131370830e+01, v0  }
0x85: {  	v4 =	vld [tilespmem:s13+$0x9C20];
	[tilespmem:s14+$0x15C30] =	vst v3;
	v1 =	vmul.f32 $1.131370830e+01, v1  }
0x86: {  	v3 =	vld [tilespmem:s13+$0x9C30];
	[tilespmem:s14+$0x15C40] =	vst v0;
	v2 =	vmul.f32 $1.131370830e+01, v2  }
0x87: {  	v0 =	vld [tilespmem:s13+$0x9C40];
	[tilespmem:s14+$0x15C50] =	vst v1;
	v7 =	vmul.f32 $1.131370830e+01, v7  }
0x88: {  	v1 =	vld [tilespmem:s13+$0x9C50];
	[tilespmem:s14+$0x15C60] =	vst v2;
	v60 =	vmul.f32 $1.131370830e+01, v5  }
0x89: {  	v61 =	vld [tilespmem:s13+$0x9C60];
	v6 =	vmul.f32 $1.131370830e+01, v6;
	[tilespmem:s13+$0x15C70] =	vst v7  }
0x8a: {  	[tilespmem:s13+$0x15C00] =	vst v60;
	v62 =	vmul.f32 $1.131370830e+01, v4  }
0x8b: {  	[tilespmem:s13+$0x15C10] =	vst v6;
	v3 =	vmul.f32 $1.131370830e+01, v3  }
0x8c: {  	[tilespmem:s13+$0x15C20] =	vst v62;
	v0 =	vmul.f32 $1.131370830e+01, v0  }
0x8d: {  	[tilespmem:s13+$0x15C30] =	vst v3;
	v1 =	vmul.f32 $1.131370830e+01, v1  }
0x8e: {  	[tilespmem:s13+$0x15C40] =	vst v0;
	v63 =	vmul.f32 $1.131370830e+01, v61  }
0x8f: {  	[tilespmem:s13+$0x15C50] =	vst v1  }
0x90: {  	s17 =	rddreg [dreg:$0x5];
	[tilespmem:s13+$0x15C60] =	vst v63  }
0x91: {  	[hbm4b:s17+s4] =	stream.linear.scatter [tilespmem:s0], [sflag:$0x6], $0x4000, $0x38;
	[tilespmem:$0x19C00] =	vst v63  }
0x92: {  	s18 =	simm.s32 $0x280;
	s13 =	simm.s32 $0x1  }
0x93: {  	[tilespmem:s24], [sflag:$0x3] =	stream.indirect.gather [hbm4b:s2+s20], $0x80, s18, s20, $0xb8;
	[tilespmem:$0x19C00] =	vst v63  }
.LBB2_8:
0x94: {  	_ =	swait.ge [sflag:s30], $0x4000  }
0x95: {  	[sflag:s30] =	ssyncset.done $0x0  }
0x96: {  	[sflag:s30] =	ssyncadd.s32 $0xFFFFC000  }
0x97: {  	_ =	swait.ge [sflag:s25], $0x4000  }
0x98: {  	[sflag:s25] =	ssyncset.done $0x0  }
0x99: {  	s14 =	simm.s32 $0x0;
	[sflag:s25] =	ssyncadd.s32 $0xFFFFC000  }
0x9a: {  	v1 =	vld [tilespmem:s14+$0x1C70]  }
0x9b: {  	v5 =	vld [tilespmem:s14+$0x1C00]  }
0x9c: {  	v6 =	vld [tilespmem:s14+$0x1C10]  }
0x9d: {  	v4 =	vld [tilespmem:s14+$0x1C20]  }
0x9e: {  	v3 =	vld [tilespmem:s14+$0x1C30]  }
0x9f: {  	v0 =	vld [tilespmem:s14+$0x1C40];
	v7 =	vmul.f32 $1.131370830e+01, v1  }
0xa0: {  	v1 =	vld [tilespmem:s14+$0x1C50];
	v5 =	vmul.f32 $1.131370830e+01, v5  }
0xa1: {  	s15 =	simm.s32 $0x80;
	s16 =	simm.s32 $0x400;
	v2 =	vld [tilespmem:s14+$0x1C60];
	v6 =	vmul.f32 $1.131370830e+01, v6;
	[tilespmem:s14+$0xDC70] =	vst v7  }
.LBB2_9:
0xa2: {  	p0 =	sne.s32 s16, $0xFE00;
	v7 =	vld [tilespmem:s15+$0x1C70];
	[tilespmem:s14+$0xDC00] =	vst v5;
	v4 =	vmul.f32 $1.131370830e+01, v4  }
0xa3: {  	v5 =	vld [tilespmem:s15+$0x1C00];
	[tilespmem:s14+$0xDC10] =	vst v6;
	v3 =	vmul.f32 $1.131370830e+01, v3  }
0xa4: {  	v6 =	vld [tilespmem:s15+$0x1C10];
	[tilespmem:s14+$0xDC20] =	vst v4;
	v0 =	vmul.f32 $1.131370830e+01, v0  }
.Ltmp3:
0xa5: {  	v4 =	vld [tilespmem:s15+$0x1C20];
	[tilespmem:s14+$0xDC30] =	vst v3;
	v1 =	vmul.f32 $1.131370830e+01, v1;
	(pc) =	sbr.rel @p0 .LBB2_9-.Ltmp3, $4  }
0xa6: {  	v3 =	vld [tilespmem:s15+$0x1C30];
	[tilespmem:s14+$0xDC40] =	vst v0;
	v2 =	vmul.f32 $1.131370830e+01, v2  }
0xa7: {  	v0 =	vld [tilespmem:s15+$0x1C40];
	v7 =	vmul.f32 $1.131370830e+01, v7;
	[tilespmem:s14+$0xDC50] =	vst v1  }
0xa8: {  	v5 =	vmul.f32 $1.131370830e+01, v5;
	v1 =	vld [tilespmem:s15+$0x1C50];
	[tilespmem:s14+$0xDC60] =	vst v2;
	s14 =	smov.u32 s15  }
0xa9: {  	s15 =	sshra.s32 s16, $0x2;
	s16 =	sadd.s32 $0x200, s16;
	v6 =	vmul.f32 $1.131370830e+01, v6;
	v2 =	vld [tilespmem:s14+$0x1C60];
	[tilespmem:s14+$0xDC70] =	vst v7  }
0xaa: {  	v7 =	vld [tilespmem:s15+$0x1C70];
	[tilespmem:s14+$0xDC00] =	vst v5;
	v4 =	vmul.f32 $1.131370830e+01, v4  }
0xab: {  	v5 =	vld [tilespmem:s15+$0x1C00];
	[tilespmem:s14+$0xDC10] =	vst v6;
	v3 =	vmul.f32 $1.131370830e+01, v3  }
0xac: {  	v6 =	vld [tilespmem:s15+$0x1C10];
	[tilespmem:s14+$0xDC20] =	vst v4;
	v0 =	vmul.f32 $1.131370830e+01, v0  }
0xad: {  	v4 =	vld [tilespmem:s15+$0x1C20];
	[tilespmem:s14+$0xDC30] =	vst v3;
	v1 =	vmul.f32 $1.131370830e+01, v1  }
0xae: {  	v3 =	vld [tilespmem:s15+$0x1C30];
	[tilespmem:s14+$0xDC40] =	vst v0;
	v2 =	vmul.f32 $1.131370830e+01, v2  }
0xaf: {  	v0 =	vld [tilespmem:s15+$0x1C40];
	[tilespmem:s14+$0xDC50] =	vst v1;
	v7 =	vmul.f32 $1.131370830e+01, v7  }
0xb0: {  	v1 =	vld [tilespmem:s15+$0x1C50];
	[tilespmem:s14+$0xDC60] =	vst v2;
	v2 =	vmul.f32 $1.131370830e+01, v5  }
0xb1: {  	v5 =	vld [tilespmem:s15+$0x1C60];
	v6 =	vmul.f32 $1.131370830e+01, v6;
	[tilespmem:s15+$0xDC70] =	vst v7  }
0xb2: {  	[tilespmem:s15+$0xDC00] =	vst v2;
	v2 =	vmul.f32 $1.131370830e+01, v4  }
0xb3: {  	[tilespmem:s15+$0xDC10] =	vst v6;
	v3 =	vmul.f32 $1.131370830e+01, v3  }
0xb4: {  	[tilespmem:s15+$0xDC20] =	vst v2;
	v0 =	vmul.f32 $1.131370830e+01, v0  }
0xb5: {  	s17 =	smul.u32 $0x600, s13;
	[tilespmem:s15+$0xDC30] =	vst v3;
	v1 =	vmul.f32 $1.131370830e+01, v1  }
0xb6: {  	[tilespmem:s15+$0xDC40] =	vst v0;
	v0 =	vmul.f32 $1.131370830e+01, v5  }
0xb7: {  	s14 =	sshra.s32 s17, $0x2;
	[tilespmem:s15+$0xDC50] =	vst v1  }
0xb8: {  	s16 =	sadd.s32 $0x180, s14;
	[tilespmem:s15+$0xDC60] =	vst v0;
	s15 =	smul.u32 $0x180000, s13  }
0xb9: {  	[tilespmem:s21], [sflag:$0x1] =	stream.indirect.gather [hbm4b:s2+s20], $0x80, s16, s20, $0xb8;
	[tilespmem:$0x19C00] =	vst v63  }
0xba: {  	s18 =	sor.u32 s8, s15  }
0xbb: {  	s16 =	sshrl.u32 s18, $0x3  }
0xbc: {  	s17 =	simm.s32 $0x0;
	s16 =	sadd.s32 s3, s16  }
0xbd: {  	[hbm4b:s16+s17] =	stream.linear.scatter [tilespmem:s31], [sflag:$0x4], $0x4000, $0x38;
	[tilespmem:$0x19C00] =	vst v63  }
0xbe: {  	_ =	swait.ge [sflag:s1], $0x4000  }
0xbf: {  	[sflag:s1] =	ssyncset.done $0x0  }
0xc0: {  	[sflag:s1] =	ssyncadd.s32 $0xFFFFC000  }
0xc1: {  	_ =	swait.ge [sflag:s9], $0x4000  }
0xc2: {  	[sflag:s9] =	ssyncset.done $0x0  }
0xc3: {  	s17 =	simm.s32 $0x0;
	[sflag:s9] =	ssyncadd.s32 $0xFFFFC000  }
0xc4: {  	v1 =	vld [tilespmem:s17+$0x5C70]  }
0xc5: {  	v5 =	vld [tilespmem:s17+$0x5C00]  }
0xc6: {  	v6 =	vld [tilespmem:s17+$0x5C10]  }
0xc7: {  	v4 =	vld [tilespmem:s17+$0x5C20]  }
0xc8: {  	v3 =	vld [tilespmem:s17+$0x5C30]  }
0xc9: {  	v0 =	vld [tilespmem:s17+$0x5C40];
	v7 =	vmul.f32 $1.131370830e+01, v1  }
0xca: {  	v1 =	vld [tilespmem:s17+$0x5C50];
	v5 =	vmul.f32 $1.131370830e+01, v5  }
0xcb: {  	s18 =	simm.s32 $0x400;
	s16 =	simm.s32 $0x80;
	v2 =	vld [tilespmem:s17+$0x5C60];
	v6 =	vmul.f32 $1.131370830e+01, v6;
	[tilespmem:s17+$0x11C70] =	vst v7  }
.LBB2_11:
0xcc: {  	p0 =	sne.s32 s18, $0xFE00;
	v7 =	vld [tilespmem:s16+$0x5C70];
	[tilespmem:s17+$0x11C00] =	vst v5;
	v4 =	vmul.f32 $1.131370830e+01, v4  }
0xcd: {  	v5 =	vld [tilespmem:s16+$0x5C00];
	[tilespmem:s17+$0x11C10] =	vst v6;
	v3 =	vmul.f32 $1.131370830e+01, v3  }
0xce: {  	v6 =	vld [tilespmem:s16+$0x5C10];
	[tilespmem:s17+$0x11C20] =	vst v4;
	v0 =	vmul.f32 $1.131370830e+01, v0  }
.Ltmp4:
0xcf: {  	v4 =	vld [tilespmem:s16+$0x5C20];
	[tilespmem:s17+$0x11C30] =	vst v3;
	v1 =	vmul.f32 $1.131370830e+01, v1;
	(pc) =	sbr.rel @p0 .LBB2_11-.Ltmp4, $4  }
0xd0: {  	v3 =	vld [tilespmem:s16+$0x5C30];
	[tilespmem:s17+$0x11C40] =	vst v0;
	v2 =	vmul.f32 $1.131370830e+01, v2  }
0xd1: {  	v0 =	vld [tilespmem:s16+$0x5C40];
	v7 =	vmul.f32 $1.131370830e+01, v7;
	[tilespmem:s17+$0x11C50] =	vst v1  }
0xd2: {  	v5 =	vmul.f32 $1.131370830e+01, v5;
	v1 =	vld [tilespmem:s16+$0x5C50];
	[tilespmem:s17+$0x11C60] =	vst v2;
	s17 =	smov.u32 s16  }
0xd3: {  	s16 =	sshra.s32 s18, $0x2;
	s18 =	sadd.s32 $0x200, s18;
	v6 =	vmul.f32 $1.131370830e+01, v6;
	v2 =	vld [tilespmem:s17+$0x5C60];
	[tilespmem:s17+$0x11C70] =	vst v7  }
0xd4: {  	v7 =	vld [tilespmem:s16+$0x5C70];
	[tilespmem:s17+$0x11C00] =	vst v5;
	v4 =	vmul.f32 $1.131370830e+01, v4  }
0xd5: {  	v5 =	vld [tilespmem:s16+$0x5C00];
	[tilespmem:s17+$0x11C10] =	vst v6;
	v3 =	vmul.f32 $1.131370830e+01, v3  }
0xd6: {  	v6 =	vld [tilespmem:s16+$0x5C10];
	[tilespmem:s17+$0x11C20] =	vst v4;
	v0 =	vmul.f32 $1.131370830e+01, v0  }
0xd7: {  	v4 =	vld [tilespmem:s16+$0x5C20];
	[tilespmem:s17+$0x11C30] =	vst v3;
	v1 =	vmul.f32 $1.131370830e+01, v1  }
0xd8: {  	v3 =	vld [tilespmem:s16+$0x5C30];
	[tilespmem:s17+$0x11C40] =	vst v0;
	v2 =	vmul.f32 $1.131370830e+01, v2  }
0xd9: {  	v0 =	vld [tilespmem:s16+$0x5C40];
	[tilespmem:s17+$0x11C50] =	vst v1;
	v7 =	vmul.f32 $1.131370830e+01, v7  }
0xda: {  	v1 =	vld [tilespmem:s16+$0x5C50];
	[tilespmem:s17+$0x11C60] =	vst v2;
	v2 =	vmul.f32 $1.131370830e+01, v5  }
0xdb: {  	v5 =	vld [tilespmem:s16+$0x5C60];
	v6 =	vmul.f32 $1.131370830e+01, v6;
	[tilespmem:s16+$0x11C70] =	vst v7  }
0xdc: {  	[tilespmem:s16+$0x11C00] =	vst v2;
	v2 =	vmul.f32 $1.131370830e+01, v4  }
0xdd: {  	[tilespmem:s16+$0x11C10] =	vst v6;
	v3 =	vmul.f32 $1.131370830e+01, v3  }
0xde: {  	[tilespmem:s16+$0x11C20] =	vst v2;
	v0 =	vmul.f32 $1.131370830e+01, v0  }
0xdf: {  	[tilespmem:s16+$0x11C30] =	vst v3;
	v1 =	vmul.f32 $1.131370830e+01, v1  }
0xe0: {  	[tilespmem:s16+$0x11C40] =	vst v0;
	v0 =	vmul.f32 $1.131370830e+01, v5  }
0xe1: {  	s17 =	sadd.s32 s11, s15;
	[tilespmem:s16+$0x11C50] =	vst v1  }
0xe2: {  	s18 =	sadd.s32 $0x200, s14;
	[tilespmem:s16+$0x11C60] =	vst v0;
	s16 =	sshrl.u32 s17, $0x3  }
0xe3: {  	[tilespmem:s22], [sflag:$0x2] =	stream.indirect.gather [hbm4b:s2+s20], $0x80, s18, s20, $0xb8;
	[tilespmem:$0x19C00] =	vst v63  }
0xe4: {  	s16 =	sadd.s32 s3, s16;
	s18 =	simm.s32 $0x0  }
0xe5: {  	[hbm4b:s16+s18] =	stream.linear.scatter [tilespmem:s23], [sflag:$0x5], $0x4000, $0x38;
	[tilespmem:$0x19C00] =	vst v63  }
0xe6: {  	_ =	swait.ge [sflag:s26], $0x4000  }
0xe7: {  	[sflag:s26] =	ssyncset.done $0x0  }
0xe8: {  	[sflag:s26] =	ssyncadd.s32 $0xFFFFC000  }
0xe9: {  	_ =	swait.ge [sflag:s29], $0x4000  }
0xea: {  	[sflag:s29] =	ssyncset.done $0x0  }
0xeb: {  	s17 =	simm.s32 $0x0;
	[sflag:s29] =	ssyncadd.s32 $0xFFFFC000  }
0xec: {  	v1 =	vld [tilespmem:s17+$0x9C70]  }
0xed: {  	v5 =	vld [tilespmem:s17+$0x9C00]  }
0xee: {  	v6 =	vld [tilespmem:s17+$0x9C10]  }
0xef: {  	v4 =	vld [tilespmem:s17+$0x9C20]  }
0xf0: {  	v3 =	vld [tilespmem:s17+$0x9C30]  }
0xf1: {  	v0 =	vld [tilespmem:s17+$0x9C40];
	v7 =	vmul.f32 $1.131370830e+01, v1  }
0xf2: {  	v1 =	vld [tilespmem:s17+$0x9C50];
	v5 =	vmul.f32 $1.131370830e+01, v5  }
0xf3: {  	s16 =	simm.s32 $0x80;
	s18 =	simm.s32 $0x400;
	v2 =	vld [tilespmem:s17+$0x9C60];
	v6 =	vmul.f32 $1.131370830e+01, v6;
	[tilespmem:s17+$0x15C70] =	vst v7  }
.LBB2_13:
0xf4: {  	p0 =	sne.s32 s18, $0xFE00;
	v7 =	vld [tilespmem:s16+$0x9C70];
	[tilespmem:s17+$0x15C00] =	vst v5;
	v4 =	vmul.f32 $1.131370830e+01, v4  }
0xf5: {  	v5 =	vld [tilespmem:s16+$0x9C00];
	[tilespmem:s17+$0x15C10] =	vst v6;
	v3 =	vmul.f32 $1.131370830e+01, v3  }
0xf6: {  	v6 =	vld [tilespmem:s16+$0x9C10];
	[tilespmem:s17+$0x15C20] =	vst v4;
	v0 =	vmul.f32 $1.131370830e+01, v0  }
.Ltmp5:
0xf7: {  	v4 =	vld [tilespmem:s16+$0x9C20];
	[tilespmem:s17+$0x15C30] =	vst v3;
	v1 =	vmul.f32 $1.131370830e+01, v1;
	(pc) =	sbr.rel @p0 .LBB2_13-.Ltmp5, $4  }
0xf8: {  	v3 =	vld [tilespmem:s16+$0x9C30];
	[tilespmem:s17+$0x15C40] =	vst v0;
	v2 =	vmul.f32 $1.131370830e+01, v2  }
0xf9: {  	v0 =	vld [tilespmem:s16+$0x9C40];
	v7 =	vmul.f32 $1.131370830e+01, v7;
	[tilespmem:s17+$0x15C50] =	vst v1  }
0xfa: {  	v5 =	vmul.f32 $1.131370830e+01, v5;
	v1 =	vld [tilespmem:s16+$0x9C50];
	[tilespmem:s17+$0x15C60] =	vst v2;
	s17 =	smov.u32 s16  }
0xfb: {  	s16 =	sshra.s32 s18, $0x2;
	s18 =	sadd.s32 $0x200, s18;
	v6 =	vmul.f32 $1.131370830e+01, v6;
	v2 =	vld [tilespmem:s17+$0x9C60];
	[tilespmem:s17+$0x15C70] =	vst v7  }
0xfc: {  	v7 =	vld [tilespmem:s16+$0x9C70];
	[tilespmem:s17+$0x15C00] =	vst v5;
	v4 =	vmul.f32 $1.131370830e+01, v4  }
0xfd: {  	v5 =	vld [tilespmem:s16+$0x9C00];
	[tilespmem:s17+$0x15C10] =	vst v6;
	v3 =	vmul.f32 $1.131370830e+01, v3  }
0xfe: {  	v6 =	vld [tilespmem:s16+$0x9C10];
	[tilespmem:s17+$0x15C20] =	vst v4;
	v0 =	vmul.f32 $1.131370830e+01, v0  }
0xff: {  	v4 =	vld [tilespmem:s16+$0x9C20];
	[tilespmem:s17+$0x15C30] =	vst v3;
	v1 =	vmul.f32 $1.131370830e+01, v1  }
0x100: {  	v3 =	vld [tilespmem:s16+$0x9C30];
	[tilespmem:s17+$0x15C40] =	vst v0;
	v2 =	vmul.f32 $1.131370830e+01, v2  }
0x101: {  	v0 =	vld [tilespmem:s16+$0x9C40];
	[tilespmem:s17+$0x15C50] =	vst v1;
	v7 =	vmul.f32 $1.131370830e+01, v7  }
0x102: {  	v1 =	vld [tilespmem:s16+$0x9C50];
	[tilespmem:s17+$0x15C60] =	vst v2;
	v60 =	vmul.f32 $1.131370830e+01, v5  }
0x103: {  	v61 =	vld [tilespmem:s16+$0x9C60];
	v6 =	vmul.f32 $1.131370830e+01, v6;
	[tilespmem:s16+$0x15C70] =	vst v7  }
0x104: {  	[tilespmem:s16+$0x15C00] =	vst v60;
	v62 =	vmul.f32 $1.131370830e+01, v4  }
0x105: {  	[tilespmem:s16+$0x15C10] =	vst v6;
	v3 =	vmul.f32 $1.131370830e+01, v3  }
0x106: {  	[tilespmem:s16+$0x15C20] =	vst v62;
	v0 =	vmul.f32 $1.131370830e+01, v0  }
0x107: {  	[tilespmem:s16+$0x15C30] =	vst v3;
	v1 =	vmul.f32 $1.131370830e+01, v1  }
0x108: {  	s13 =	sadd.s32 $0x1, s13;
	[tilespmem:s16+$0x15C40] =	vst v0;
	v63 =	vmul.f32 $1.131370830e+01, v61  }
0x109: {  	p0 =	sne.s32 s13, $0xF;
	[tilespmem:s16+$0x15C50] =	vst v1  }
.Ltmp6:
0x10a: {  	s14 =	sadd.s32 $0x280, s14;
	s18 =	sadd.s32 s12, s15;
	[tilespmem:s16+$0x15C60] =	vst v63;
	(pc) =	sbr.rel @p0 .LBB2_8-.Ltmp6, $4  }
0x10b: {  	[tilespmem:s24], [sflag:$0x3] =	stream.indirect.gather [hbm4b:s2+s20], $0x80, s14, s20, $0xb8;
	[tilespmem:$0x19C00] =	vst v63  }
0x10c: {  	s14 =	sshrl.u32 s18, $0x3  }
0x10d: {  	s14 =	sadd.s32 s3, s14  }
0x10e: {  	[hbm4b:s14+s4] =	stream.linear.scatter [tilespmem:s0], [sflag:$0x6], $0x4000, $0x38;
	[tilespmem:$0x19C00] =	vst v63  }
0x10f: {  	_ =	swait.ge [sflag:s30], $0x4000  }
0x110: {  	[sflag:s30] =	ssyncset.done $0x0  }
0x111: {  	[sflag:s30] =	ssyncadd.s32 $0xFFFFC000  }
0x112: {  	_ =	swait.ge [sflag:s25], $0x4000  }
0x113: {  	[sflag:s25] =	ssyncset.done $0x0  }
0x114: {  	s14 =	simm.s32 $0x0;
	[sflag:s25] =	ssyncadd.s32 $0xFFFFC000  }
0x115: {  	v1 =	vld [tilespmem:s14+$0x1C70]  }
0x116: {  	v5 =	vld [tilespmem:s14+$0x1C00]  }
0x117: {  	v6 =	vld [tilespmem:s14+$0x1C10]  }
0x118: {  	v4 =	vld [tilespmem:s14+$0x1C20]  }
0x119: {  	v3 =	vld [tilespmem:s14+$0x1C30]  }
0x11a: {  	v0 =	vld [tilespmem:s14+$0x1C40];
	v7 =	vmul.f32 $1.131370830e+01, v1  }
0x11b: {  	v1 =	vld [tilespmem:s14+$0x1C50];
	v5 =	vmul.f32 $1.131370830e+01, v5  }
0x11c: {  	s13 =	simm.s32 $0x80;
	s15 =	simm.s32 $0x400;
	v2 =	vld [tilespmem:s14+$0x1C60];
	v6 =	vmul.f32 $1.131370830e+01, v6;
	[tilespmem:s14+$0xDC70] =	vst v7  }
.LBB2_16:
0x11d: {  	p0 =	sne.s32 s15, $0xFE00;
	v7 =	vld [tilespmem:s13+$0x1C70];
	[tilespmem:s14+$0xDC00] =	vst v5;
	v4 =	vmul.f32 $1.131370830e+01, v4  }
0x11e: {  	v5 =	vld [tilespmem:s13+$0x1C00];
	[tilespmem:s14+$0xDC10] =	vst v6;
	v3 =	vmul.f32 $1.131370830e+01, v3  }
0x11f: {  	v6 =	vld [tilespmem:s13+$0x1C10];
	[tilespmem:s14+$0xDC20] =	vst v4;
	v0 =	vmul.f32 $1.131370830e+01, v0  }
.Ltmp7:
0x120: {  	v4 =	vld [tilespmem:s13+$0x1C20];
	[tilespmem:s14+$0xDC30] =	vst v3;
	v1 =	vmul.f32 $1.131370830e+01, v1;
	(pc) =	sbr.rel @p0 .LBB2_16-.Ltmp7, $4  }
0x121: {  	v3 =	vld [tilespmem:s13+$0x1C30];
	[tilespmem:s14+$0xDC40] =	vst v0;
	v2 =	vmul.f32 $1.131370830e+01, v2  }
0x122: {  	v0 =	vld [tilespmem:s13+$0x1C40];
	v7 =	vmul.f32 $1.131370830e+01, v7;
	[tilespmem:s14+$0xDC50] =	vst v1  }
0x123: {  	v5 =	vmul.f32 $1.131370830e+01, v5;
	v1 =	vld [tilespmem:s13+$0x1C50];
	[tilespmem:s14+$0xDC60] =	vst v2;
	s14 =	smov.u32 s13  }
0x124: {  	s13 =	sshra.s32 s15, $0x2;
	s15 =	sadd.s32 $0x200, s15;
	v6 =	vmul.f32 $1.131370830e+01, v6;
	v2 =	vld [tilespmem:s14+$0x1C60];
	[tilespmem:s14+$0xDC70] =	vst v7  }
0x125: {  	v7 =	vld [tilespmem:s13+$0x1C70];
	[tilespmem:s14+$0xDC00] =	vst v5;
	v4 =	vmul.f32 $1.131370830e+01, v4  }
0x126: {  	v5 =	vld [tilespmem:s13+$0x1C00];
	[tilespmem:s14+$0xDC10] =	vst v6;
	v3 =	vmul.f32 $1.131370830e+01, v3  }
0x127: {  	v6 =	vld [tilespmem:s13+$0x1C10];
	[tilespmem:s14+$0xDC20] =	vst v4;
	v0 =	vmul.f32 $1.131370830e+01, v0  }
0x128: {  	v4 =	vld [tilespmem:s13+$0x1C20];
	[tilespmem:s14+$0xDC30] =	vst v3;
	v1 =	vmul.f32 $1.131370830e+01, v1  }
0x129: {  	v3 =	vld [tilespmem:s13+$0x1C30];
	[tilespmem:s14+$0xDC40] =	vst v0;
	v2 =	vmul.f32 $1.131370830e+01, v2  }
0x12a: {  	v0 =	vld [tilespmem:s13+$0x1C40];
	[tilespmem:s14+$0xDC50] =	vst v1;
	v7 =	vmul.f32 $1.131370830e+01, v7  }
0x12b: {  	v1 =	vld [tilespmem:s13+$0x1C50];
	[tilespmem:s14+$0xDC60] =	vst v2;
	v2 =	vmul.f32 $1.131370830e+01, v5  }
0x12c: {  	v5 =	vld [tilespmem:s13+$0x1C60];
	v6 =	vmul.f32 $1.131370830e+01, v6;
	[tilespmem:s13+$0xDC70] =	vst v7  }
0x12d: {  	[tilespmem:s13+$0xDC00] =	vst v2;
	v2 =	vmul.f32 $1.131370830e+01, v4  }
0x12e: {  	[tilespmem:s13+$0xDC10] =	vst v6;
	v3 =	vmul.f32 $1.131370830e+01, v3  }
0x12f: {  	[tilespmem:s13+$0xDC20] =	vst v2;
	v0 =	vmul.f32 $1.131370830e+01, v0  }
0x130: {  	[tilespmem:s13+$0xDC30] =	vst v3;
	v1 =	vmul.f32 $1.131370830e+01, v1  }
0x131: {  	[tilespmem:s13+$0xDC40] =	vst v0;
	v0 =	vmul.f32 $1.131370830e+01, v5  }
0x132: {  	[tilespmem:s13+$0xDC50] =	vst v1  }
0x133: {  	s17 =	simm.s32 $0x0;
	s18 =	rddreg [dreg:$0x6];
	[tilespmem:s13+$0xDC60] =	vst v0  }
0x134: {  	[hbm4b:s18+s17] =	stream.linear.scatter [tilespmem:s31], [sflag:$0x4], $0x4000, $0x38;
	[tilespmem:$0x19C00] =	vst v63  }
0x135: {  	s16 =	simm.s32 $0x1800  }
0x136: {  	[tilespmem:s21], [sflag:$0x1] =	stream.indirect.gather [hbm4b:s2+s20], $0x80, s16, s20, $0xb8;
	[tilespmem:$0x19C00] =	vst v63  }
0x137: {  	_ =	swait.ge [sflag:s1], $0x4000  }
0x138: {  	[sflag:s1] =	ssyncset.done $0x0  }
0x139: {  	[sflag:s1] =	ssyncadd.s32 $0xFFFFC000  }
0x13a: {  	_ =	swait.ge [sflag:s9], $0x4000  }
0x13b: {  	[sflag:s9] =	ssyncset.done $0x0  }
0x13c: {  	s14 =	simm.s32 $0x0;
	[sflag:s9] =	ssyncadd.s32 $0xFFFFC000  }
0x13d: {  	v1 =	vld [tilespmem:s14+$0x5C70]  }
0x13e: {  	v5 =	vld [tilespmem:s14+$0x5C00]  }
0x13f: {  	v6 =	vld [tilespmem:s14+$0x5C10]  }
0x140: {  	v4 =	vld [tilespmem:s14+$0x5C20]  }
0x141: {  	v3 =	vld [tilespmem:s14+$0x5C30]  }
0x142: {  	v0 =	vld [tilespmem:s14+$0x5C40];
	v7 =	vmul.f32 $1.131370830e+01, v1  }
0x143: {  	v1 =	vld [tilespmem:s14+$0x5C50];
	v5 =	vmul.f32 $1.131370830e+01, v5  }
0x144: {  	s15 =	simm.s32 $0x400;
	s13 =	simm.s32 $0x80;
	v2 =	vld [tilespmem:s14+$0x5C60];
	v6 =	vmul.f32 $1.131370830e+01, v6;
	[tilespmem:s14+$0x11C70] =	vst v7  }
.LBB2_18:
0x145: {  	p0 =	sne.s32 s15, $0xFE00;
	v7 =	vld [tilespmem:s13+$0x5C70];
	[tilespmem:s14+$0x11C00] =	vst v5;
	v4 =	vmul.f32 $1.131370830e+01, v4  }
0x146: {  	v5 =	vld [tilespmem:s13+$0x5C00];
	[tilespmem:s14+$0x11C10] =	vst v6;
	v3 =	vmul.f32 $1.131370830e+01, v3  }
0x147: {  	v6 =	vld [tilespmem:s13+$0x5C10];
	[tilespmem:s14+$0x11C20] =	vst v4;
	v0 =	vmul.f32 $1.131370830e+01, v0  }
.Ltmp8:
0x148: {  	v4 =	vld [tilespmem:s13+$0x5C20];
	[tilespmem:s14+$0x11C30] =	vst v3;
	v1 =	vmul.f32 $1.131370830e+01, v1;
	(pc) =	sbr.rel @p0 .LBB2_18-.Ltmp8, $4  }
0x149: {  	v3 =	vld [tilespmem:s13+$0x5C30];
	[tilespmem:s14+$0x11C40] =	vst v0;
	v2 =	vmul.f32 $1.131370830e+01, v2  }
0x14a: {  	v0 =	vld [tilespmem:s13+$0x5C40];
	v7 =	vmul.f32 $1.131370830e+01, v7;
	[tilespmem:s14+$0x11C50] =	vst v1  }
0x14b: {  	v5 =	vmul.f32 $1.131370830e+01, v5;
	v1 =	vld [tilespmem:s13+$0x5C50];
	[tilespmem:s14+$0x11C60] =	vst v2;
	s14 =	smov.u32 s13  }
0x14c: {  	s13 =	sshra.s32 s15, $0x2;
	s15 =	sadd.s32 $0x200, s15;
	v6 =	vmul.f32 $1.131370830e+01, v6;
	v2 =	vld [tilespmem:s14+$0x5C60];
	[tilespmem:s14+$0x11C70] =	vst v7  }
0x14d: {  	v7 =	vld [tilespmem:s13+$0x5C70];
	[tilespmem:s14+$0x11C00] =	vst v5;
	v4 =	vmul.f32 $1.131370830e+01, v4  }
0x14e: {  	v5 =	vld [tilespmem:s13+$0x5C00];
	[tilespmem:s14+$0x11C10] =	vst v6;
	v3 =	vmul.f32 $1.131370830e+01, v3  }
0x14f: {  	v6 =	vld [tilespmem:s13+$0x5C10];
	[tilespmem:s14+$0x11C20] =	vst v4;
	v0 =	vmul.f32 $1.131370830e+01, v0  }
0x150: {  	v4 =	vld [tilespmem:s13+$0x5C20];
	[tilespmem:s14+$0x11C30] =	vst v3;
	v1 =	vmul.f32 $1.131370830e+01, v1  }
0x151: {  	v3 =	vld [tilespmem:s13+$0x5C30];
	[tilespmem:s14+$0x11C40] =	vst v0;
	v2 =	vmul.f32 $1.131370830e+01, v2  }
0x152: {  	v0 =	vld [tilespmem:s13+$0x5C40];
	[tilespmem:s14+$0x11C50] =	vst v1;
	v7 =	vmul.f32 $1.131370830e+01, v7  }
0x153: {  	v1 =	vld [tilespmem:s13+$0x5C50];
	[tilespmem:s14+$0x11C60] =	vst v2;
	v2 =	vmul.f32 $1.131370830e+01, v5  }
0x154: {  	v5 =	vld [tilespmem:s13+$0x5C60];
	v6 =	vmul.f32 $1.131370830e+01, v6;
	[tilespmem:s13+$0x11C70] =	vst v7  }
0x155: {  	[tilespmem:s13+$0x11C00] =	vst v2;
	v2 =	vmul.f32 $1.131370830e+01, v4  }
0x156: {  	[tilespmem:s13+$0x11C10] =	vst v6;
	v3 =	vmul.f32 $1.131370830e+01, v3  }
0x157: {  	[tilespmem:s13+$0x11C20] =	vst v2;
	v0 =	vmul.f32 $1.131370830e+01, v0  }
0x158: {  	[tilespmem:s13+$0x11C30] =	vst v3;
	v1 =	vmul.f32 $1.131370830e+01, v1  }
0x159: {  	[tilespmem:s13+$0x11C40] =	vst v0;
	v0 =	vmul.f32 $1.131370830e+01, v5  }
0x15a: {  	[tilespmem:s13+$0x11C50] =	vst v1  }
0x15b: {  	s15 =	simm.s32 $0x0;
	s17 =	rddreg [dreg:$0x7];
	[tilespmem:s13+$0x11C60] =	vst v0  }
0x15c: {  	[hbm4b:s17+s15] =	stream.linear.scatter [tilespmem:s23], [sflag:$0x5], $0x4000, $0x38;
	[tilespmem:$0x19C00] =	vst v63  }
0x15d: {  	s18 =	simm.s32 $0x1880  }
0x15e: {  	[tilespmem:s22], [sflag:$0x2] =	stream.indirect.gather [hbm4b:s2+s20], $0x80, s18, s20, $0xb8;
	[tilespmem:$0x19C00] =	vst v63  }
0x15f: {  	_ =	swait.ge [sflag:s26], $0x4000  }
0x160: {  	[sflag:s26] =	ssyncset.done $0x0  }
0x161: {  	[sflag:s26] =	ssyncadd.s32 $0xFFFFC000  }
0x162: {  	_ =	swait.ge [sflag:s29], $0x4000  }
0x163: {  	[sflag:s29] =	ssyncset.done $0x0  }
0x164: {  	s14 =	simm.s32 $0x0;
	[sflag:s29] =	ssyncadd.s32 $0xFFFFC000  }
0x165: {  	v1 =	vld [tilespmem:s14+$0x9C70]  }
0x166: {  	v5 =	vld [tilespmem:s14+$0x9C00]  }
0x167: {  	v6 =	vld [tilespmem:s14+$0x9C10]  }
0x168: {  	v4 =	vld [tilespmem:s14+$0x9C20]  }
0x169: {  	v3 =	vld [tilespmem:s14+$0x9C30]  }
0x16a: {  	v0 =	vld [tilespmem:s14+$0x9C40];
	v7 =	vmul.f32 $1.131370830e+01, v1  }
0x16b: {  	v1 =	vld [tilespmem:s14+$0x9C50];
	v5 =	vmul.f32 $1.131370830e+01, v5  }
0x16c: {  	s13 =	simm.s32 $0x80;
	s15 =	simm.s32 $0x400;
	v2 =	vld [tilespmem:s14+$0x9C60];
	v6 =	vmul.f32 $1.131370830e+01, v6;
	[tilespmem:s14+$0x15C70] =	vst v7  }
.LBB2_20:
0x16d: {  	p0 =	sne.s32 s15, $0xFE00;
	v7 =	vld [tilespmem:s13+$0x9C70];
	[tilespmem:s14+$0x15C00] =	vst v5;
	v4 =	vmul.f32 $1.131370830e+01, v4  }
0x16e: {  	v5 =	vld [tilespmem:s13+$0x9C00];
	[tilespmem:s14+$0x15C10] =	vst v6;
	v3 =	vmul.f32 $1.131370830e+01, v3  }
0x16f: {  	v6 =	vld [tilespmem:s13+$0x9C10];
	[tilespmem:s14+$0x15C20] =	vst v4;
	v0 =	vmul.f32 $1.131370830e+01, v0  }
.Ltmp9:
0x170: {  	v4 =	vld [tilespmem:s13+$0x9C20];
	[tilespmem:s14+$0x15C30] =	vst v3;
	v1 =	vmul.f32 $1.131370830e+01, v1;
	(pc) =	sbr.rel @p0 .LBB2_20-.Ltmp9, $4  }
0x171: {  	v3 =	vld [tilespmem:s13+$0x9C30];
	[tilespmem:s14+$0x15C40] =	vst v0;
	v2 =	vmul.f32 $1.131370830e+01, v2  }
0x172: {  	v0 =	vld [tilespmem:s13+$0x9C40];
	v7 =	vmul.f32 $1.131370830e+01, v7;
	[tilespmem:s14+$0x15C50] =	vst v1  }
0x173: {  	v5 =	vmul.f32 $1.131370830e+01, v5;
	v1 =	vld [tilespmem:s13+$0x9C50];
	[tilespmem:s14+$0x15C60] =	vst v2;
	s14 =	smov.u32 s13  }
0x174: {  	s13 =	sshra.s32 s15, $0x2;
	s15 =	sadd.s32 $0x200, s15;
	v6 =	vmul.f32 $1.131370830e+01, v6;
	v2 =	vld [tilespmem:s14+$0x9C60];
	[tilespmem:s14+$0x15C70] =	vst v7  }
0x175: {  	v7 =	vld [tilespmem:s13+$0x9C70];
	[tilespmem:s14+$0x15C00] =	vst v5;
	v4 =	vmul.f32 $1.131370830e+01, v4  }
0x176: {  	v5 =	vld [tilespmem:s13+$0x9C00];
	[tilespmem:s14+$0x15C10] =	vst v6;
	v3 =	vmul.f32 $1.131370830e+01, v3  }
0x177: {  	v6 =	vld [tilespmem:s13+$0x9C10];
	[tilespmem:s14+$0x15C20] =	vst v4;
	v0 =	vmul.f32 $1.131370830e+01, v0  }
0x178: {  	v4 =	vld [tilespmem:s13+$0x9C20];
	[tilespmem:s14+$0x15C30] =	vst v3;
	v1 =	vmul.f32 $1.131370830e+01, v1  }
0x179: {  	v3 =	vld [tilespmem:s13+$0x9C30];
	[tilespmem:s14+$0x15C40] =	vst v0;
	v2 =	vmul.f32 $1.131370830e+01, v2  }
0x17a: {  	v0 =	vld [tilespmem:s13+$0x9C40];
	[tilespmem:s14+$0x15C50] =	vst v1;
	v7 =	vmul.f32 $1.131370830e+01, v7  }
0x17b: {  	v1 =	vld [tilespmem:s13+$0x9C50];
	[tilespmem:s14+$0x15C60] =	vst v2;
	v2 =	vmul.f32 $1.131370830e+01, v5  }
0x17c: {  	v5 =	vld [tilespmem:s13+$0x9C60];
	v6 =	vmul.f32 $1.131370830e+01, v6;
	[tilespmem:s13+$0x15C70] =	vst v7  }
0x17d: {  	[tilespmem:s13+$0x15C00] =	vst v2;
	v2 =	vmul.f32 $1.131370830e+01, v4  }
0x17e: {  	[tilespmem:s13+$0x15C10] =	vst v6;
	v3 =	vmul.f32 $1.131370830e+01, v3  }
0x17f: {  	[tilespmem:s13+$0x15C20] =	vst v2;
	v0 =	vmul.f32 $1.131370830e+01, v0  }
0x180: {  	[tilespmem:s13+$0x15C30] =	vst v3;
	v1 =	vmul.f32 $1.131370830e+01, v1  }
0x181: {  	[tilespmem:s13+$0x15C40] =	vst v0;
	v0 =	vmul.f32 $1.131370830e+01, v5  }
0x182: {  	[tilespmem:s13+$0x15C50] =	vst v1  }
0x183: {  	s17 =	simm.s32 $0x0;
	s18 =	rddreg [dreg:$0x8];
	[tilespmem:s13+$0x15C60] =	vst v0  }
0x184: {  	[hbm4b:s18+s17] =	stream.linear.scatter [tilespmem:s0], [sflag:$0x6], $0x4000, $0x38;
	[tilespmem:$0x19C00] =	vst v63  }
0x185: {  	_ =	swait.ge [sflag:s30], $0x4000  }
0x186: {  	[sflag:s30] =	ssyncset.done $0x0  }
0x187: {  	[sflag:s30] =	ssyncadd.s32 $0xFFFFC000  }
0x188: {  	_ =	swait.ge [sflag:s25], $0x4000  }
0x189: {  	[sflag:s25] =	ssyncset.done $0x0  }
0x18a: {  	s14 =	simm.s32 $0x0;
	[sflag:s25] =	ssyncadd.s32 $0xFFFFC000  }
0x18b: {  	v1 =	vld [tilespmem:s14+$0x1C70]  }
0x18c: {  	v5 =	vld [tilespmem:s14+$0x1C00]  }
0x18d: {  	v6 =	vld [tilespmem:s14+$0x1C10]  }
0x18e: {  	v4 =	vld [tilespmem:s14+$0x1C20]  }
0x18f: {  	v3 =	vld [tilespmem:s14+$0x1C30]  }
0x190: {  	v0 =	vld [tilespmem:s14+$0x1C40];
	v7 =	vmul.f32 $1.131370830e+01, v1  }
0x191: {  	v1 =	vld [tilespmem:s14+$0x1C50];
	v5 =	vmul.f32 $1.131370830e+01, v5  }
0x192: {  	s15 =	simm.s32 $0x400;
	s13 =	simm.s32 $0x80;
	v2 =	vld [tilespmem:s14+$0x1C60];
	v6 =	vmul.f32 $1.131370830e+01, v6;
	[tilespmem:s14+$0xDC70] =	vst v7  }
.LBB2_22:
0x193: {  	p0 =	sne.s32 s15, $0xFE00;
	v7 =	vld [tilespmem:s13+$0x1C70];
	[tilespmem:s14+$0xDC00] =	vst v5;
	v4 =	vmul.f32 $1.131370830e+01, v4  }
0x194: {  	v5 =	vld [tilespmem:s13+$0x1C00];
	[tilespmem:s14+$0xDC10] =	vst v6;
	v3 =	vmul.f32 $1.131370830e+01, v3  }
0x195: {  	v6 =	vld [tilespmem:s13+$0x1C10];
	[tilespmem:s14+$0xDC20] =	vst v4;
	v0 =	vmul.f32 $1.131370830e+01, v0  }
.Ltmp10:
0x196: {  	v4 =	vld [tilespmem:s13+$0x1C20];
	[tilespmem:s14+$0xDC30] =	vst v3;
	v1 =	vmul.f32 $1.131370830e+01, v1;
	(pc) =	sbr.rel @p0 .LBB2_22-.Ltmp10, $4  }
0x197: {  	v3 =	vld [tilespmem:s13+$0x1C30];
	[tilespmem:s14+$0xDC40] =	vst v0;
	v2 =	vmul.f32 $1.131370830e+01, v2  }
0x198: {  	v0 =	vld [tilespmem:s13+$0x1C40];
	v7 =	vmul.f32 $1.131370830e+01, v7;
	[tilespmem:s14+$0xDC50] =	vst v1  }
0x199: {  	v5 =	vmul.f32 $1.131370830e+01, v5;
	v1 =	vld [tilespmem:s13+$0x1C50];
	[tilespmem:s14+$0xDC60] =	vst v2;
	s14 =	smov.u32 s13  }
0x19a: {  	s13 =	sshra.s32 s15, $0x2;
	s15 =	sadd.s32 $0x200, s15;
	v6 =	vmul.f32 $1.131370830e+01, v6;
	v2 =	vld [tilespmem:s14+$0x1C60];
	[tilespmem:s14+$0xDC70] =	vst v7  }
0x19b: {  	v7 =	vld [tilespmem:s13+$0x1C70];
	[tilespmem:s14+$0xDC00] =	vst v5;
	v4 =	vmul.f32 $1.131370830e+01, v4  }
0x19c: {  	v5 =	vld [tilespmem:s13+$0x1C00];
	[tilespmem:s14+$0xDC10] =	vst v6;
	v3 =	vmul.f32 $1.131370830e+01, v3  }
0x19d: {  	v6 =	vld [tilespmem:s13+$0x1C10];
	[tilespmem:s14+$0xDC20] =	vst v4;
	v0 =	vmul.f32 $1.131370830e+01, v0  }
0x19e: {  	v4 =	vld [tilespmem:s13+$0x1C20];
	[tilespmem:s14+$0xDC30] =	vst v3;
	v1 =	vmul.f32 $1.131370830e+01, v1  }
0x19f: {  	v3 =	vld [tilespmem:s13+$0x1C30];
	[tilespmem:s14+$0xDC40] =	vst v0;
	v2 =	vmul.f32 $1.131370830e+01, v2  }
0x1a0: {  	v0 =	vld [tilespmem:s13+$0x1C40];
	[tilespmem:s14+$0xDC50] =	vst v1;
	v7 =	vmul.f32 $1.131370830e+01, v7  }
0x1a1: {  	v1 =	vld [tilespmem:s13+$0x1C50];
	[tilespmem:s14+$0xDC60] =	vst v2;
	v2 =	vmul.f32 $1.131370830e+01, v5  }
0x1a2: {  	v5 =	vld [tilespmem:s13+$0x1C60];
	v6 =	vmul.f32 $1.131370830e+01, v6;
	[tilespmem:s13+$0xDC70] =	vst v7  }
0x1a3: {  	[tilespmem:s13+$0xDC00] =	vst v2;
	v2 =	vmul.f32 $1.131370830e+01, v4  }
0x1a4: {  	[tilespmem:s13+$0xDC10] =	vst v6;
	v3 =	vmul.f32 $1.131370830e+01, v3  }
0x1a5: {  	[tilespmem:s13+$0xDC20] =	vst v2;
	v0 =	vmul.f32 $1.131370830e+01, v0  }
0x1a6: {  	[tilespmem:s13+$0xDC30] =	vst v3;
	v1 =	vmul.f32 $1.131370830e+01, v1  }
0x1a7: {  	[tilespmem:s13+$0xDC40] =	vst v0;
	v0 =	vmul.f32 $1.131370830e+01, v5  }
0x1a8: {  	[tilespmem:s13+$0xDC50] =	vst v1  }
0x1a9: {  	s17 =	simm.s32 $0x0;
	s18 =	rddreg [dreg:$0x9];
	[tilespmem:s13+$0xDC60] =	vst v0  }
0x1aa: {  	[hbm4b:s18+s17] =	stream.linear.scatter [tilespmem:s31], [sflag:$0x4], $0x4000, $0x38;
	[tilespmem:$0x19C00] =	vst v63  }
0x1ab: {  	_ =	swait.ge [sflag:s1], $0x4000  }
0x1ac: {  	[sflag:s1] =	ssyncset.done $0x0  }
0x1ad: {  	[sflag:s1] =	ssyncadd.s32 $0xFFFFC000  }
0x1ae: {  	_ =	swait.ge [sflag:s9], $0x4000  }
0x1af: {  	[sflag:s9] =	ssyncset.done $0x0  }
0x1b0: {  	s14 =	simm.s32 $0x0;
	[sflag:s9] =	ssyncadd.s32 $0xFFFFC000  }
0x1b1: {  	v1 =	vld [tilespmem:s14+$0x5C70]  }
0x1b2: {  	v5 =	vld [tilespmem:s14+$0x5C00]  }
0x1b3: {  	v6 =	vld [tilespmem:s14+$0x5C10]  }
0x1b4: {  	v4 =	vld [tilespmem:s14+$0x5C20]  }
0x1b5: {  	v3 =	vld [tilespmem:s14+$0x5C30]  }
0x1b6: {  	v0 =	vld [tilespmem:s14+$0x5C40];
	v7 =	vmul.f32 $1.131370830e+01, v1  }
0x1b7: {  	v1 =	vld [tilespmem:s14+$0x5C50];
	v5 =	vmul.f32 $1.131370830e+01, v5  }
0x1b8: {  	s15 =	simm.s32 $0x400;
	s13 =	simm.s32 $0x80;
	v2 =	vld [tilespmem:s14+$0x5C60];
	v6 =	vmul.f32 $1.131370830e+01, v6;
	[tilespmem:s14+$0x11C70] =	vst v7  }
.LBB2_24:
0x1b9: {  	p0 =	sne.s32 s15, $0xFE00;
	v7 =	vld [tilespmem:s13+$0x5C70];
	[tilespmem:s14+$0x11C00] =	vst v5;
	v4 =	vmul.f32 $1.131370830e+01, v4  }
0x1ba: {  	v5 =	vld [tilespmem:s13+$0x5C00];
	[tilespmem:s14+$0x11C10] =	vst v6;
	v3 =	vmul.f32 $1.131370830e+01, v3  }
0x1bb: {  	v6 =	vld [tilespmem:s13+$0x5C10];
	[tilespmem:s14+$0x11C20] =	vst v4;
	v0 =	vmul.f32 $1.131370830e+01, v0  }
.Ltmp11:
0x1bc: {  	v4 =	vld [tilespmem:s13+$0x5C20];
	[tilespmem:s14+$0x11C30] =	vst v3;
	v1 =	vmul.f32 $1.131370830e+01, v1;
	(pc) =	sbr.rel @p0 .LBB2_24-.Ltmp11, $4  }
0x1bd: {  	v3 =	vld [tilespmem:s13+$0x5C30];
	[tilespmem:s14+$0x11C40] =	vst v0;
	v2 =	vmul.f32 $1.131370830e+01, v2  }
0x1be: {  	v0 =	vld [tilespmem:s13+$0x5C40];
	v7 =	vmul.f32 $1.131370830e+01, v7;
	[tilespmem:s14+$0x11C50] =	vst v1  }
0x1bf: {  	v5 =	vmul.f32 $1.131370830e+01, v5;
	v1 =	vld [tilespmem:s13+$0x5C50];
	[tilespmem:s14+$0x11C60] =	vst v2;
	s14 =	smov.u32 s13  }
0x1c0: {  	s13 =	sshra.s32 s15, $0x2;
	s15 =	sadd.s32 $0x200, s15;
	v6 =	vmul.f32 $1.131370830e+01, v6;
	v2 =	vld [tilespmem:s14+$0x5C60];
	[tilespmem:s14+$0x11C70] =	vst v7  }
0x1c1: {  	v7 =	vld [tilespmem:s13+$0x5C70];
	[tilespmem:s14+$0x11C00] =	vst v5;
	v4 =	vmul.f32 $1.131370830e+01, v4  }
0x1c2: {  	v5 =	vld [tilespmem:s13+$0x5C00];
	[tilespmem:s14+$0x11C10] =	vst v6;
	v3 =	vmul.f32 $1.131370830e+01, v3  }
0x1c3: {  	v6 =	vld [tilespmem:s13+$0x5C10];
	[tilespmem:s14+$0x11C20] =	vst v4;
	v0 =	vmul.f32 $1.131370830e+01, v0  }
0x1c4: {  	v4 =	vld [tilespmem:s13+$0x5C20];
	[tilespmem:s14+$0x11C30] =	vst v3;
	v1 =	vmul.f32 $1.131370830e+01, v1  }
0x1c5: {  	v3 =	vld [tilespmem:s13+$0x5C30];
	[tilespmem:s14+$0x11C40] =	vst v0;
	v2 =	vmul.f32 $1.131370830e+01, v2  }
0x1c6: {  	v0 =	vld [tilespmem:s13+$0x5C40];
	[tilespmem:s14+$0x11C50] =	vst v1;
	v7 =	vmul.f32 $1.131370830e+01, v7  }
0x1c7: {  	v1 =	vld [tilespmem:s13+$0x5C50];
	[tilespmem:s14+$0x11C60] =	vst v2;
	v60 =	vmul.f32 $1.131370830e+01, v5  }
0x1c8: {  	v61 =	vld [tilespmem:s13+$0x5C60];
	v6 =	vmul.f32 $1.131370830e+01, v6;
	[tilespmem:s13+$0x11C70] =	vst v7  }
0x1c9: {  	[tilespmem:s13+$0x11C00] =	vst v60;
	v62 =	vmul.f32 $1.131370830e+01, v4  }
0x1ca: {  	[tilespmem:s13+$0x11C10] =	vst v6;
	v3 =	vmul.f32 $1.131370830e+01, v3  }
0x1cb: {  	[tilespmem:s13+$0x11C20] =	vst v62;
	v0 =	vmul.f32 $1.131370830e+01, v0  }
0x1cc: {  	[tilespmem:s13+$0x11C30] =	vst v3;
	v1 =	vmul.f32 $1.131370830e+01, v1  }
0x1cd: {  	[tilespmem:s13+$0x11C40] =	vst v0;
	v63 =	vmul.f32 $1.131370830e+01, v61  }
0x1ce: {  	[tilespmem:s13+$0x11C50] =	vst v1  }
0x1cf: {  	s17 =	rddreg [dreg:$0xa];
	[tilespmem:s13+$0x11C60] =	vst v63  }
0x1d0: {  	[hbm4b:s17+s4] =	stream.linear.scatter [tilespmem:s23], [sflag:$0x5], $0x4000, $0x38;
	[tilespmem:$0x19C00] =	vst v63  }
0x1d1: {  	_ =	swait.ge [sflag:s29], $0x4000  }
0x1d2: {  	[sflag:s29] =	ssyncset.done $0x0  }
0x1d3: {  	[sflag:s29] =	ssyncadd.s32 $0xFFFFC000  }
0x1d4: {  	_ =	swait.ge [sflag:s25], $0x4000  }
0x1d5: {  	[sflag:s25] =	ssyncset.done $0x0  }
0x1d6: {  	[sflag:s25] =	ssyncadd.s32 $0xFFFFC000  }
0x1d7: {  	_ =	swait.ge [sflag:s9], $0x4000  }
0x1d8: {  	s10 =	sadd.s32 $0x1, s10;
	s18 =	rddreg [dreg:$0xb]  }
0x1d9: {  	p0 =	sne.s32 s10, s18  }
.Ltmp12:
0x1da: {  	_ = 	snop;
	(pc) =	sbr.rel @p0 .LBB2_1-.Ltmp12, $3  }
0x1db: {  	_ =	sdelay $0x1  }
0x1dc: {  	[sflag:s9] =	ssyncset.done $0x0  }
0x1dd: {  	[sflag:s9] =	ssyncadd.s32 $0xFFFFC000  }
0x1de: {  	_ =	sfence.sel $0x180000  }
0x1df: {  	[bflag:$0x0] =	sbarrier.arrive $0xFFFF  }
0x1e0: {  	_ =	strace $0x90000047  }
0x1e1: {  	s0 =	stileid.u32;
	[bflag:$0x2] =	sbarrier.arrive $0xFFFF  }
0x1e2: {  	p0 =	sne.s32 s0, $0x0;
	s0 =	rddreg [dreg:$0x3]  }
0x1e3: {  	s0 =	sadd.s32 @!p0 $0x100000, s0  }
0x1e4: {  	[sflag:s0] =	ssyncadd.tile.s32 @!p0 $0x1;
	_ =	shalt  }
.Lfunc_end2:
_tile_overlayer_lowered:
.L_overlay_start_2:
0x1e5: {  	(tag) =	ssettag $0x2  }
0x1e6: {  	s0 =	rddreg [dreg:$0x0];
	s2 =	stileid.u32  }
0x1e7: {  	s1 =	rddreg [dreg:$0x1];
	p0 =	sne.s32 s2, $0x0  }
0x1e8: {  	s3 =	rddreg [dreg:$0x2];
	[bflag:$0x3] =	sbarrier.arrive $0xFFFF;
	s2 =	simm.s32 @!p0 $0x1C07  }
0x1e9: {  	[timem:s3], [sflag:s2] =	dma.local @!p0 [hbm:s0], s1  }
0x1ea: {  	s0 =	simm.s32 @!p0 $0x7  }
0x1eb: {  	_ =	swait.ge @!p0 [sflag:s0], s1  }
0x1ec: {  	s1 =	ssub.s32 @!p0 $0x0, s1;
	[sflag:s0] =	ssyncset.done @!p0 $0x0  }
0x1ed: {  	[sflag:s0] =	ssyncadd.s32 @!p0 s1  }
0x1ee: {  	[bflag:$0x3] =	sbarrier.arrive $0xFFFF  }
0x1ef: {  	_ =	shalt  }

</sc_bundles>
